<compile_context>
chip_gen: v7x
topology: tpu7x:2x2x1
jax: 0.10.2.dev20260603
libtpu: 0.0.44.dev20260713+nightly
codegen_flags: <defaults>
</compile_context>

<pallas_src>
import functools

import jax
import jax.numpy as jnp
from jax import lax
from jax.experimental import pallas as pl
from jax.experimental.pallas import tpu as pltpu
from jax.experimental.pallas import tpu_sc as plsc

_B, _N = 4096, 200
_L = 16
_U = 8
_JSPLIT = 104
_LN2 = 0.6931471805599453
_P0 = -1.6489923647538358
_P1 = 1.9949032748081201
_P2 = -0.3368818483943764


def _make_sc_kernel():
    info = plsc.get_sparse_core_info()
    nc, ns = info.num_cores, info.num_subcores
    nw = nc * ns
    rows_per_w = _B // nw
    n_pairs = rows_per_w // (2 * _L)
    mesh = plsc.VectorSubcoreMesh(core_axis_name="c", subcore_axis_name="s")

    @functools.partial(
        pl.kernel,
        out_type=jax.ShapeDtypeStruct((_B,), jnp.float32),
        mesh=mesh,
        compiler_params=pltpu.CompilerParams(needs_layout_passes=False),
        scratch_types=[
            pltpu.VMEM((_N, 128), jnp.float32),
            pltpu.VMEM((_N, 128), jnp.int32),
            pltpu.VMEM((_N, 128), jnp.int32),
            pltpu.VMEM((_L * _N,), jnp.float32),
            pltpu.VMEM((_L * _N,), jnp.float32),
            pltpu.VMEM((2, _L), jnp.float32),
            pltpu.SemaphoreType.DMA((4,)),
        ],
    )
    def sc_kernel(scores_hbm, ptm_hbm, pt_hbm, out_hbm,
                  sc_v, ptm_v, pt_v, f0_v, f1_v, out_v, sems):
        wid = lax.axis_index("s") * nc + lax.axis_index("c")
        base_col = pl.multiple_of(wid * rows_per_w, 128)
        iota = lax.iota(jnp.int32, _L)
        row_base = iota * _N

        cols = pl.ds(base_col, 128)
        seg_a = pl.ds(0, _JSPLIT)
        seg_b = pl.ds(_JSPLIT, _N - _JSPLIT)
        seg_c = pl.ds(_N - _JSPLIT, _JSPLIT)
        seg_d = pl.ds(0, _N - _JSPLIT)
        fetches = (
            (scores_hbm.at[seg_a, cols], sc_v.at[seg_a], 0),
            (pt_hbm.at[seg_a, cols], pt_v.at[seg_a], 0),
            (scores_hbm.at[seg_b, cols], sc_v.at[seg_b], 1),
            (pt_hbm.at[seg_b, cols], pt_v.at[seg_b], 1),
            (ptm_hbm.at[seg_c, cols], ptm_v.at[seg_c], 2),
            (ptm_hbm.at[seg_d, cols], ptm_v.at[seg_d], 3),
        )
        for src, dst, si in fetches:
            pltpu.async_copy(src, dst, sems.at[si])

        def wait_sem(si):
            for src, dst, fsi in fetches:
                if fsi == si:
                    pltpu.make_async_copy(src, dst, sems.at[si]).wait()

        def log2_terms(c):
            bits = plsc.bitcast(c, jnp.int32)
            e_raw = bits >> 23
            mant = plsc.bitcast(
                (bits & jnp.int32(0x007FFFFF)) | jnp.int32(0x3F800000),
                jnp.float32)
            p = _P0 + mant * (_P1 + mant * _P2)
            return e_raw, p

        def do_pair(pi, _):
            fs = (f0_v, f1_v)
            c0s = [pi * 2 * _L, pi * 2 * _L + _L]

            def loop_a(i, carry):
                vsum0, vsum1 = carry
                j0 = i * _U
                vs = [[sc_v[j0 + u, pl.ds(c0s[gi], _L)] for u in range(_U)]
                      for gi in range(2)]
                addrs = [[row_base + pt_v[j0 + u, pl.ds(c0s[gi], _L)]
                          for u in range(_U)] for gi in range(2)]
                for gi in range(2):
                    es = [jnp.exp(v) for v in vs[gi]]
                    for u in range(_U):
                        plsc.store_scatter(fs[gi], [addrs[gi][u]], es[u])
                for u in range(_U):
                    vsum0 = vsum0 + vs[0][u]
                    vsum1 = vsum1 + vs[1][u]
                return vsum0, vsum1

            zero = jnp.zeros((_L,), jnp.float32)
            @pl.when(pi == 0)
            def _():
                wait_sem(0)
            carry_a = lax.fori_loop(0, _JSPLIT // _U, loop_a, (zero, zero))
            @pl.when(pi == 0)
            def _():
                wait_sem(1)
            vsum0, vsum1 = lax.fori_loop(_JSPLIT // _U, _N // _U, loop_a, carry_a)

            def loop_b(i, carry):
                c0, c1, ve0, ve1, vp0, vp1 = carry
                j0 = (_N // _U - 1 - i) * _U
                addrs = [[row_base + ptm_v[j0 + u, pl.ds(c0s[gi], _L)]
                          for u in range(_U)] for gi in range(2)]
                gs = [[plsc.load_gather(fs[gi], [addrs[gi][u]])
                       for u in range(_U)] for gi in range(2)]
                for u in range(_U - 1, -1, -1):
                    c0 = c0 + gs[0][u]
                    e_raw, p = log2_terms(c0)
                    ve0 = ve0 + e_raw
                    vp0 = vp0 + p
                    c1 = c1 + gs[1][u]
                    e_raw, p = log2_terms(c1)
                    ve1 = ve1 + e_raw
                    vp1 = vp1 + p
                return c0, c1, ve0, ve1, vp0, vp1

            izero = jnp.zeros((_L,), jnp.int32)
            @pl.when(pi == 0)
            def _():
                wait_sem(2)
            carry_b = lax.fori_loop(0, _JSPLIT // _U, loop_b,
                                    (zero, zero, izero, izero, zero, zero))
            @pl.when(pi == 0)
            def _():
                wait_sem(3)
            c0, c1, ve0, ve1, vp0, vp1 = lax.fori_loop(
                _JSPLIT // _U, _N // _U, loop_b, carry_b)

            bias = jnp.float32(127 * _N)
            out_v[0] = vsum0 - jnp.float32(_LN2) * ((ve0.astype(jnp.float32) - bias) + vp0)
            out_v[1] = vsum1 - jnp.float32(_LN2) * ((ve1.astype(jnp.float32) - bias) + vp1)
            for gi in range(2):
                col0 = base_col + pi * 2 * _L + gi * _L
                pltpu.sync_copy(out_v.at[gi], out_hbm.at[pl.ds(col0, _L)])
            return 0

        lax.fori_loop(0, n_pairs, do_pair, 0)

    return sc_kernel


def kernel(scores, perm_tm1, perm_t):
    return _make_sc_kernel()(scores.T, perm_tm1.T, perm_t.T)

# --- scband reference (transcript-rebuilt; emitter-appended) ---
"""Pipeline reference for scband-diffusion-utils-22978075033737 (READ-ONLY COPY).

The authoritative reference and input builder live on the scoring server;
editing this copy changes nothing except your own understanding.
"""

import jax, jax.numpy as jnp
import numpy as np

B, N = 4096, 200

def setup_inputs(seed: int = 0) -> dict:
    key = jax.random.key(seed)
    k1, k2, k3 = jax.random.split(key, 3)
    scores = jax.random.normal(k1, (B, N), dtype=jnp.float32)
    # valid random permutations per batch row
    perm_tm1 = jnp.argsort(jax.random.uniform(k2, (B, N)), axis=-1).astype(jnp.int32)
    perm_t = jnp.argsort(jax.random.uniform(k3, (B, N)), axis=-1).astype(jnp.int32)
    return {"scores": scores, "perm_tm1": perm_tm1, "perm_t": perm_t}

def _pl_log_prob(scores, sigma):
    # Plackett-Luce log-probability of selection order sigma under scores.
    # log p = sum_i [ s[sigma_i] - logsumexp_{j>=i} s[sigma_j] ]
    s = jnp.take_along_axis(scores, sigma, axis=-1)
    rev = s[..., ::-1]
    m = jnp.max(rev, axis=-1, keepdims=True)
    logZ_rev = jnp.log(jnp.cumsum(jnp.exp(rev - m), axis=-1)) + m
    logZ = logZ_rev[..., ::-1]
    return jnp.sum(s - logZ, axis=-1)

def reference(scores, perm_tm1, perm_t):
    """DiffusionUtils.p_log_cond_prob with reverse='PL' (PL.log_prob_perms).
    Computes log p_theta(perm_tm1 | perm_t) under a Plackett-Luce model:
    the relative permutation sigma satisfies perm_tm1[i] = perm_t[sigma[i]],
    i.e. sigma = inv(perm_t)[perm_tm1]; PL log-prob of sigma given scores.
    Returns shape [B].
    """
    inv_perm_t = jnp.argsort(perm_t, axis=-1)  # inverse of a valid permutation
    sigma = jnp.take_along_axis(inv_perm_t, perm_tm1, axis=-1)
    return _pl_log_prob(scores, sigma)

if __name__ == "__main__":
    import jax
    _d = setup_inputs()
    print(jax.jit(kernel)(*tuple(_d.values())))

</pallas_src>

<mosaic_0001>
#map = affine_map<(d0, d1) -> (0, 0)>
#map1 = affine_map<(d0, d1) -> (0)>
module attributes {stable_mosaic.version = 14 : i64} {
  func.func @sc_kernel(%arg0: i32, %arg1: i32, %arg2: memref<200x4096xf32, #tpu.memory_space<hbm>>, %arg3: memref<200x4096xi32, #tpu.memory_space<hbm>>, %arg4: memref<200x4096xi32, #tpu.memory_space<hbm>>, %arg5: memref<4096xf32, #tpu.memory_space<hbm>>, %arg6: memref<200x128xf32, #tpu.memory_space<vmem>>, %arg7: memref<200x128xi32, #tpu.memory_space<vmem>>, %arg8: memref<200x128xi32, #tpu.memory_space<vmem>>, %arg9: memref<3200xf32, #tpu.memory_space<vmem>>, %arg10: memref<3200xf32, #tpu.memory_space<vmem>>, %arg11: memref<2x16xf32, #tpu.memory_space<vmem>>, %arg12: memref<4x!tpu.dma_semaphore, #tpu.memory_space<semaphore_mem>>) attributes {dimension_semantics = [#tpu.dimension_semantics<core_parallel>, #tpu.dimension_semantics<subcore_parallel>], iteration_bounds = array<i64: 2, 16>, scalar_prefetch = 0 : i64, scratch_operands = 7 : i64, tpu.core_type = #tpu.core_type<sc_vector_subcore>, window_params = [{transform_indices = #map}, {transform_indices = #map}, {transform_indices = #map}, {transform_indices = #map1}]} {
    %mul3A = arith.constant 2 : i32
    %mul3A_0 = arith.muli %arg1, %mul3A : i32
    %add3A = arith.addi %mul3A_0, %arg0 : i32
    %mul3A_1 = arith.constant 128 : i32
    %mul3A_2 = arith.muli %add3A, %mul3A_1 : i32
    %multiple_of3A = tpu.assume_multiple %mul3A_2, 128 : i32
    %iota3A = tpu.iota {dimensions = array<i32: 0>} : vector<16xi32>
    %mul3A_3 = arith.constant 200 : i32
    %mul3A_4 = vector.broadcast %mul3A_3 : i32 to vector<16xi32>
    %mul3A_5 = arith.muli %iota3A, %mul3A_4 : vector<16xi32>
    %dma_start3A = arith.constant 0 : i32
    %dma_start3A_6 = arith.constant 0 : i32
    %dma_start3A_7 = arith.constant 0 : i32
    %dma_start3A_8 = tpu.memref_slice %arg6[%dma_start3A_6, %dma_start3A_7] : memref<200x128xf32, #tpu.memory_space<vmem>> -> memref<104x128xf32, #tpu.memory_space<vmem>>
    %dma_start3A_9 = arith.constant 0 : i32
    %dma_start3A_10 = tpu.memref_slice %arg2[%dma_start3A_9, %multiple_of3A] : memref<200x4096xf32, #tpu.memory_space<hbm>> -> memref<104x128xf32, #tpu.memory_space<hbm>>
    %dma_start3A_11 = tpu.memref_slice %arg12[%dma_start3A] : memref<4x!tpu.dma_semaphore, #tpu.memory_space<semaphore_mem>> -> memref<1x!tpu.dma_semaphore, #tpu.memory_space<semaphore_mem>>
    %dma_start3A_12 = tpu.memref_squeeze %dma_start3A_11 : memref<1x!tpu.dma_semaphore, #tpu.memory_space<semaphore_mem>> -> memref<!tpu.dma_semaphore, #tpu.memory_space<semaphore_mem>>
    %dma_start3A_13 = arith.constant 0 : i32
    %dma_start3A_14 = arith.constant 0 : i32
    %dma_start3A_15 = tpu.memref_slice %arg6[%dma_start3A_13, %dma_start3A_14] : memref<200x128xf32, #tpu.memory_space<vmem>> -> memref<104x128xf32, #tpu.memory_space<vmem>>
    %dma_start3A_16 = arith.constant 0 : i32
    %dma_start3A_17 = tpu.memref_slice %arg2[%dma_start3A_16, %multiple_of3A] : memref<200x4096xf32, #tpu.memory_space<hbm>> -> memref<104x128xf32, #tpu.memory_space<hbm>>
    tpu.enqueue_dma source(%dma_start3A_17 : memref<104x128xf32, #tpu.memory_space<hbm>>) target(%dma_start3A_15 : memref<104x128xf32, #tpu.memory_space<vmem>>) target_semaphore(%dma_start3A_12 : memref<!tpu.dma_semaphore, #tpu.memory_space<semaphore_mem>>)
    %dma_start3A_18 = arith.constant 0 : i32
    %dma_start3A_19 = arith.constant 0 : i32
    %dma_start3A_20 = arith.constant 0 : i32
    %dma_start3A_21 = tpu.memref_slice %arg8[%dma_start3A_19, %dma_start3A_20] : memref<200x128xi32, #tpu.memory_space<vmem>> -> memref<104x128xi32, #tpu.memory_space<vmem>>
    %dma_start3A_22 = arith.constant 0 : i32
    %dma_start3A_23 = tpu.memref_slice %arg4[%dma_start3A_22, %multiple_of3A] : memref<200x4096xi32, #tpu.memory_space<hbm>> -> memref<104x128xi32, #tpu.memory_space<hbm>>
    %dma_start3A_24 = tpu.memref_slice %arg12[%dma_start3A_18] : memref<4x!tpu.dma_semaphore, #tpu.memory_space<semaphore_mem>> -> memref<1x!tpu.dma_semaphore, #tpu.memory_space<semaphore_mem>>
    %dma_start3A_25 = tpu.memref_squeeze %dma_start3A_24 : memref<1x!tpu.dma_semaphore, #tpu.memory_space<semaphore_mem>> -> memref<!tpu.dma_semaphore, #tpu.memory_space<semaphore_mem>>
    %dma_start3A_26 = arith.constant 0 : i32
    %dma_start3A_27 = arith.constant 0 : i32
    %dma_start3A_28 = tpu.memref_slice %arg8[%dma_start3A_26, %dma_start3A_27] : memref<200x128xi32, #tpu.memory_space<vmem>> -> memref<104x128xi32, #tpu.memory_space<vmem>>
    %dma_start3A_29 = arith.constant 0 : i32
    %dma_start3A_30 = tpu.memref_slice %arg4[%dma_start3A_29, %multiple_of3A] : memref<200x4096xi32, #tpu.memory_space<hbm>> -> memref<104x128xi32, #tpu.memory_space<hbm>>
    tpu.enqueue_dma source(%dma_start3A_30 : memref<104x128xi32, #tpu.memory_space<hbm>>) target(%dma_start3A_28 : memref<104x128xi32, #tpu.memory_space<vmem>>) target_semaphore(%dma_start3A_25 : memref<!tpu.dma_semaphore, #tpu.memory_space<semaphore_mem>>)
    %dma_start3A_31 = arith.constant 1 : i32
    %dma_start3A_32 = arith.constant 104 : i32
    %dma_start3A_33 = arith.constant 0 : i32
    %dma_start3A_34 = tpu.memref_slice %arg6[%dma_start3A_32, %dma_start3A_33] : memref<200x128xf32, #tpu.memory_space<vmem>> -> memref<96x128xf32, #tpu.memory_space<vmem>>
    %dma_start3A_35 = arith.constant 104 : i32
    %dma_start3A_36 = tpu.memref_slice %arg2[%dma_start3A_35, %multiple_of3A] : memref<200x4096xf32, #tpu.memory_space<hbm>> -> memref<96x128xf32, #tpu.memory_space<hbm>>
    %dma_start3A_37 = tpu.memref_slice %arg12[%dma_start3A_31] : memref<4x!tpu.dma_semaphore, #tpu.memory_space<semaphore_mem>> -> memref<1x!tpu.dma_semaphore, #tpu.memory_space<semaphore_mem>>
    %dma_start3A_38 = tpu.memref_squeeze %dma_start3A_37 : memref<1x!tpu.dma_semaphore, #tpu.memory_space<semaphore_mem>> -> memref<!tpu.dma_semaphore, #tpu.memory_space<semaphore_mem>>
    %dma_start3A_39 = arith.constant 104 : i32
    %dma_start3A_40 = arith.constant 0 : i32
    %dma_start3A_41 = tpu.memref_slice %arg6[%dma_start3A_39, %dma_start3A_40] : memref<200x128xf32, #tpu.memory_space<vmem>> -> memref<96x128xf32, #tpu.memory_space<vmem>>
    %dma_start3A_42 = arith.constant 104 : i32
    %dma_start3A_43 = tpu.memref_slice %arg2[%dma_start3A_42, %multiple_of3A] : memref<200x4096xf32, #tpu.memory_space<hbm>> -> memref<96x128xf32, #tpu.memory_space<hbm>>
    tpu.enqueue_dma source(%dma_start3A_43 : memref<96x128xf32, #tpu.memory_space<hbm>>) target(%dma_start3A_41 : memref<96x128xf32, #tpu.memory_space<vmem>>) target_semaphore(%dma_start3A_38 : memref<!tpu.dma_semaphore, #tpu.memory_space<semaphore_mem>>)
    %dma_start3A_44 = arith.constant 1 : i32
    %dma_start3A_45 = arith.constant 104 : i32
    %dma_start3A_46 = arith.constant 0 : i32
    %dma_start3A_47 = tpu.memref_slice %arg8[%dma_start3A_45, %dma_start3A_46] : memref<200x128xi32, #tpu.memory_space<vmem>> -> memref<96x128xi32, #tpu.memory_space<vmem>>
    %dma_start3A_48 = arith.constant 104 : i32
    %dma_start3A_49 = tpu.memref_slice %arg4[%dma_start3A_48, %multiple_of3A] : memref<200x4096xi32, #tpu.memory_space<hbm>> -> memref<96x128xi32, #tpu.memory_space<hbm>>
    %dma_start3A_50 = tpu.memref_slice %arg12[%dma_start3A_44] : memref<4x!tpu.dma_semaphore, #tpu.memory_space<semaphore_mem>> -> memref<1x!tpu.dma_semaphore, #tpu.memory_space<semaphore_mem>>
    %dma_start3A_51 = tpu.memref_squeeze %dma_start3A_50 : memref<1x!tpu.dma_semaphore, #tpu.memory_space<semaphore_mem>> -> memref<!tpu.dma_semaphore, #tpu.memory_space<semaphore_mem>>
    %dma_start3A_52 = arith.constant 104 : i32
    %dma_start3A_53 = arith.constant 0 : i32
    %dma_start3A_54 = tpu.memref_slice %arg8[%dma_start3A_52, %dma_start3A_53] : memref<200x128xi32, #tpu.memory_space<vmem>> -> memref<96x128xi32, #tpu.memory_space<vmem>>
    %dma_start3A_55 = arith.constant 104 : i32
    %dma_start3A_56 = tpu.memref_slice %arg4[%dma_start3A_55, %multiple_of3A] : memref<200x4096xi32, #tpu.memory_space<hbm>> -> memref<96x128xi32, #tpu.memory_space<hbm>>
    tpu.enqueue_dma source(%dma_start3A_56 : memref<96x128xi32, #tpu.memory_space<hbm>>) target(%dma_start3A_54 : memref<96x128xi32, #tpu.memory_space<vmem>>) target_semaphore(%dma_start3A_51 : memref<!tpu.dma_semaphore, #tpu.memory_space<semaphore_mem>>)
    %dma_start3A_57 = arith.constant 2 : i32
    %dma_start3A_58 = arith.constant 96 : i32
    %dma_start3A_59 = arith.constant 0 : i32
    %dma_start3A_60 = tpu.memref_slice %arg7[%dma_start3A_58, %dma_start3A_59] : memref<200x128xi32, #tpu.memory_space<vmem>> -> memref<104x128xi32, #tpu.memory_space<vmem>>
    %dma_start3A_61 = arith.constant 96 : i32
    %dma_start3A_62 = tpu.memref_slice %arg3[%dma_start3A_61, %multiple_of3A] : memref<200x4096xi32, #tpu.memory_space<hbm>> -> memref<104x128xi32, #tpu.memory_space<hbm>>
    %dma_start3A_63 = tpu.memref_slice %arg12[%dma_start3A_57] : memref<4x!tpu.dma_semaphore, #tpu.memory_space<semaphore_mem>> -> memref<1x!tpu.dma_semaphore, #tpu.memory_space<semaphore_mem>>
    %dma_start3A_64 = tpu.memref_squeeze %dma_start3A_63 : memref<1x!tpu.dma_semaphore, #tpu.memory_space<semaphore_mem>> -> memref<!tpu.dma_semaphore, #tpu.memory_space<semaphore_mem>>
    %dma_start3A_65 = arith.constant 96 : i32
    %dma_start3A_66 = arith.constant 0 : i32
    %dma_start3A_67 = tpu.memref_slice %arg7[%dma_start3A_65, %dma_start3A_66] : memref<200x128xi32, #tpu.memory_space<vmem>> -> memref<104x128xi32, #tpu.memory_space<vmem>>
    %dma_start3A_68 = arith.constant 96 : i32
    %dma_start3A_69 = tpu.memref_slice %arg3[%dma_start3A_68, %multiple_of3A] : memref<200x4096xi32, #tpu.memory_space<hbm>> -> memref<104x128xi32, #tpu.memory_space<hbm>>
    tpu.enqueue_dma source(%dma_start3A_69 : memref<104x128xi32, #tpu.memory_space<hbm>>) target(%dma_start3A_67 : memref<104x128xi32, #tpu.memory_space<vmem>>) target_semaphore(%dma_start3A_64 : memref<!tpu.dma_semaphore, #tpu.memory_space<semaphore_mem>>)
    %dma_start3A_70 = arith.constant 3 : i32
    %dma_start3A_71 = arith.constant 0 : i32
    %dma_start3A_72 = arith.constant 0 : i32
    %dma_start3A_73 = tpu.memref_slice %arg7[%dma_start3A_71, %dma_start3A_72] : memref<200x128xi32, #tpu.memory_space<vmem>> -> memref<96x128xi32, #tpu.memory_space<vmem>>
    %dma_start3A_74 = arith.constant 0 : i32
    %dma_start3A_75 = tpu.memref_slice %arg3[%dma_start3A_74, %multiple_of3A] : memref<200x4096xi32, #tpu.memory_space<hbm>> -> memref<96x128xi32, #tpu.memory_space<hbm>>
    %dma_start3A_76 = tpu.memref_slice %arg12[%dma_start3A_70] : memref<4x!tpu.dma_semaphore, #tpu.memory_space<semaphore_mem>> -> memref<1x!tpu.dma_semaphore, #tpu.memory_space<semaphore_mem>>
    %dma_start3A_77 = tpu.memref_squeeze %dma_start3A_76 : memref<1x!tpu.dma_semaphore, #tpu.memory_space<semaphore_mem>> -> memref<!tpu.dma_semaphore, #tpu.memory_space<semaphore_mem>>
    %dma_start3A_78 = arith.constant 0 : i32
    %dma_start3A_79 = arith.constant 0 : i32
    %dma_start3A_80 = tpu.memref_slice %arg7[%dma_start3A_78, %dma_start3A_79] : memref<200x128xi32, #tpu.memory_space<vmem>> -> memref<96x128xi32, #tpu.memory_space<vmem>>
    %dma_start3A_81 = arith.constant 0 : i32
    %dma_start3A_82 = tpu.memref_slice %arg3[%dma_start3A_81, %multiple_of3A] : memref<200x4096xi32, #tpu.memory_space<hbm>> -> memref<96x128xi32, #tpu.memory_space<hbm>>
    tpu.enqueue_dma source(%dma_start3A_82 : memref<96x128xi32, #tpu.memory_space<hbm>>) target(%dma_start3A_80 : memref<96x128xi32, #tpu.memory_space<vmem>>) target_semaphore(%dma_start3A_77 : memref<!tpu.dma_semaphore, #tpu.memory_space<semaphore_mem>>)
    %scan3A = arith.constant 0 : i32
    %scan3A_83 = arith.constant 0 : i32
    %scan3A_84 = arith.constant 4 : i32
    %scan3A_85 = arith.addi %scan3A_83, %scan3A_84 : i32
    %scan3A_86 = arith.constant 1 : i32
    %scan3A_87 = scf.for %scan3A_89 = %scan3A_83 to %scan3A_85 step %scan3A_86 iter_args(%scan3A_90 = %scan3A) -> (i32)  : i32 {
      %mul3A_91 = arith.constant 2 : i32
      %mul3A_92 = arith.muli %scan3A_89, %mul3A_91 : i32
      %mul3A_93 = arith.constant 16 : i32
      %mul3A_94 = arith.muli %mul3A_92, %mul3A_93 : i32
      %mul3A_95 = arith.constant 2 : i32
      %mul3A_96 = arith.muli %scan3A_89, %mul3A_95 : i32
      %mul3A_97 = arith.constant 16 : i32
      %mul3A_98 = arith.muli %mul3A_96, %mul3A_97 : i32
      %add3A_99 = arith.constant 16 : i32
      %add3A_100 = arith.addi %mul3A_98, %add3A_99 : i32
      %broadcast_in_dim3A = arith.constant 0.000000e+00 : f32
      %broadcast_in_dim3A_101 = vector.broadcast %broadcast_in_dim3A : f32 to vector<16xf32>
      %eq3A = arith.constant 0 : i32
      %eq3A_102 = arith.cmpi eq, %scan3A_89, %eq3A : i32
      %convert_element_type3A = arith.extui %eq3A_102 : i1 to i32
      %cond3A = arith.constant 0 : i32
      %cond3A_103 = arith.cmpi ne, %convert_element_type3A, %cond3A : i32
      scf.if %cond3A_103 {
        %dma_wait3A = arith.constant 0 : i32
        %dma_wait3A_185 = arith.constant 0 : i32
        %dma_wait3A_186 = arith.constant 0 : i32
        %dma_wait3A_187 = tpu.memref_slice %arg6[%dma_wait3A_185, %dma_wait3A_186] : memref<200x128xf32, #tpu.memory_space<vmem>> -> memref<104x128xf32, #tpu.memory_space<vmem>>
        %dma_wait3A_188 = arith.constant 0 : i32
        %dma_wait3A_189 = tpu.memref_slice %arg2[%dma_wait3A_188, %multiple_of3A] : memref<200x4096xf32, #tpu.memory_space<hbm>> -> memref<104x128xf32, #tpu.memory_space<hbm>>
        %dma_wait3A_190 = tpu.memref_slice %arg12[%dma_wait3A] : memref<4x!tpu.dma_semaphore, #tpu.memory_space<semaphore_mem>> -> memref<1x!tpu.dma_semaphore, #tpu.memory_space<semaphore_mem>>
        %dma_wait3A_191 = tpu.memref_squeeze %dma_wait3A_190 : memref<1x!tpu.dma_semaphore, #tpu.memory_space<semaphore_mem>> -> memref<!tpu.dma_semaphore, #tpu.memory_space<semaphore_mem>>
        %dma_wait3A_192 = arith.constant 0 : i32
        %dma_wait3A_193 = arith.constant 0 : i32
        %dma_wait3A_194 = tpu.memref_slice %arg6[%dma_wait3A_192, %dma_wait3A_193] : memref<200x128xf32, #tpu.memory_space<vmem>> -> memref<104x128xf32, #tpu.memory_space<vmem>>
        %dma_wait3A_195 = arith.constant 0 : i32
        %dma_wait3A_196 = tpu.memref_slice %arg2[%dma_wait3A_195, %multiple_of3A] : memref<200x4096xf32, #tpu.memory_space<hbm>> -> memref<104x128xf32, #tpu.memory_space<hbm>>
        tpu.wait_dma2 semaphore(%dma_wait3A_191 : memref<!tpu.dma_semaphore, #tpu.memory_space<semaphore_mem>>) src(%dma_wait3A_196 : memref<104x128xf32, #tpu.memory_space<hbm>>) dst(%dma_wait3A_194 : memref<104x128xf32, #tpu.memory_space<vmem>>)
        %dma_wait3A_197 = arith.constant 0 : i32
        %dma_wait3A_198 = arith.constant 0 : i32
        %dma_wait3A_199 = arith.constant 0 : i32
        %dma_wait3A_200 = tpu.memref_slice %arg8[%dma_wait3A_198, %dma_wait3A_199] : memref<200x128xi32, #tpu.memory_space<vmem>> -> memref<104x128xi32, #tpu.memory_space<vmem>>
        %dma_wait3A_201 = arith.constant 0 : i32
        %dma_wait3A_202 = tpu.memref_slice %arg4[%dma_wait3A_201, %multiple_of3A] : memref<200x4096xi32, #tpu.memory_space<hbm>> -> memref<104x128xi32, #tpu.memory_space<hbm>>
        %dma_wait3A_203 = tpu.memref_slice %arg12[%dma_wait3A_197] : memref<4x!tpu.dma_semaphore, #tpu.memory_space<semaphore_mem>> -> memref<1x!tpu.dma_semaphore, #tpu.memory_space<semaphore_mem>>
        %dma_wait3A_204 = tpu.memref_squeeze %dma_wait3A_203 : memref<1x!tpu.dma_semaphore, #tpu.memory_space<semaphore_mem>> -> memref<!tpu.dma_semaphore, #tpu.memory_space<semaphore_mem>>
        %dma_wait3A_205 = arith.constant 0 : i32
        %dma_wait3A_206 = arith.constant 0 : i32
        %dma_wait3A_207 = tpu.memref_slice %arg8[%dma_wait3A_205, %dma_wait3A_206] : memref<200x128xi32, #tpu.memory_space<vmem>> -> memref<104x128xi32, #tpu.memory_space<vmem>>
        %dma_wait3A_208 = arith.constant 0 : i32
        %dma_wait3A_209 = tpu.memref_slice %arg4[%dma_wait3A_208, %multiple_of3A] : memref<200x4096xi32, #tpu.memory_space<hbm>> -> memref<104x128xi32, #tpu.memory_space<hbm>>
        tpu.wait_dma2 semaphore(%dma_wait3A_204 : memref<!tpu.dma_semaphore, #tpu.memory_space<semaphore_mem>>) src(%dma_wait3A_209 : memref<104x128xi32, #tpu.memory_space<hbm>>) dst(%dma_wait3A_207 : memref<104x128xi32, #tpu.memory_space<vmem>>)
      } else {
      }
      %scan3A_104 = arith.constant 0 : i32
      %scan3A_105 = arith.constant 13 : i32
      %scan3A_106 = arith.addi %scan3A_104, %scan3A_105 : i32
      %scan3A_107 = arith.constant 1 : i32
      %scan3A_108:2 = scf.for %scan3A_185 = %scan3A_104 to %scan3A_106 step %scan3A_107 iter_args(%scan3A_186 = %broadcast_in_dim3A_101, %scan3A_187 = %broadcast_in_dim3A_101) -> (vector<16xf32>, vector<16xf32>)  : i32 {
        %mul3A_188 = arith.constant 8 : i32
        %mul3A_189 = arith.muli %scan3A_185, %mul3A_188 : i32
        %add3A_190 = arith.constant 0 : i32
        %add3A_191 = arith.addi %mul3A_189, %add3A_190 : i32
        %get3A = arith.index_cast %add3A_191 : i32 to index
        %get3A_192 = arith.index_cast %mul3A_94 : i32 to index
        %get3A_193 = tpu.vector_load %arg6[%get3A, %get3A_192] {strides = array<i32>} : memref<200x128xf32, #tpu.memory_space<vmem>>, vector<16xf32>,
        %add3A_194 = arith.constant 1 : i32
        %add3A_195 = arith.addi %mul3A_189, %add3A_194 : i32
        %get3A_196 = arith.index_cast %add3A_195 : i32 to index
        %get3A_197 = arith.index_cast %mul3A_94 : i32 to index
        %get3A_198 = tpu.vector_load %arg6[%get3A_196, %get3A_197] {strides = array<i32>} : memref<200x128xf32, #tpu.memory_space<vmem>>, vector<16xf32>,
        %add3A_199 = arith.constant 2 : i32
        %add3A_200 = arith.addi %mul3A_189, %add3A_199 : i32
        %get3A_201 = arith.index_cast %add3A_200 : i32 to index
        %get3A_202 = arith.index_cast %mul3A_94 : i32 to index
        %get3A_203 = tpu.vector_load %arg6[%get3A_201, %get3A_202] {strides = array<i32>} : memref<200x128xf32, #tpu.memory_space<vmem>>, vector<16xf32>,
        %add3A_204 = arith.constant 3 : i32
        %add3A_205 = arith.addi %mul3A_189, %add3A_204 : i32
        %get3A_206 = arith.index_cast %add3A_205 : i32 to index
        %get3A_207 = arith.index_cast %mul3A_94 : i32 to index
        %get3A_208 = tpu.vector_load %arg6[%get3A_206, %get3A_207] {strides = array<i32>} : memref<200x128xf32, #tpu.memory_space<vmem>>, vector<16xf32>,
        %add3A_209 = arith.constant 4 : i32
        %add3A_210 = arith.addi %mul3A_189, %add3A_209 : i32
        %get3A_211 = arith.index_cast %add3A_210 : i32 to index
        %get3A_212 = arith.index_cast %mul3A_94 : i32 to index
        %get3A_213 = tpu.vector_load %arg6[%get3A_211, %get3A_212] {strides = array<i32>} : memref<200x128xf32, #tpu.memory_space<vmem>>, vector<16xf32>,
        %add3A_214 = arith.constant 5 : i32
        %add3A_215 = arith.addi %mul3A_189, %add3A_214 : i32
        %get3A_216 = arith.index_cast %add3A_215 : i32 to index
        %get3A_217 = arith.index_cast %mul3A_94 : i32 to index
        %get3A_218 = tpu.vector_load %arg6[%get3A_216, %get3A_217] {strides = array<i32>} : memref<200x128xf32, #tpu.memory_space<vmem>>, vector<16xf32>,
        %add3A_219 = arith.constant 6 : i32
        %add3A_220 = arith.addi %mul3A_189, %add3A_219 : i32
        %get3A_221 = arith.index_cast %add3A_220 : i32 to index
        %get3A_222 = arith.index_cast %mul3A_94 : i32 to index
        %get3A_223 = tpu.vector_load %arg6[%get3A_221, %get3A_222] {strides = array<i32>} : memref<200x128xf32, #tpu.memory_space<vmem>>, vector<16xf32>,
        %add3A_224 = arith.constant 7 : i32
        %add3A_225 = arith.addi %mul3A_189, %add3A_224 : i32
        %get3A_226 = arith.index_cast %add3A_225 : i32 to index
        %get3A_227 = arith.index_cast %mul3A_94 : i32 to index
        %get3A_228 = tpu.vector_load %arg6[%get3A_226, %get3A_227] {strides = array<i32>} : memref<200x128xf32, #tpu.memory_space<vmem>>, vector<16xf32>,
        %add3A_229 = arith.constant 0 : i32
        %add3A_230 = arith.addi %mul3A_189, %add3A_229 : i32
        %get3A_231 = arith.index_cast %add3A_230 : i32 to index
        %get3A_232 = arith.index_cast %add3A_100 : i32 to index
        %get3A_233 = tpu.vector_load %arg6[%get3A_231, %get3A_232] {strides = array<i32>} : memref<200x128xf32, #tpu.memory_space<vmem>>, vector<16xf32>,
        %add3A_234 = arith.constant 1 : i32
        %add3A_235 = arith.addi %mul3A_189, %add3A_234 : i32
        %get3A_236 = arith.index_cast %add3A_235 : i32 to index
        %get3A_237 = arith.index_cast %add3A_100 : i32 to index
        %get3A_238 = tpu.vector_load %arg6[%get3A_236, %get3A_237] {strides = array<i32>} : memref<200x128xf32, #tpu.memory_space<vmem>>, vector<16xf32>,
        %add3A_239 = arith.constant 2 : i32
        %add3A_240 = arith.addi %mul3A_189, %add3A_239 : i32
        %get3A_241 = arith.index_cast %add3A_240 : i32 to index
        %get3A_242 = arith.index_cast %add3A_100 : i32 to index
        %get3A_243 = tpu.vector_load %arg6[%get3A_241, %get3A_242] {strides = array<i32>} : memref<200x128xf32, #tpu.memory_space<vmem>>, vector<16xf32>,
        %add3A_244 = arith.constant 3 : i32
        %add3A_245 = arith.addi %mul3A_189, %add3A_244 : i32
        %get3A_246 = arith.index_cast %add3A_245 : i32 to index
        %get3A_247 = arith.index_cast %add3A_100 : i32 to index
        %get3A_248 = tpu.vector_load %arg6[%get3A_246, %get3A_247] {strides = array<i32>} : memref<200x128xf32, #tpu.memory_space<vmem>>, vector<16xf32>,
        %add3A_249 = arith.constant 4 : i32
        %add3A_250 = arith.addi %mul3A_189, %add3A_249 : i32
        %get3A_251 = arith.index_cast %add3A_250 : i32 to index
        %get3A_252 = arith.index_cast %add3A_100 : i32 to index
        %get3A_253 = tpu.vector_load %arg6[%get3A_251, %get3A_252] {strides = array<i32>} : memref<200x128xf32, #tpu.memory_space<vmem>>, vector<16xf32>,
        %add3A_254 = arith.constant 5 : i32
        %add3A_255 = arith.addi %mul3A_189, %add3A_254 : i32
        %get3A_256 = arith.index_cast %add3A_255 : i32 to index
        %get3A_257 = arith.index_cast %add3A_100 : i32 to index
        %get3A_258 = tpu.vector_load %arg6[%get3A_256, %get3A_257] {strides = array<i32>} : memref<200x128xf32, #tpu.memory_space<vmem>>, vector<16xf32>,
        %add3A_259 = arith.constant 6 : i32
        %add3A_260 = arith.addi %mul3A_189, %add3A_259 : i32
        %get3A_261 = arith.index_cast %add3A_260 : i32 to index
        %get3A_262 = arith.index_cast %add3A_100 : i32 to index
        %get3A_263 = tpu.vector_load %arg6[%get3A_261, %get3A_262] {strides = array<i32>} : memref<200x128xf32, #tpu.memory_space<vmem>>, vector<16xf32>,
        %add3A_264 = arith.constant 7 : i32
        %add3A_265 = arith.addi %mul3A_189, %add3A_264 : i32
        %get3A_266 = arith.index_cast %add3A_265 : i32 to index
        %get3A_267 = arith.index_cast %add3A_100 : i32 to index
        %get3A_268 = tpu.vector_load %arg6[%get3A_266, %get3A_267] {strides = array<i32>} : memref<200x128xf32, #tpu.memory_space<vmem>>, vector<16xf32>,
        %add3A_269 = arith.constant 0 : i32
        %add3A_270 = arith.addi %mul3A_189, %add3A_269 : i32
        %get3A_271 = arith.index_cast %add3A_270 : i32 to index
        %get3A_272 = arith.index_cast %mul3A_94 : i32 to index
        %get3A_273 = tpu.vector_load %arg8[%get3A_271, %get3A_272] {strides = array<i32>} : memref<200x128xi32, #tpu.memory_space<vmem>>, vector<16xi32>,
        %add3A_274 = arith.addi %mul3A_5, %get3A_273 : vector<16xi32>
        %add3A_275 = arith.constant 1 : i32
        %add3A_276 = arith.addi %mul3A_189, %add3A_275 : i32
        %get3A_277 = arith.index_cast %add3A_276 : i32 to index
        %get3A_278 = arith.index_cast %mul3A_94 : i32 to index
        %get3A_279 = tpu.vector_load %arg8[%get3A_277, %get3A_278] {strides = array<i32>} : memref<200x128xi32, #tpu.memory_space<vmem>>, vector<16xi32>,
        %add3A_280 = arith.addi %mul3A_5, %get3A_279 : vector<16xi32>
        %add3A_281 = arith.constant 2 : i32
        %add3A_282 = arith.addi %mul3A_189, %add3A_281 : i32
        %get3A_283 = arith.index_cast %add3A_282 : i32 to index
        %get3A_284 = arith.index_cast %mul3A_94 : i32 to index
        %get3A_285 = tpu.vector_load %arg8[%get3A_283, %get3A_284] {strides = array<i32>} : memref<200x128xi32, #tpu.memory_space<vmem>>, vector<16xi32>,
        %add3A_286 = arith.addi %mul3A_5, %get3A_285 : vector<16xi32>
        %add3A_287 = arith.constant 3 : i32
        %add3A_288 = arith.addi %mul3A_189, %add3A_287 : i32
        %get3A_289 = arith.index_cast %add3A_288 : i32 to index
        %get3A_290 = arith.index_cast %mul3A_94 : i32 to index
        %get3A_291 = tpu.vector_load %arg8[%get3A_289, %get3A_290] {strides = array<i32>} : memref<200x128xi32, #tpu.memory_space<vmem>>, vector<16xi32>,
        %add3A_292 = arith.addi %mul3A_5, %get3A_291 : vector<16xi32>
        %add3A_293 = arith.constant 4 : i32
        %add3A_294 = arith.addi %mul3A_189, %add3A_293 : i32
        %get3A_295 = arith.index_cast %add3A_294 : i32 to index
        %get3A_296 = arith.index_cast %mul3A_94 : i32 to index
        %get3A_297 = tpu.vector_load %arg8[%get3A_295, %get3A_296] {strides = array<i32>} : memref<200x128xi32, #tpu.memory_space<vmem>>, vector<16xi32>,
        %add3A_298 = arith.addi %mul3A_5, %get3A_297 : vector<16xi32>
        %add3A_299 = arith.constant 5 : i32
        %add3A_300 = arith.addi %mul3A_189, %add3A_299 : i32
        %get3A_301 = arith.index_cast %add3A_300 : i32 to index
        %get3A_302 = arith.index_cast %mul3A_94 : i32 to index
        %get3A_303 = tpu.vector_load %arg8[%get3A_301, %get3A_302] {strides = array<i32>} : memref<200x128xi32, #tpu.memory_space<vmem>>, vector<16xi32>,
        %add3A_304 = arith.addi %mul3A_5, %get3A_303 : vector<16xi32>
        %add3A_305 = arith.constant 6 : i32
        %add3A_306 = arith.addi %mul3A_189, %add3A_305 : i32
        %get3A_307 = arith.index_cast %add3A_306 : i32 to index
        %get3A_308 = arith.index_cast %mul3A_94 : i32 to index
        %get3A_309 = tpu.vector_load %arg8[%get3A_307, %get3A_308] {strides = array<i32>} : memref<200x128xi32, #tpu.memory_space<vmem>>, vector<16xi32>,
        %add3A_310 = arith.addi %mul3A_5, %get3A_309 : vector<16xi32>
        %add3A_311 = arith.constant 7 : i32
        %add3A_312 = arith.addi %mul3A_189, %add3A_311 : i32
        %get3A_313 = arith.index_cast %add3A_312 : i32 to index
        %get3A_314 = arith.index_cast %mul3A_94 : i32 to index
        %get3A_315 = tpu.vector_load %arg8[%get3A_313, %get3A_314] {strides = array<i32>} : memref<200x128xi32, #tpu.memory_space<vmem>>, vector<16xi32>,
        %add3A_316 = arith.addi %mul3A_5, %get3A_315 : vector<16xi32>
        %add3A_317 = arith.constant 0 : i32
        %add3A_318 = arith.addi %mul3A_189, %add3A_317 : i32
        %get3A_319 = arith.index_cast %add3A_318 : i32 to index
        %get3A_320 = arith.index_cast %add3A_100 : i32 to index
        %get3A_321 = tpu.vector_load %arg8[%get3A_319, %get3A_320] {strides = array<i32>} : memref<200x128xi32, #tpu.memory_space<vmem>>, vector<16xi32>,
        %add3A_322 = arith.addi %mul3A_5, %get3A_321 : vector<16xi32>
        %add3A_323 = arith.constant 1 : i32
        %add3A_324 = arith.addi %mul3A_189, %add3A_323 : i32
        %get3A_325 = arith.index_cast %add3A_324 : i32 to index
        %get3A_326 = arith.index_cast %add3A_100 : i32 to index
        %get3A_327 = tpu.vector_load %arg8[%get3A_325, %get3A_326] {strides = array<i32>} : memref<200x128xi32, #tpu.memory_space<vmem>>, vector<16xi32>,
        %add3A_328 = arith.addi %mul3A_5, %get3A_327 : vector<16xi32>
        %add3A_329 = arith.constant 2 : i32
        %add3A_330 = arith.addi %mul3A_189, %add3A_329 : i32
        %get3A_331 = arith.index_cast %add3A_330 : i32 to index
        %get3A_332 = arith.index_cast %add3A_100 : i32 to index
        %get3A_333 = tpu.vector_load %arg8[%get3A_331, %get3A_332] {strides = array<i32>} : memref<200x128xi32, #tpu.memory_space<vmem>>, vector<16xi32>,
        %add3A_334 = arith.addi %mul3A_5, %get3A_333 : vector<16xi32>
        %add3A_335 = arith.constant 3 : i32
        %add3A_336 = arith.addi %mul3A_189, %add3A_335 : i32
        %get3A_337 = arith.index_cast %add3A_336 : i32 to index
        %get3A_338 = arith.index_cast %add3A_100 : i32 to index
        %get3A_339 = tpu.vector_load %arg8[%get3A_337, %get3A_338] {strides = array<i32>} : memref<200x128xi32, #tpu.memory_space<vmem>>, vector<16xi32>,
        %add3A_340 = arith.addi %mul3A_5, %get3A_339 : vector<16xi32>
        %add3A_341 = arith.constant 4 : i32
        %add3A_342 = arith.addi %mul3A_189, %add3A_341 : i32
        %get3A_343 = arith.index_cast %add3A_342 : i32 to index
        %get3A_344 = arith.index_cast %add3A_100 : i32 to index
        %get3A_345 = tpu.vector_load %arg8[%get3A_343, %get3A_344] {strides = array<i32>} : memref<200x128xi32, #tpu.memory_space<vmem>>, vector<16xi32>,
        %add3A_346 = arith.addi %mul3A_5, %get3A_345 : vector<16xi32>
        %add3A_347 = arith.constant 5 : i32
        %add3A_348 = arith.addi %mul3A_189, %add3A_347 : i32
        %get3A_349 = arith.index_cast %add3A_348 : i32 to index
        %get3A_350 = arith.index_cast %add3A_100 : i32 to index
        %get3A_351 = tpu.vector_load %arg8[%get3A_349, %get3A_350] {strides = array<i32>} : memref<200x128xi32, #tpu.memory_space<vmem>>, vector<16xi32>,
        %add3A_352 = arith.addi %mul3A_5, %get3A_351 : vector<16xi32>
        %add3A_353 = arith.constant 6 : i32
        %add3A_354 = arith.addi %mul3A_189, %add3A_353 : i32
        %get3A_355 = arith.index_cast %add3A_354 : i32 to index
        %get3A_356 = arith.index_cast %add3A_100 : i32 to index
        %get3A_357 = tpu.vector_load %arg8[%get3A_355, %get3A_356] {strides = array<i32>} : memref<200x128xi32, #tpu.memory_space<vmem>>, vector<16xi32>,
        %add3A_358 = arith.addi %mul3A_5, %get3A_357 : vector<16xi32>
        %add3A_359 = arith.constant 7 : i32
        %add3A_360 = arith.addi %mul3A_189, %add3A_359 : i32
        %get3A_361 = arith.index_cast %add3A_360 : i32 to index
        %get3A_362 = arith.index_cast %add3A_100 : i32 to index
        %get3A_363 = tpu.vector_load %arg8[%get3A_361, %get3A_362] {strides = array<i32>} : memref<200x128xi32, #tpu.memory_space<vmem>>, vector<16xi32>,
        %add3A_364 = arith.addi %mul3A_5, %get3A_363 : vector<16xi32>
        %exp3A = math.exp %get3A_193 : vector<16xf32>
        %exp3A_365 = math.exp %get3A_198 : vector<16xf32>
        %exp3A_366 = math.exp %get3A_203 : vector<16xf32>
        %exp3A_367 = math.exp %get3A_208 : vector<16xf32>
        %exp3A_368 = math.exp %get3A_213 : vector<16xf32>
        %exp3A_369 = math.exp %get3A_218 : vector<16xf32>
        %exp3A_370 = math.exp %get3A_223 : vector<16xf32>
        %exp3A_371 = math.exp %get3A_228 : vector<16xf32>
        tpu.vector_store_idx %arg9[%add3A_274], %exp3A : memref<3200xf32, #tpu.memory_space<vmem>>[vector<16xi32>], vector<16xf32>,
        tpu.vector_store_idx %arg9[%add3A_280], %exp3A_365 : memref<3200xf32, #tpu.memory_space<vmem>>[vector<16xi32>], vector<16xf32>,
        tpu.vector_store_idx %arg9[%add3A_286], %exp3A_366 : memref<3200xf32, #tpu.memory_space<vmem>>[vector<16xi32>], vector<16xf32>,
        tpu.vector_store_idx %arg9[%add3A_292], %exp3A_367 : memref<3200xf32, #tpu.memory_space<vmem>>[vector<16xi32>], vector<16xf32>,
        tpu.vector_store_idx %arg9[%add3A_298], %exp3A_368 : memref<3200xf32, #tpu.memory_space<vmem>>[vector<16xi32>], vector<16xf32>,
        tpu.vector_store_idx %arg9[%add3A_304], %exp3A_369 : memref<3200xf32, #tpu.memory_space<vmem>>[vector<16xi32>], vector<16xf32>,
        tpu.vector_store_idx %arg9[%add3A_310], %exp3A_370 : memref<3200xf32, #tpu.memory_space<vmem>>[vector<16xi32>], vector<16xf32>,
        tpu.vector_store_idx %arg9[%add3A_316], %exp3A_371 : memref<3200xf32, #tpu.memory_space<vmem>>[vector<16xi32>], vector<16xf32>,
        %exp3A_372 = math.exp %get3A_233 : vector<16xf32>
        %exp3A_373 = math.exp %get3A_238 : vector<16xf32>
        %exp3A_374 = math.exp %get3A_243 : vector<16xf32>
        %exp3A_375 = math.exp %get3A_248 : vector<16xf32>
        %exp3A_376 = math.exp %get3A_253 : vector<16xf32>
        %exp3A_377 = math.exp %get3A_258 : vector<16xf32>
        %exp3A_378 = math.exp %get3A_263 : vector<16xf32>
        %exp3A_379 = math.exp %get3A_268 : vector<16xf32>
        tpu.vector_store_idx %arg10[%add3A_322], %exp3A_372 : memref<3200xf32, #tpu.memory_space<vmem>>[vector<16xi32>], vector<16xf32>,
        tpu.vector_store_idx %arg10[%add3A_328], %exp3A_373 : memref<3200xf32, #tpu.memory_space<vmem>>[vector<16xi32>], vector<16xf32>,
        tpu.vector_store_idx %arg10[%add3A_334], %exp3A_374 : memref<3200xf32, #tpu.memory_space<vmem>>[vector<16xi32>], vector<16xf32>,
        tpu.vector_store_idx %arg10[%add3A_340], %exp3A_375 : memref<3200xf32, #tpu.memory_space<vmem>>[vector<16xi32>], vector<16xf32>,
        tpu.vector_store_idx %arg10[%add3A_346], %exp3A_376 : memref<3200xf32, #tpu.memory_space<vmem>>[vector<16xi32>], vector<16xf32>,
        tpu.vector_store_idx %arg10[%add3A_352], %exp3A_377 : memref<3200xf32, #tpu.memory_space<vmem>>[vector<16xi32>], vector<16xf32>,
        tpu.vector_store_idx %arg10[%add3A_358], %exp3A_378 : memref<3200xf32, #tpu.memory_space<vmem>>[vector<16xi32>], vector<16xf32>,
        tpu.vector_store_idx %arg10[%add3A_364], %exp3A_379 : memref<3200xf32, #tpu.memory_space<vmem>>[vector<16xi32>], vector<16xf32>,
        %add3A_380 = arith.addf %scan3A_186, %get3A_193 : vector<16xf32>
        %add3A_381 = arith.addf %scan3A_187, %get3A_233 : vector<16xf32>
        %add3A_382 = arith.addf %add3A_380, %get3A_198 : vector<16xf32>
        %add3A_383 = arith.addf %add3A_381, %get3A_238 : vector<16xf32>
        %add3A_384 = arith.addf %add3A_382, %get3A_203 : vector<16xf32>
        %add3A_385 = arith.addf %add3A_383, %get3A_243 : vector<16xf32>
        %add3A_386 = arith.addf %add3A_384, %get3A_208 : vector<16xf32>
        %add3A_387 = arith.addf %add3A_385, %get3A_248 : vector<16xf32>
        %add3A_388 = arith.addf %add3A_386, %get3A_213 : vector<16xf32>
        %add3A_389 = arith.addf %add3A_387, %get3A_253 : vector<16xf32>
        %add3A_390 = arith.addf %add3A_388, %get3A_218 : vector<16xf32>
        %add3A_391 = arith.addf %add3A_389, %get3A_258 : vector<16xf32>
        %add3A_392 = arith.addf %add3A_390, %get3A_223 : vector<16xf32>
        %add3A_393 = arith.addf %add3A_391, %get3A_263 : vector<16xf32>
        %add3A_394 = arith.addf %add3A_392, %get3A_228 : vector<16xf32>
        %add3A_395 = arith.addf %add3A_393, %get3A_268 : vector<16xf32>
        scf.yield %add3A_394, %add3A_395 : vector<16xf32>, vector<16xf32>
      }
      %scan3A_109 = arith.constant 13 : i32
      %eq3A_110 = arith.constant 0 : i32
      %eq3A_111 = arith.cmpi eq, %scan3A_89, %eq3A_110 : i32
      %convert_element_type3A_112 = arith.extui %eq3A_111 : i1 to i32
      %cond3A_113 = arith.constant 0 : i32
      %cond3A_114 = arith.cmpi ne, %convert_element_type3A_112, %cond3A_113 : i32
      scf.if %cond3A_114 {
        %dma_wait3A = arith.constant 1 : i32
        %dma_wait3A_185 = arith.constant 104 : i32
        %dma_wait3A_186 = arith.constant 0 : i32
        %dma_wait3A_187 = tpu.memref_slice %arg6[%dma_wait3A_185, %dma_wait3A_186] : memref<200x128xf32, #tpu.memory_space<vmem>> -> memref<96x128xf32, #tpu.memory_space<vmem>>
        %dma_wait3A_188 = arith.constant 104 : i32
        %dma_wait3A_189 = tpu.memref_slice %arg2[%dma_wait3A_188, %multiple_of3A] : memref<200x4096xf32, #tpu.memory_space<hbm>> -> memref<96x128xf32, #tpu.memory_space<hbm>>
        %dma_wait3A_190 = tpu.memref_slice %arg12[%dma_wait3A] : memref<4x!tpu.dma_semaphore, #tpu.memory_space<semaphore_mem>> -> memref<1x!tpu.dma_semaphore, #tpu.memory_space<semaphore_mem>>
        %dma_wait3A_191 = tpu.memref_squeeze %dma_wait3A_190 : memref<1x!tpu.dma_semaphore, #tpu.memory_space<semaphore_mem>> -> memref<!tpu.dma_semaphore, #tpu.memory_space<semaphore_mem>>
        %dma_wait3A_192 = arith.constant 104 : i32
        %dma_wait3A_193 = arith.constant 0 : i32
        %dma_wait3A_194 = tpu.memref_slice %arg6[%dma_wait3A_192, %dma_wait3A_193] : memref<200x128xf32, #tpu.memory_space<vmem>> -> memref<96x128xf32, #tpu.memory_space<vmem>>
        %dma_wait3A_195 = arith.constant 104 : i32
        %dma_wait3A_196 = tpu.memref_slice %arg2[%dma_wait3A_195, %multiple_of3A] : memref<200x4096xf32, #tpu.memory_space<hbm>> -> memref<96x128xf32, #tpu.memory_space<hbm>>
        tpu.wait_dma2 semaphore(%dma_wait3A_191 : memref<!tpu.dma_semaphore, #tpu.memory_space<semaphore_mem>>) src(%dma_wait3A_196 : memref<96x128xf32, #tpu.memory_space<hbm>>) dst(%dma_wait3A_194 : memref<96x128xf32, #tpu.memory_space<vmem>>)
        %dma_wait3A_197 = arith.constant 1 : i32
        %dma_wait3A_198 = arith.constant 104 : i32
        %dma_wait3A_199 = arith.constant 0 : i32
        %dma_wait3A_200 = tpu.memref_slice %arg8[%dma_wait3A_198, %dma_wait3A_199] : memref<200x128xi32, #tpu.memory_space<vmem>> -> memref<96x128xi32, #tpu.memory_space<vmem>>
        %dma_wait3A_201 = arith.constant 104 : i32
        %dma_wait3A_202 = tpu.memref_slice %arg4[%dma_wait3A_201, %multiple_of3A] : memref<200x4096xi32, #tpu.memory_space<hbm>> -> memref<96x128xi32, #tpu.memory_space<hbm>>
        %dma_wait3A_203 = tpu.memref_slice %arg12[%dma_wait3A_197] : memref<4x!tpu.dma_semaphore, #tpu.memory_space<semaphore_mem>> -> memref<1x!tpu.dma_semaphore, #tpu.memory_space<semaphore_mem>>
        %dma_wait3A_204 = tpu.memref_squeeze %dma_wait3A_203 : memref<1x!tpu.dma_semaphore, #tpu.memory_space<semaphore_mem>> -> memref<!tpu.dma_semaphore, #tpu.memory_space<semaphore_mem>>
        %dma_wait3A_205 = arith.constant 104 : i32
        %dma_wait3A_206 = arith.constant 0 : i32
        %dma_wait3A_207 = tpu.memref_slice %arg8[%dma_wait3A_205, %dma_wait3A_206] : memref<200x128xi32, #tpu.memory_space<vmem>> -> memref<96x128xi32, #tpu.memory_space<vmem>>
        %dma_wait3A_208 = arith.constant 104 : i32
        %dma_wait3A_209 = tpu.memref_slice %arg4[%dma_wait3A_208, %multiple_of3A] : memref<200x4096xi32, #tpu.memory_space<hbm>> -> memref<96x128xi32, #tpu.memory_space<hbm>>
        tpu.wait_dma2 semaphore(%dma_wait3A_204 : memref<!tpu.dma_semaphore, #tpu.memory_space<semaphore_mem>>) src(%dma_wait3A_209 : memref<96x128xi32, #tpu.memory_space<hbm>>) dst(%dma_wait3A_207 : memref<96x128xi32, #tpu.memory_space<vmem>>)
      } else {
      }
      %scan3A_115 = arith.constant 13 : i32
      %scan3A_116 = arith.constant 12 : i32
      %scan3A_117 = arith.addi %scan3A_115, %scan3A_116 : i32
      %scan3A_118 = arith.constant 1 : i32
      %scan3A_119:2 = scf.for %scan3A_185 = %scan3A_115 to %scan3A_117 step %scan3A_118 iter_args(%scan3A_186 = %scan3A_108#0, %scan3A_187 = %scan3A_108#1) -> (vector<16xf32>, vector<16xf32>)  : i32 {
        %mul3A_188 = arith.constant 8 : i32
        %mul3A_189 = arith.muli %scan3A_185, %mul3A_188 : i32
        %add3A_190 = arith.constant 0 : i32
        %add3A_191 = arith.addi %mul3A_189, %add3A_190 : i32
        %get3A = arith.index_cast %add3A_191 : i32 to index
        %get3A_192 = arith.index_cast %mul3A_94 : i32 to index
        %get3A_193 = tpu.vector_load %arg6[%get3A, %get3A_192] {strides = array<i32>} : memref<200x128xf32, #tpu.memory_space<vmem>>, vector<16xf32>,
        %add3A_194 = arith.constant 1 : i32
        %add3A_195 = arith.addi %mul3A_189, %add3A_194 : i32
        %get3A_196 = arith.index_cast %add3A_195 : i32 to index
        %get3A_197 = arith.index_cast %mul3A_94 : i32 to index
        %get3A_198 = tpu.vector_load %arg6[%get3A_196, %get3A_197] {strides = array<i32>} : memref<200x128xf32, #tpu.memory_space<vmem>>, vector<16xf32>,
        %add3A_199 = arith.constant 2 : i32
        %add3A_200 = arith.addi %mul3A_189, %add3A_199 : i32
        %get3A_201 = arith.index_cast %add3A_200 : i32 to index
        %get3A_202 = arith.index_cast %mul3A_94 : i32 to index
        %get3A_203 = tpu.vector_load %arg6[%get3A_201, %get3A_202] {strides = array<i32>} : memref<200x128xf32, #tpu.memory_space<vmem>>, vector<16xf32>,
        %add3A_204 = arith.constant 3 : i32
        %add3A_205 = arith.addi %mul3A_189, %add3A_204 : i32
        %get3A_206 = arith.index_cast %add3A_205 : i32 to index
        %get3A_207 = arith.index_cast %mul3A_94 : i32 to index
        %get3A_208 = tpu.vector_load %arg6[%get3A_206, %get3A_207] {strides = array<i32>} : memref<200x128xf32, #tpu.memory_space<vmem>>, vector<16xf32>,
        %add3A_209 = arith.constant 4 : i32
        %add3A_210 = arith.addi %mul3A_189, %add3A_209 : i32
        %get3A_211 = arith.index_cast %add3A_210 : i32 to index
        %get3A_212 = arith.index_cast %mul3A_94 : i32 to index
        %get3A_213 = tpu.vector_load %arg6[%get3A_211, %get3A_212] {strides = array<i32>} : memref<200x128xf32, #tpu.memory_space<vmem>>, vector<16xf32>,
        %add3A_214 = arith.constant 5 : i32
        %add3A_215 = arith.addi %mul3A_189, %add3A_214 : i32
        %get3A_216 = arith.index_cast %add3A_215 : i32 to index
        %get3A_217 = arith.index_cast %mul3A_94 : i32 to index
        %get3A_218 = tpu.vector_load %arg6[%get3A_216, %get3A_217] {strides = array<i32>} : memref<200x128xf32, #tpu.memory_space<vmem>>, vector<16xf32>,
        %add3A_219 = arith.constant 6 : i32
        %add3A_220 = arith.addi %mul3A_189, %add3A_219 : i32
        %get3A_221 = arith.index_cast %add3A_220 : i32 to index
        %get3A_222 = arith.index_cast %mul3A_94 : i32 to index
        %get3A_223 = tpu.vector_load %arg6[%get3A_221, %get3A_222] {strides = array<i32>} : memref<200x128xf32, #tpu.memory_space<vmem>>, vector<16xf32>,
        %add3A_224 = arith.constant 7 : i32
        %add3A_225 = arith.addi %mul3A_189, %add3A_224 : i32
        %get3A_226 = arith.index_cast %add3A_225 : i32 to index
        %get3A_227 = arith.index_cast %mul3A_94 : i32 to index
        %get3A_228 = tpu.vector_load %arg6[%get3A_226, %get3A_227] {strides = array<i32>} : memref<200x128xf32, #tpu.memory_space<vmem>>, vector<16xf32>,
        %add3A_229 = arith.constant 0 : i32
        %add3A_230 = arith.addi %mul3A_189, %add3A_229 : i32
        %get3A_231 = arith.index_cast %add3A_230 : i32 to index
        %get3A_232 = arith.index_cast %add3A_100 : i32 to index
        %get3A_233 = tpu.vector_load %arg6[%get3A_231, %get3A_232] {strides = array<i32>} : memref<200x128xf32, #tpu.memory_space<vmem>>, vector<16xf32>,
        %add3A_234 = arith.constant 1 : i32
        %add3A_235 = arith.addi %mul3A_189, %add3A_234 : i32
        %get3A_236 = arith.index_cast %add3A_235 : i32 to index
        %get3A_237 = arith.index_cast %add3A_100 : i32 to index
        %get3A_238 = tpu.vector_load %arg6[%get3A_236, %get3A_237] {strides = array<i32>} : memref<200x128xf32, #tpu.memory_space<vmem>>, vector<16xf32>,
        %add3A_239 = arith.constant 2 : i32
        %add3A_240 = arith.addi %mul3A_189, %add3A_239 : i32
        %get3A_241 = arith.index_cast %add3A_240 : i32 to index
        %get3A_242 = arith.index_cast %add3A_100 : i32 to index
        %get3A_243 = tpu.vector_load %arg6[%get3A_241, %get3A_242] {strides = array<i32>} : memref<200x128xf32, #tpu.memory_space<vmem>>, vector<16xf32>,
        %add3A_244 = arith.constant 3 : i32
        %add3A_245 = arith.addi %mul3A_189, %add3A_244 : i32
        %get3A_246 = arith.index_cast %add3A_245 : i32 to index
        %get3A_247 = arith.index_cast %add3A_100 : i32 to index
        %get3A_248 = tpu.vector_load %arg6[%get3A_246, %get3A_247] {strides = array<i32>} : memref<200x128xf32, #tpu.memory_space<vmem>>, vector<16xf32>,
        %add3A_249 = arith.constant 4 : i32
        %add3A_250 = arith.addi %mul3A_189, %add3A_249 : i32
        %get3A_251 = arith.index_cast %add3A_250 : i32 to index
        %get3A_252 = arith.index_cast %add3A_100 : i32 to index
        %get3A_253 = tpu.vector_load %arg6[%get3A_251, %get3A_252] {strides = array<i32>} : memref<200x128xf32, #tpu.memory_space<vmem>>, vector<16xf32>,
        %add3A_254 = arith.constant 5 : i32
        %add3A_255 = arith.addi %mul3A_189, %add3A_254 : i32
        %get3A_256 = arith.index_cast %add3A_255 : i32 to index
        %get3A_257 = arith.index_cast %add3A_100 : i32 to index
        %get3A_258 = tpu.vector_load %arg6[%get3A_256, %get3A_257] {strides = array<i32>} : memref<200x128xf32, #tpu.memory_space<vmem>>, vector<16xf32>,
        %add3A_259 = arith.constant 6 : i32
        %add3A_260 = arith.addi %mul3A_189, %add3A_259 : i32
        %get3A_261 = arith.index_cast %add3A_260 : i32 to index
        %get3A_262 = arith.index_cast %add3A_100 : i32 to index
        %get3A_263 = tpu.vector_load %arg6[%get3A_261, %get3A_262] {strides = array<i32>} : memref<200x128xf32, #tpu.memory_space<vmem>>, vector<16xf32>,
        %add3A_264 = arith.constant 7 : i32
        %add3A_265 = arith.addi %mul3A_189, %add3A_264 : i32
        %get3A_266 = arith.index_cast %add3A_265 : i32 to index
        %get3A_267 = arith.index_cast %add3A_100 : i32 to index
        %get3A_268 = tpu.vector_load %arg6[%get3A_266, %get3A_267] {strides = array<i32>} : memref<200x128xf32, #tpu.memory_space<vmem>>, vector<16xf32>,
        %add3A_269 = arith.constant 0 : i32
        %add3A_270 = arith.addi %mul3A_189, %add3A_269 : i32
        %get3A_271 = arith.index_cast %add3A_270 : i32 to index
        %get3A_272 = arith.index_cast %mul3A_94 : i32 to index
        %get3A_273 = tpu.vector_load %arg8[%get3A_271, %get3A_272] {strides = array<i32>} : memref<200x128xi32, #tpu.memory_space<vmem>>, vector<16xi32>,
        %add3A_274 = arith.addi %mul3A_5, %get3A_273 : vector<16xi32>
        %add3A_275 = arith.constant 1 : i32
        %add3A_276 = arith.addi %mul3A_189, %add3A_275 : i32
        %get3A_277 = arith.index_cast %add3A_276 : i32 to index
        %get3A_278 = arith.index_cast %mul3A_94 : i32 to index
        %get3A_279 = tpu.vector_load %arg8[%get3A_277, %get3A_278] {strides = array<i32>} : memref<200x128xi32, #tpu.memory_space<vmem>>, vector<16xi32>,
        %add3A_280 = arith.addi %mul3A_5, %get3A_279 : vector<16xi32>
        %add3A_281 = arith.constant 2 : i32
        %add3A_282 = arith.addi %mul3A_189, %add3A_281 : i32
        %get3A_283 = arith.index_cast %add3A_282 : i32 to index
        %get3A_284 = arith.index_cast %mul3A_94 : i32 to index
        %get3A_285 = tpu.vector_load %arg8[%get3A_283, %get3A_284] {strides = array<i32>} : memref<200x128xi32, #tpu.memory_space<vmem>>, vector<16xi32>,
        %add3A_286 = arith.addi %mul3A_5, %get3A_285 : vector<16xi32>
        %add3A_287 = arith.constant 3 : i32
        %add3A_288 = arith.addi %mul3A_189, %add3A_287 : i32
        %get3A_289 = arith.index_cast %add3A_288 : i32 to index
        %get3A_290 = arith.index_cast %mul3A_94 : i32 to index
        %get3A_291 = tpu.vector_load %arg8[%get3A_289, %get3A_290] {strides = array<i32>} : memref<200x128xi32, #tpu.memory_space<vmem>>, vector<16xi32>,
        %add3A_292 = arith.addi %mul3A_5, %get3A_291 : vector<16xi32>
        %add3A_293 = arith.constant 4 : i32
        %add3A_294 = arith.addi %mul3A_189, %add3A_293 : i32
        %get3A_295 = arith.index_cast %add3A_294 : i32 to index
        %get3A_296 = arith.index_cast %mul3A_94 : i32 to index
        %get3A_297 = tpu.vector_load %arg8[%get3A_295, %get3A_296] {strides = array<i32>} : memref<200x128xi32, #tpu.memory_space<vmem>>, vector<16xi32>,
        %add3A_298 = arith.addi %mul3A_5, %get3A_297 : vector<16xi32>
        %add3A_299 = arith.constant 5 : i32
        %add3A_300 = arith.addi %mul3A_189, %add3A_299 : i32
        %get3A_301 = arith.index_cast %add3A_300 : i32 to index
        %get3A_302 = arith.index_cast %mul3A_94 : i32 to index
        %get3A_303 = tpu.vector_load %arg8[%get3A_301, %get3A_302] {strides = array<i32>} : memref<200x128xi32, #tpu.memory_space<vmem>>, vector<16xi32>,
        %add3A_304 = arith.addi %mul3A_5, %get3A_303 : vector<16xi32>
        %add3A_305 = arith.constant 6 : i32
        %add3A_306 = arith.addi %mul3A_189, %add3A_305 : i32
        %get3A_307 = arith.index_cast %add3A_306 : i32 to index
        %get3A_308 = arith.index_cast %mul3A_94 : i32 to index
        %get3A_309 = tpu.vector_load %arg8[%get3A_307, %get3A_308] {strides = array<i32>} : memref<200x128xi32, #tpu.memory_space<vmem>>, vector<16xi32>,
        %add3A_310 = arith.addi %mul3A_5, %get3A_309 : vector<16xi32>
        %add3A_311 = arith.constant 7 : i32
        %add3A_312 = arith.addi %mul3A_189, %add3A_311 : i32
        %get3A_313 = arith.index_cast %add3A_312 : i32 to index
        %get3A_314 = arith.index_cast %mul3A_94 : i32 to index
        %get3A_315 = tpu.vector_load %arg8[%get3A_313, %get3A_314] {strides = array<i32>} : memref<200x128xi32, #tpu.memory_space<vmem>>, vector<16xi32>,
        %add3A_316 = arith.addi %mul3A_5, %get3A_315 : vector<16xi32>
        %add3A_317 = arith.constant 0 : i32
        %add3A_318 = arith.addi %mul3A_189, %add3A_317 : i32
        %get3A_319 = arith.index_cast %add3A_318 : i32 to index
        %get3A_320 = arith.index_cast %add3A_100 : i32 to index
        %get3A_321 = tpu.vector_load %arg8[%get3A_319, %get3A_320] {strides = array<i32>} : memref<200x128xi32, #tpu.memory_space<vmem>>, vector<16xi32>,
        %add3A_322 = arith.addi %mul3A_5, %get3A_321 : vector<16xi32>
        %add3A_323 = arith.constant 1 : i32
        %add3A_324 = arith.addi %mul3A_189, %add3A_323 : i32
        %get3A_325 = arith.index_cast %add3A_324 : i32 to index
        %get3A_326 = arith.index_cast %add3A_100 : i32 to index
        %get3A_327 = tpu.vector_load %arg8[%get3A_325, %get3A_326] {strides = array<i32>} : memref<200x128xi32, #tpu.memory_space<vmem>>, vector<16xi32>,
        %add3A_328 = arith.addi %mul3A_5, %get3A_327 : vector<16xi32>
        %add3A_329 = arith.constant 2 : i32
        %add3A_330 = arith.addi %mul3A_189, %add3A_329 : i32
        %get3A_331 = arith.index_cast %add3A_330 : i32 to index
        %get3A_332 = arith.index_cast %add3A_100 : i32 to index
        %get3A_333 = tpu.vector_load %arg8[%get3A_331, %get3A_332] {strides = array<i32>} : memref<200x128xi32, #tpu.memory_space<vmem>>, vector<16xi32>,
        %add3A_334 = arith.addi %mul3A_5, %get3A_333 : vector<16xi32>
        %add3A_335 = arith.constant 3 : i32
        %add3A_336 = arith.addi %mul3A_189, %add3A_335 : i32
        %get3A_337 = arith.index_cast %add3A_336 : i32 to index
        %get3A_338 = arith.index_cast %add3A_100 : i32 to index
        %get3A_339 = tpu.vector_load %arg8[%get3A_337, %get3A_338] {strides = array<i32>} : memref<200x128xi32, #tpu.memory_space<vmem>>, vector<16xi32>,
        %add3A_340 = arith.addi %mul3A_5, %get3A_339 : vector<16xi32>
        %add3A_341 = arith.constant 4 : i32
        %add3A_342 = arith.addi %mul3A_189, %add3A_341 : i32
        %get3A_343 = arith.index_cast %add3A_342 : i32 to index
        %get3A_344 = arith.index_cast %add3A_100 : i32 to index
        %get3A_345 = tpu.vector_load %arg8[%get3A_343, %get3A_344] {strides = array<i32>} : memref<200x128xi32, #tpu.memory_space<vmem>>, vector<16xi32>,
        %add3A_346 = arith.addi %mul3A_5, %get3A_345 : vector<16xi32>
        %add3A_347 = arith.constant 5 : i32
        %add3A_348 = arith.addi %mul3A_189, %add3A_347 : i32
        %get3A_349 = arith.index_cast %add3A_348 : i32 to index
        %get3A_350 = arith.index_cast %add3A_100 : i32 to index
        %get3A_351 = tpu.vector_load %arg8[%get3A_349, %get3A_350] {strides = array<i32>} : memref<200x128xi32, #tpu.memory_space<vmem>>, vector<16xi32>,
        %add3A_352 = arith.addi %mul3A_5, %get3A_351 : vector<16xi32>
        %add3A_353 = arith.constant 6 : i32
        %add3A_354 = arith.addi %mul3A_189, %add3A_353 : i32
        %get3A_355 = arith.index_cast %add3A_354 : i32 to index
        %get3A_356 = arith.index_cast %add3A_100 : i32 to index
        %get3A_357 = tpu.vector_load %arg8[%get3A_355, %get3A_356] {strides = array<i32>} : memref<200x128xi32, #tpu.memory_space<vmem>>, vector<16xi32>,
        %add3A_358 = arith.addi %mul3A_5, %get3A_357 : vector<16xi32>
        %add3A_359 = arith.constant 7 : i32
        %add3A_360 = arith.addi %mul3A_189, %add3A_359 : i32
        %get3A_361 = arith.index_cast %add3A_360 : i32 to index
        %get3A_362 = arith.index_cast %add3A_100 : i32 to index
        %get3A_363 = tpu.vector_load %arg8[%get3A_361, %get3A_362] {strides = array<i32>} : memref<200x128xi32, #tpu.memory_space<vmem>>, vector<16xi32>,
        %add3A_364 = arith.addi %mul3A_5, %get3A_363 : vector<16xi32>
        %exp3A = math.exp %get3A_193 : vector<16xf32>
        %exp3A_365 = math.exp %get3A_198 : vector<16xf32>
        %exp3A_366 = math.exp %get3A_203 : vector<16xf32>
        %exp3A_367 = math.exp %get3A_208 : vector<16xf32>
        %exp3A_368 = math.exp %get3A_213 : vector<16xf32>
        %exp3A_369 = math.exp %get3A_218 : vector<16xf32>
        %exp3A_370 = math.exp %get3A_223 : vector<16xf32>
        %exp3A_371 = math.exp %get3A_228 : vector<16xf32>
        tpu.vector_store_idx %arg9[%add3A_274], %exp3A : memref<3200xf32, #tpu.memory_space<vmem>>[vector<16xi32>], vector<16xf32>,
        tpu.vector_store_idx %arg9[%add3A_280], %exp3A_365 : memref<3200xf32, #tpu.memory_space<vmem>>[vector<16xi32>], vector<16xf32>,
        tpu.vector_store_idx %arg9[%add3A_286], %exp3A_366 : memref<3200xf32, #tpu.memory_space<vmem>>[vector<16xi32>], vector<16xf32>,
        tpu.vector_store_idx %arg9[%add3A_292], %exp3A_367 : memref<3200xf32, #tpu.memory_space<vmem>>[vector<16xi32>], vector<16xf32>,
        tpu.vector_store_idx %arg9[%add3A_298], %exp3A_368 : memref<3200xf32, #tpu.memory_space<vmem>>[vector<16xi32>], vector<16xf32>,
        tpu.vector_store_idx %arg9[%add3A_304], %exp3A_369 : memref<3200xf32, #tpu.memory_space<vmem>>[vector<16xi32>], vector<16xf32>,
        tpu.vector_store_idx %arg9[%add3A_310], %exp3A_370 : memref<3200xf32, #tpu.memory_space<vmem>>[vector<16xi32>], vector<16xf32>,
        tpu.vector_store_idx %arg9[%add3A_316], %exp3A_371 : memref<3200xf32, #tpu.memory_space<vmem>>[vector<16xi32>], vector<16xf32>,
        %exp3A_372 = math.exp %get3A_233 : vector<16xf32>
        %exp3A_373 = math.exp %get3A_238 : vector<16xf32>
        %exp3A_374 = math.exp %get3A_243 : vector<16xf32>
        %exp3A_375 = math.exp %get3A_248 : vector<16xf32>
        %exp3A_376 = math.exp %get3A_253 : vector<16xf32>
        %exp3A_377 = math.exp %get3A_258 : vector<16xf32>
        %exp3A_378 = math.exp %get3A_263 : vector<16xf32>
        %exp3A_379 = math.exp %get3A_268 : vector<16xf32>
        tpu.vector_store_idx %arg10[%add3A_322], %exp3A_372 : memref<3200xf32, #tpu.memory_space<vmem>>[vector<16xi32>], vector<16xf32>,
        tpu.vector_store_idx %arg10[%add3A_328], %exp3A_373 : memref<3200xf32, #tpu.memory_space<vmem>>[vector<16xi32>], vector<16xf32>,
        tpu.vector_store_idx %arg10[%add3A_334], %exp3A_374 : memref<3200xf32, #tpu.memory_space<vmem>>[vector<16xi32>], vector<16xf32>,
        tpu.vector_store_idx %arg10[%add3A_340], %exp3A_375 : memref<3200xf32, #tpu.memory_space<vmem>>[vector<16xi32>], vector<16xf32>,
        tpu.vector_store_idx %arg10[%add3A_346], %exp3A_376 : memref<3200xf32, #tpu.memory_space<vmem>>[vector<16xi32>], vector<16xf32>,
        tpu.vector_store_idx %arg10[%add3A_352], %exp3A_377 : memref<3200xf32, #tpu.memory_space<vmem>>[vector<16xi32>], vector<16xf32>,
        tpu.vector_store_idx %arg10[%add3A_358], %exp3A_378 : memref<3200xf32, #tpu.memory_space<vmem>>[vector<16xi32>], vector<16xf32>,
        tpu.vector_store_idx %arg10[%add3A_364], %exp3A_379 : memref<3200xf32, #tpu.memory_space<vmem>>[vector<16xi32>], vector<16xf32>,
        %add3A_380 = arith.addf %scan3A_186, %get3A_193 : vector<16xf32>
        %add3A_381 = arith.addf %scan3A_187, %get3A_233 : vector<16xf32>
        %add3A_382 = arith.addf %add3A_380, %get3A_198 : vector<16xf32>
        %add3A_383 = arith.addf %add3A_381, %get3A_238 : vector<16xf32>
        %add3A_384 = arith.addf %add3A_382, %get3A_203 : vector<16xf32>
        %add3A_385 = arith.addf %add3A_383, %get3A_243 : vector<16xf32>
        %add3A_386 = arith.addf %add3A_384, %get3A_208 : vector<16xf32>
        %add3A_387 = arith.addf %add3A_385, %get3A_248 : vector<16xf32>
        %add3A_388 = arith.addf %add3A_386, %get3A_213 : vector<16xf32>
        %add3A_389 = arith.addf %add3A_387, %get3A_253 : vector<16xf32>
        %add3A_390 = arith.addf %add3A_388, %get3A_218 : vector<16xf32>
        %add3A_391 = arith.addf %add3A_389, %get3A_258 : vector<16xf32>
        %add3A_392 = arith.addf %add3A_390, %get3A_223 : vector<16xf32>
        %add3A_393 = arith.addf %add3A_391, %get3A_263 : vector<16xf32>
        %add3A_394 = arith.addf %add3A_392, %get3A_228 : vector<16xf32>
        %add3A_395 = arith.addf %add3A_393, %get3A_268 : vector<16xf32>
        scf.yield %add3A_394, %add3A_395 : vector<16xf32>, vector<16xf32>
      }
      %scan3A_120 = arith.constant 12 : i32
      %broadcast_in_dim3A_121 = arith.constant 0 : i32
      %broadcast_in_dim3A_122 = vector.broadcast %broadcast_in_dim3A_121 : i32 to vector<16xi32>
      %eq3A_123 = arith.constant 0 : i32
      %eq3A_124 = arith.cmpi eq, %scan3A_89, %eq3A_123 : i32
      %convert_element_type3A_125 = arith.extui %eq3A_124 : i1 to i32
      %cond3A_126 = arith.constant 0 : i32
      %cond3A_127 = arith.cmpi ne, %convert_element_type3A_125, %cond3A_126 : i32
      scf.if %cond3A_127 {
        %dma_wait3A = arith.constant 2 : i32
        %dma_wait3A_185 = arith.constant 96 : i32
        %dma_wait3A_186 = arith.constant 0 : i32
        %dma_wait3A_187 = tpu.memref_slice %arg7[%dma_wait3A_185, %dma_wait3A_186] : memref<200x128xi32, #tpu.memory_space<vmem>> -> memref<104x128xi32, #tpu.memory_space<vmem>>
        %dma_wait3A_188 = arith.constant 96 : i32
        %dma_wait3A_189 = tpu.memref_slice %arg3[%dma_wait3A_188, %multiple_of3A] : memref<200x4096xi32, #tpu.memory_space<hbm>> -> memref<104x128xi32, #tpu.memory_space<hbm>>
        %dma_wait3A_190 = tpu.memref_slice %arg12[%dma_wait3A] : memref<4x!tpu.dma_semaphore, #tpu.memory_space<semaphore_mem>> -> memref<1x!tpu.dma_semaphore, #tpu.memory_space<semaphore_mem>>
        %dma_wait3A_191 = tpu.memref_squeeze %dma_wait3A_190 : memref<1x!tpu.dma_semaphore, #tpu.memory_space<semaphore_mem>> -> memref<!tpu.dma_semaphore, #tpu.memory_space<semaphore_mem>>
        %dma_wait3A_192 = arith.constant 96 : i32
        %dma_wait3A_193 = arith.constant 0 : i32
        %dma_wait3A_194 = tpu.memref_slice %arg7[%dma_wait3A_192, %dma_wait3A_193] : memref<200x128xi32, #tpu.memory_space<vmem>> -> memref<104x128xi32, #tpu.memory_space<vmem>>
        %dma_wait3A_195 = arith.constant 96 : i32
        %dma_wait3A_196 = tpu.memref_slice %arg3[%dma_wait3A_195, %multiple_of3A] : memref<200x4096xi32, #tpu.memory_space<hbm>> -> memref<104x128xi32, #tpu.memory_space<hbm>>
        tpu.wait_dma2 semaphore(%dma_wait3A_191 : memref<!tpu.dma_semaphore, #tpu.memory_space<semaphore_mem>>) src(%dma_wait3A_196 : memref<104x128xi32, #tpu.memory_space<hbm>>) dst(%dma_wait3A_194 : memref<104x128xi32, #tpu.memory_space<vmem>>)
      } else {
      }
      %scan3A_128 = arith.constant 0 : i32
      %scan3A_129 = arith.constant 13 : i32
      %scan3A_130 = arith.addi %scan3A_128, %scan3A_129 : i32
      %scan3A_131 = arith.constant 1 : i32
      %scan3A_132:6 = scf.for %scan3A_185 = %scan3A_128 to %scan3A_130 step %scan3A_131 iter_args(%scan3A_186 = %broadcast_in_dim3A_101, %scan3A_187 = %broadcast_in_dim3A_101, %scan3A_188 = %broadcast_in_dim3A_122, %scan3A_189 = %broadcast_in_dim3A_122, %scan3A_190 = %broadcast_in_dim3A_101, %scan3A_191 = %broadcast_in_dim3A_101) -> (vector<16xf32>, vector<16xf32>, vector<16xi32>, vector<16xi32>, vector<16xf32>, vector<16xf32>)  : i32 {
        %sub3A_192 = arith.constant 24 : i32
        %sub3A_193 = arith.subi %sub3A_192, %scan3A_185 : i32
        %mul3A_194 = arith.constant 8 : i32
        %mul3A_195 = arith.muli %sub3A_193, %mul3A_194 : i32
        %add3A_196 = arith.constant 0 : i32
        %add3A_197 = arith.addi %mul3A_195, %add3A_196 : i32
        %get3A = arith.index_cast %add3A_197 : i32 to index
        %get3A_198 = arith.index_cast %mul3A_94 : i32 to index
        %get3A_199 = tpu.vector_load %arg7[%get3A, %get3A_198] {strides = array<i32>} : memref<200x128xi32, #tpu.memory_space<vmem>>, vector<16xi32>,
        %add3A_200 = arith.addi %mul3A_5, %get3A_199 : vector<16xi32>
        %add3A_201 = arith.constant 1 : i32
        %add3A_202 = arith.addi %mul3A_195, %add3A_201 : i32
        %get3A_203 = arith.index_cast %add3A_202 : i32 to index
        %get3A_204 = arith.index_cast %mul3A_94 : i32 to index
        %get3A_205 = tpu.vector_load %arg7[%get3A_203, %get3A_204] {strides = array<i32>} : memref<200x128xi32, #tpu.memory_space<vmem>>, vector<16xi32>,
        %add3A_206 = arith.addi %mul3A_5, %get3A_205 : vector<16xi32>
        %add3A_207 = arith.constant 2 : i32
        %add3A_208 = arith.addi %mul3A_195, %add3A_207 : i32
        %get3A_209 = arith.index_cast %add3A_208 : i32 to index
        %get3A_210 = arith.index_cast %mul3A_94 : i32 to index
        %get3A_211 = tpu.vector_load %arg7[%get3A_209, %get3A_210] {strides = array<i32>} : memref<200x128xi32, #tpu.memory_space<vmem>>, vector<16xi32>,
        %add3A_212 = arith.addi %mul3A_5, %get3A_211 : vector<16xi32>
        %add3A_213 = arith.constant 3 : i32
        %add3A_214 = arith.addi %mul3A_195, %add3A_213 : i32
        %get3A_215 = arith.index_cast %add3A_214 : i32 to index
        %get3A_216 = arith.index_cast %mul3A_94 : i32 to index
        %get3A_217 = tpu.vector_load %arg7[%get3A_215, %get3A_216] {strides = array<i32>} : memref<200x128xi32, #tpu.memory_space<vmem>>, vector<16xi32>,
        %add3A_218 = arith.addi %mul3A_5, %get3A_217 : vector<16xi32>
        %add3A_219 = arith.constant 4 : i32
        %add3A_220 = arith.addi %mul3A_195, %add3A_219 : i32
        %get3A_221 = arith.index_cast %add3A_220 : i32 to index
        %get3A_222 = arith.index_cast %mul3A_94 : i32 to index
        %get3A_223 = tpu.vector_load %arg7[%get3A_221, %get3A_222] {strides = array<i32>} : memref<200x128xi32, #tpu.memory_space<vmem>>, vector<16xi32>,
        %add3A_224 = arith.addi %mul3A_5, %get3A_223 : vector<16xi32>
        %add3A_225 = arith.constant 5 : i32
        %add3A_226 = arith.addi %mul3A_195, %add3A_225 : i32
        %get3A_227 = arith.index_cast %add3A_226 : i32 to index
        %get3A_228 = arith.index_cast %mul3A_94 : i32 to index
        %get3A_229 = tpu.vector_load %arg7[%get3A_227, %get3A_228] {strides = array<i32>} : memref<200x128xi32, #tpu.memory_space<vmem>>, vector<16xi32>,
        %add3A_230 = arith.addi %mul3A_5, %get3A_229 : vector<16xi32>
        %add3A_231 = arith.constant 6 : i32
        %add3A_232 = arith.addi %mul3A_195, %add3A_231 : i32
        %get3A_233 = arith.index_cast %add3A_232 : i32 to index
        %get3A_234 = arith.index_cast %mul3A_94 : i32 to index
        %get3A_235 = tpu.vector_load %arg7[%get3A_233, %get3A_234] {strides = array<i32>} : memref<200x128xi32, #tpu.memory_space<vmem>>, vector<16xi32>,
        %add3A_236 = arith.addi %mul3A_5, %get3A_235 : vector<16xi32>
        %add3A_237 = arith.constant 7 : i32
        %add3A_238 = arith.addi %mul3A_195, %add3A_237 : i32
        %get3A_239 = arith.index_cast %add3A_238 : i32 to index
        %get3A_240 = arith.index_cast %mul3A_94 : i32 to index
        %get3A_241 = tpu.vector_load %arg7[%get3A_239, %get3A_240] {strides = array<i32>} : memref<200x128xi32, #tpu.memory_space<vmem>>, vector<16xi32>,
        %add3A_242 = arith.addi %mul3A_5, %get3A_241 : vector<16xi32>
        %add3A_243 = arith.constant 0 : i32
        %add3A_244 = arith.addi %mul3A_195, %add3A_243 : i32
        %get3A_245 = arith.index_cast %add3A_244 : i32 to index
        %get3A_246 = arith.index_cast %add3A_100 : i32 to index
        %get3A_247 = tpu.vector_load %arg7[%get3A_245, %get3A_246] {strides = array<i32>} : memref<200x128xi32, #tpu.memory_space<vmem>>, vector<16xi32>,
        %add3A_248 = arith.addi %mul3A_5, %get3A_247 : vector<16xi32>
        %add3A_249 = arith.constant 1 : i32
        %add3A_250 = arith.addi %mul3A_195, %add3A_249 : i32
        %get3A_251 = arith.index_cast %add3A_250 : i32 to index
        %get3A_252 = arith.index_cast %add3A_100 : i32 to index
        %get3A_253 = tpu.vector_load %arg7[%get3A_251, %get3A_252] {strides = array<i32>} : memref<200x128xi32, #tpu.memory_space<vmem>>, vector<16xi32>,
        %add3A_254 = arith.addi %mul3A_5, %get3A_253 : vector<16xi32>
        %add3A_255 = arith.constant 2 : i32
        %add3A_256 = arith.addi %mul3A_195, %add3A_255 : i32
        %get3A_257 = arith.index_cast %add3A_256 : i32 to index
        %get3A_258 = arith.index_cast %add3A_100 : i32 to index
        %get3A_259 = tpu.vector_load %arg7[%get3A_257, %get3A_258] {strides = array<i32>} : memref<200x128xi32, #tpu.memory_space<vmem>>, vector<16xi32>,
        %add3A_260 = arith.addi %mul3A_5, %get3A_259 : vector<16xi32>
        %add3A_261 = arith.constant 3 : i32
        %add3A_262 = arith.addi %mul3A_195, %add3A_261 : i32
        %get3A_263 = arith.index_cast %add3A_262 : i32 to index
        %get3A_264 = arith.index_cast %add3A_100 : i32 to index
        %get3A_265 = tpu.vector_load %arg7[%get3A_263, %get3A_264] {strides = array<i32>} : memref<200x128xi32, #tpu.memory_space<vmem>>, vector<16xi32>,
        %add3A_266 = arith.addi %mul3A_5, %get3A_265 : vector<16xi32>
        %add3A_267 = arith.constant 4 : i32
        %add3A_268 = arith.addi %mul3A_195, %add3A_267 : i32
        %get3A_269 = arith.index_cast %add3A_268 : i32 to index
        %get3A_270 = arith.index_cast %add3A_100 : i32 to index
        %get3A_271 = tpu.vector_load %arg7[%get3A_269, %get3A_270] {strides = array<i32>} : memref<200x128xi32, #tpu.memory_space<vmem>>, vector<16xi32>,
        %add3A_272 = arith.addi %mul3A_5, %get3A_271 : vector<16xi32>
        %add3A_273 = arith.constant 5 : i32
        %add3A_274 = arith.addi %mul3A_195, %add3A_273 : i32
        %get3A_275 = arith.index_cast %add3A_274 : i32 to index
        %get3A_276 = arith.index_cast %add3A_100 : i32 to index
        %get3A_277 = tpu.vector_load %arg7[%get3A_275, %get3A_276] {strides = array<i32>} : memref<200x128xi32, #tpu.memory_space<vmem>>, vector<16xi32>,
        %add3A_278 = arith.addi %mul3A_5, %get3A_277 : vector<16xi32>
        %add3A_279 = arith.constant 6 : i32
        %add3A_280 = arith.addi %mul3A_195, %add3A_279 : i32
        %get3A_281 = arith.index_cast %add3A_280 : i32 to index
        %get3A_282 = arith.index_cast %add3A_100 : i32 to index
        %get3A_283 = tpu.vector_load %arg7[%get3A_281, %get3A_282] {strides = array<i32>} : memref<200x128xi32, #tpu.memory_space<vmem>>, vector<16xi32>,
        %add3A_284 = arith.addi %mul3A_5, %get3A_283 : vector<16xi32>
        %add3A_285 = arith.constant 7 : i32
        %add3A_286 = arith.addi %mul3A_195, %add3A_285 : i32
        %get3A_287 = arith.index_cast %add3A_286 : i32 to index
        %get3A_288 = arith.index_cast %add3A_100 : i32 to index
        %get3A_289 = tpu.vector_load %arg7[%get3A_287, %get3A_288] {strides = array<i32>} : memref<200x128xi32, #tpu.memory_space<vmem>>, vector<16xi32>,
        %add3A_290 = arith.addi %mul3A_5, %get3A_289 : vector<16xi32>
        %gather3A = tpu.vector_load_idx %arg9[%add3A_200] : memref<3200xf32, #tpu.memory_space<vmem>>[vector<16xi32>], vector<16xf32>,
        %gather3A_291 = tpu.vector_load_idx %arg9[%add3A_206] : memref<3200xf32, #tpu.memory_space<vmem>>[vector<16xi32>], vector<16xf32>,
        %gather3A_292 = tpu.vector_load_idx %arg9[%add3A_212] : memref<3200xf32, #tpu.memory_space<vmem>>[vector<16xi32>], vector<16xf32>,
        %gather3A_293 = tpu.vector_load_idx %arg9[%add3A_218] : memref<3200xf32, #tpu.memory_space<vmem>>[vector<16xi32>], vector<16xf32>,
        %gather3A_294 = tpu.vector_load_idx %arg9[%add3A_224] : memref<3200xf32, #tpu.memory_space<vmem>>[vector<16xi32>], vector<16xf32>,
        %gather3A_295 = tpu.vector_load_idx %arg9[%add3A_230] : memref<3200xf32, #tpu.memory_space<vmem>>[vector<16xi32>], vector<16xf32>,
        %gather3A_296 = tpu.vector_load_idx %arg9[%add3A_236] : memref<3200xf32, #tpu.memory_space<vmem>>[vector<16xi32>], vector<16xf32>,
        %gather3A_297 = tpu.vector_load_idx %arg9[%add3A_242] : memref<3200xf32, #tpu.memory_space<vmem>>[vector<16xi32>], vector<16xf32>,
        %gather3A_298 = tpu.vector_load_idx %arg10[%add3A_248] : memref<3200xf32, #tpu.memory_space<vmem>>[vector<16xi32>], vector<16xf32>,
        %gather3A_299 = tpu.vector_load_idx %arg10[%add3A_254] : memref<3200xf32, #tpu.memory_space<vmem>>[vector<16xi32>], vector<16xf32>,
        %gather3A_300 = tpu.vector_load_idx %arg10[%add3A_260] : memref<3200xf32, #tpu.memory_space<vmem>>[vector<16xi32>], vector<16xf32>,
        %gather3A_301 = tpu.vector_load_idx %arg10[%add3A_266] : memref<3200xf32, #tpu.memory_space<vmem>>[vector<16xi32>], vector<16xf32>,
        %gather3A_302 = tpu.vector_load_idx %arg10[%add3A_272] : memref<3200xf32, #tpu.memory_space<vmem>>[vector<16xi32>], vector<16xf32>,
        %gather3A_303 = tpu.vector_load_idx %arg10[%add3A_278] : memref<3200xf32, #tpu.memory_space<vmem>>[vector<16xi32>], vector<16xf32>,
        %gather3A_304 = tpu.vector_load_idx %arg10[%add3A_284] : memref<3200xf32, #tpu.memory_space<vmem>>[vector<16xi32>], vector<16xf32>,
        %gather3A_305 = tpu.vector_load_idx %arg10[%add3A_290] : memref<3200xf32, #tpu.memory_space<vmem>>[vector<16xi32>], vector<16xf32>,
        %add3A_306 = arith.addf %scan3A_186, %gather3A_297 : vector<16xf32>
        %bitcast3A = vector.bitcast %add3A_306 : vector<16xf32> to vector<16xi32>
        %shift_right_arithmetic3A = arith.constant 23 : i32
        %shift_right_arithmetic3A_307 = vector.broadcast %shift_right_arithmetic3A : i32 to vector<16xi32>
        %shift_right_arithmetic3A_308 = arith.shrsi %bitcast3A, %shift_right_arithmetic3A_307 : vector<16xi32>
        %and3A = arith.constant 8388607 : i32
        %and3A_309 = vector.broadcast %and3A : i32 to vector<16xi32>
        %and3A_310 = arith.andi %bitcast3A, %and3A_309 : vector<16xi32>
        %or3A = arith.constant 1065353216 : i32
        %or3A_311 = vector.broadcast %or3A : i32 to vector<16xi32>
        %or3A_312 = arith.ori %and3A_310, %or3A_311 : vector<16xi32>
        %bitcast3A_313 = vector.bitcast %or3A_312 : vector<16xi32> to vector<16xf32>
        %mul3A_314 = arith.constant -0.336881846 : f32
        %mul3A_315 = vector.broadcast %mul3A_314 : f32 to vector<16xf32>
        %mul3A_316 = arith.mulf %bitcast3A_313, %mul3A_315 : vector<16xf32>
        %add3A_317 = arith.constant 1.99490333 : f32
        %add3A_318 = vector.broadcast %add3A_317 : f32 to vector<16xf32>
        %add3A_319 = arith.addf %add3A_318, %mul3A_316 : vector<16xf32>
        %mul3A_320 = arith.mulf %bitcast3A_313, %add3A_319 : vector<16xf32>
        %add3A_321 = arith.constant -1.64899242 : f32
        %add3A_322 = vector.broadcast %add3A_321 : f32 to vector<16xf32>
        %add3A_323 = arith.addf %add3A_322, %mul3A_320 : vector<16xf32>
        %add3A_324 = arith.addi %scan3A_188, %shift_right_arithmetic3A_308 : vector<16xi32>
        %add3A_325 = arith.addf %scan3A_190, %add3A_323 : vector<16xf32>
        %add3A_326 = arith.addf %scan3A_187, %gather3A_305 : vector<16xf32>
        %bitcast3A_327 = vector.bitcast %add3A_326 : vector<16xf32> to vector<16xi32>
        %shift_right_arithmetic3A_328 = arith.constant 23 : i32
        %shift_right_arithmetic3A_329 = vector.broadcast %shift_right_arithmetic3A_328 : i32 to vector<16xi32>
        %shift_right_arithmetic3A_330 = arith.shrsi %bitcast3A_327, %shift_right_arithmetic3A_329 : vector<16xi32>
        %and3A_331 = arith.constant 8388607 : i32
        %and3A_332 = vector.broadcast %and3A_331 : i32 to vector<16xi32>
        %and3A_333 = arith.andi %bitcast3A_327, %and3A_332 : vector<16xi32>
        %or3A_334 = arith.constant 1065353216 : i32
        %or3A_335 = vector.broadcast %or3A_334 : i32 to vector<16xi32>
        %or3A_336 = arith.ori %and3A_333, %or3A_335 : vector<16xi32>
        %bitcast3A_337 = vector.bitcast %or3A_336 : vector<16xi32> to vector<16xf32>
        %mul3A_338 = arith.constant -0.336881846 : f32
        %mul3A_339 = vector.broadcast %mul3A_338 : f32 to vector<16xf32>
        %mul3A_340 = arith.mulf %bitcast3A_337, %mul3A_339 : vector<16xf32>
        %add3A_341 = arith.constant 1.99490333 : f32
        %add3A_342 = vector.broadcast %add3A_341 : f32 to vector<16xf32>
        %add3A_343 = arith.addf %add3A_342, %mul3A_340 : vector<16xf32>
        %mul3A_344 = arith.mulf %bitcast3A_337, %add3A_343 : vector<16xf32>
        %add3A_345 = arith.constant -1.64899242 : f32
        %add3A_346 = vector.broadcast %add3A_345 : f32 to vector<16xf32>
        %add3A_347 = arith.addf %add3A_346, %mul3A_344 : vector<16xf32>
        %add3A_348 = arith.addi %scan3A_189, %shift_right_arithmetic3A_330 : vector<16xi32>
        %add3A_349 = arith.addf %scan3A_191, %add3A_347 : vector<16xf32>
        %add3A_350 = arith.addf %add3A_306, %gather3A_296 : vector<16xf32>
        %bitcast3A_351 = vector.bitcast %add3A_350 : vector<16xf32> to vector<16xi32>
        %shift_right_arithmetic3A_352 = arith.constant 23 : i32
        %shift_right_arithmetic3A_353 = vector.broadcast %shift_right_arithmetic3A_352 : i32 to vector<16xi32>
        %shift_right_arithmetic3A_354 = arith.shrsi %bitcast3A_351, %shift_right_arithmetic3A_353 : vector<16xi32>
        %and3A_355 = arith.constant 8388607 : i32
        %and3A_356 = vector.broadcast %and3A_355 : i32 to vector<16xi32>
        %and3A_357 = arith.andi %bitcast3A_351, %and3A_356 : vector<16xi32>
        %or3A_358 = arith.constant 1065353216 : i32
        %or3A_359 = vector.broadcast %or3A_358 : i32 to vector<16xi32>
        %or3A_360 = arith.ori %and3A_357, %or3A_359 : vector<16xi32>
        %bitcast3A_361 = vector.bitcast %or3A_360 : vector<16xi32> to vector<16xf32>
        %mul3A_362 = arith.constant -0.336881846 : f32
        %mul3A_363 = vector.broadcast %mul3A_362 : f32 to vector<16xf32>
        %mul3A_364 = arith.mulf %bitcast3A_361, %mul3A_363 : vector<16xf32>
        %add3A_365 = arith.constant 1.99490333 : f32
        %add3A_366 = vector.broadcast %add3A_365 : f32 to vector<16xf32>
        %add3A_367 = arith.addf %add3A_366, %mul3A_364 : vector<16xf32>
        %mul3A_368 = arith.mulf %bitcast3A_361, %add3A_367 : vector<16xf32>
        %add3A_369 = arith.constant -1.64899242 : f32
        %add3A_370 = vector.broadcast %add3A_369 : f32 to vector<16xf32>
        %add3A_371 = arith.addf %add3A_370, %mul3A_368 : vector<16xf32>
        %add3A_372 = arith.addi %add3A_324, %shift_right_arithmetic3A_354 : vector<16xi32>
        %add3A_373 = arith.addf %add3A_325, %add3A_371 : vector<16xf32>
        %add3A_374 = arith.addf %add3A_326, %gather3A_304 : vector<16xf32>
        %bitcast3A_375 = vector.bitcast %add3A_374 : vector<16xf32> to vector<16xi32>
        %shift_right_arithmetic3A_376 = arith.constant 23 : i32
        %shift_right_arithmetic3A_377 = vector.broadcast %shift_right_arithmetic3A_376 : i32 to vector<16xi32>
        %shift_right_arithmetic3A_378 = arith.shrsi %bitcast3A_375, %shift_right_arithmetic3A_377 : vector<16xi32>
        %and3A_379 = arith.constant 8388607 : i32
        %and3A_380 = vector.broadcast %and3A_379 : i32 to vector<16xi32>
        %and3A_381 = arith.andi %bitcast3A_375, %and3A_380 : vector<16xi32>
        %or3A_382 = arith.constant 1065353216 : i32
        %or3A_383 = vector.broadcast %or3A_382 : i32 to vector<16xi32>
        %or3A_384 = arith.ori %and3A_381, %or3A_383 : vector<16xi32>
        %bitcast3A_385 = vector.bitcast %or3A_384 : vector<16xi32> to vector<16xf32>
        %mul3A_386 = arith.constant -0.336881846 : f32
        %mul3A_387 = vector.broadcast %mul3A_386 : f32 to vector<16xf32>
        %mul3A_388 = arith.mulf %bitcast3A_385, %mul3A_387 : vector<16xf32>
        %add3A_389 = arith.constant 1.99490333 : f32
        %add3A_390 = vector.broadcast %add3A_389 : f32 to vector<16xf32>
        %add3A_391 = arith.addf %add3A_390, %mul3A_388 : vector<16xf32>
        %mul3A_392 = arith.mulf %bitcast3A_385, %add3A_391 : vector<16xf32>
        %add3A_393 = arith.constant -1.64899242 : f32
        %add3A_394 = vector.broadcast %add3A_393 : f32 to vector<16xf32>
        %add3A_395 = arith.addf %add3A_394, %mul3A_392 : vector<16xf32>
        %add3A_396 = arith.addi %add3A_348, %shift_right_arithmetic3A_378 : vector<16xi32>
        %add3A_397 = arith.addf %add3A_349, %add3A_395 : vector<16xf32>
        %add3A_398 = arith.addf %add3A_350, %gather3A_295 : vector<16xf32>
        %bitcast3A_399 = vector.bitcast %add3A_398 : vector<16xf32> to vector<16xi32>
        %shift_right_arithmetic3A_400 = arith.constant 23 : i32
        %shift_right_arithmetic3A_401 = vector.broadcast %shift_right_arithmetic3A_400 : i32 to vector<16xi32>
        %shift_right_arithmetic3A_402 = arith.shrsi %bitcast3A_399, %shift_right_arithmetic3A_401 : vector<16xi32>
        %and3A_403 = arith.constant 8388607 : i32
        %and3A_404 = vector.broadcast %and3A_403 : i32 to vector<16xi32>
        %and3A_405 = arith.andi %bitcast3A_399, %and3A_404 : vector<16xi32>
        %or3A_406 = arith.constant 1065353216 : i32
        %or3A_407 = vector.broadcast %or3A_406 : i32 to vector<16xi32>
        %or3A_408 = arith.ori %and3A_405, %or3A_407 : vector<16xi32>
        %bitcast3A_409 = vector.bitcast %or3A_408 : vector<16xi32> to vector<16xf32>
        %mul3A_410 = arith.constant -0.336881846 : f32
        %mul3A_411 = vector.broadcast %mul3A_410 : f32 to vector<16xf32>
        %mul3A_412 = arith.mulf %bitcast3A_409, %mul3A_411 : vector<16xf32>
        %add3A_413 = arith.constant 1.99490333 : f32
        %add3A_414 = vector.broadcast %add3A_413 : f32 to vector<16xf32>
        %add3A_415 = arith.addf %add3A_414, %mul3A_412 : vector<16xf32>
        %mul3A_416 = arith.mulf %bitcast3A_409, %add3A_415 : vector<16xf32>
        %add3A_417 = arith.constant -1.64899242 : f32
        %add3A_418 = vector.broadcast %add3A_417 : f32 to vector<16xf32>
        %add3A_419 = arith.addf %add3A_418, %mul3A_416 : vector<16xf32>
        %add3A_420 = arith.addi %add3A_372, %shift_right_arithmetic3A_402 : vector<16xi32>
        %add3A_421 = arith.addf %add3A_373, %add3A_419 : vector<16xf32>
        %add3A_422 = arith.addf %add3A_374, %gather3A_303 : vector<16xf32>
        %bitcast3A_423 = vector.bitcast %add3A_422 : vector<16xf32> to vector<16xi32>
        %shift_right_arithmetic3A_424 = arith.constant 23 : i32
        %shift_right_arithmetic3A_425 = vector.broadcast %shift_right_arithmetic3A_424 : i32 to vector<16xi32>
        %shift_right_arithmetic3A_426 = arith.shrsi %bitcast3A_423, %shift_right_arithmetic3A_425 : vector<16xi32>
        %and3A_427 = arith.constant 8388607 : i32
        %and3A_428 = vector.broadcast %and3A_427 : i32 to vector<16xi32>
        %and3A_429 = arith.andi %bitcast3A_423, %and3A_428 : vector<16xi32>
        %or3A_430 = arith.constant 1065353216 : i32
        %or3A_431 = vector.broadcast %or3A_430 : i32 to vector<16xi32>
        %or3A_432 = arith.ori %and3A_429, %or3A_431 : vector<16xi32>
        %bitcast3A_433 = vector.bitcast %or3A_432 : vector<16xi32> to vector<16xf32>
        %mul3A_434 = arith.constant -0.336881846 : f32
        %mul3A_435 = vector.broadcast %mul3A_434 : f32 to vector<16xf32>
        %mul3A_436 = arith.mulf %bitcast3A_433, %mul3A_435 : vector<16xf32>
        %add3A_437 = arith.constant 1.99490333 : f32
        %add3A_438 = vector.broadcast %add3A_437 : f32 to vector<16xf32>
        %add3A_439 = arith.addf %add3A_438, %mul3A_436 : vector<16xf32>
        %mul3A_440 = arith.mulf %bitcast3A_433, %add3A_439 : vector<16xf32>
        %add3A_441 = arith.constant -1.64899242 : f32
        %add3A_442 = vector.broadcast %add3A_441 : f32 to vector<16xf32>
        %add3A_443 = arith.addf %add3A_442, %mul3A_440 : vector<16xf32>
        %add3A_444 = arith.addi %add3A_396, %shift_right_arithmetic3A_426 : vector<16xi32>
        %add3A_445 = arith.addf %add3A_397, %add3A_443 : vector<16xf32>
        %add3A_446 = arith.addf %add3A_398, %gather3A_294 : vector<16xf32>
        %bitcast3A_447 = vector.bitcast %add3A_446 : vector<16xf32> to vector<16xi32>
        %shift_right_arithmetic3A_448 = arith.constant 23 : i32
        %shift_right_arithmetic3A_449 = vector.broadcast %shift_right_arithmetic3A_448 : i32 to vector<16xi32>
        %shift_right_arithmetic3A_450 = arith.shrsi %bitcast3A_447, %shift_right_arithmetic3A_449 : vector<16xi32>
        %and3A_451 = arith.constant 8388607 : i32
        %and3A_452 = vector.broadcast %and3A_451 : i32 to vector<16xi32>
        %and3A_453 = arith.andi %bitcast3A_447, %and3A_452 : vector<16xi32>
        %or3A_454 = arith.constant 1065353216 : i32
        %or3A_455 = vector.broadcast %or3A_454 : i32 to vector<16xi32>
        %or3A_456 = arith.ori %and3A_453, %or3A_455 : vector<16xi32>
        %bitcast3A_457 = vector.bitcast %or3A_456 : vector<16xi32> to vector<16xf32>
        %mul3A_458 = arith.constant -0.336881846 : f32
        %mul3A_459 = vector.broadcast %mul3A_458 : f32 to vector<16xf32>
        %mul3A_460 = arith.mulf %bitcast3A_457, %mul3A_459 : vector<16xf32>
        %add3A_461 = arith.constant 1.99490333 : f32
        %add3A_462 = vector.broadcast %add3A_461 : f32 to vector<16xf32>
        %add3A_463 = arith.addf %add3A_462, %mul3A_460 : vector<16xf32>
        %mul3A_464 = arith.mulf %bitcast3A_457, %add3A_463 : vector<16xf32>
        %add3A_465 = arith.constant -1.64899242 : f32
        %add3A_466 = vector.broadcast %add3A_465 : f32 to vector<16xf32>
        %add3A_467 = arith.addf %add3A_466, %mul3A_464 : vector<16xf32>
        %add3A_468 = arith.addi %add3A_420, %shift_right_arithmetic3A_450 : vector<16xi32>
        %add3A_469 = arith.addf %add3A_421, %add3A_467 : vector<16xf32>
        %add3A_470 = arith.addf %add3A_422, %gather3A_302 : vector<16xf32>
        %bitcast3A_471 = vector.bitcast %add3A_470 : vector<16xf32> to vector<16xi32>
        %shift_right_arithmetic3A_472 = arith.constant 23 : i32
        %shift_right_arithmetic3A_473 = vector.broadcast %shift_right_arithmetic3A_472 : i32 to vector<16xi32>
        %shift_right_arithmetic3A_474 = arith.shrsi %bitcast3A_471, %shift_right_arithmetic3A_473 : vector<16xi32>
        %and3A_475 = arith.constant 8388607 : i32
        %and3A_476 = vector.broadcast %and3A_475 : i32 to vector<16xi32>
        %and3A_477 = arith.andi %bitcast3A_471, %and3A_476 : vector<16xi32>
        %or3A_478 = arith.constant 1065353216 : i32
        %or3A_479 = vector.broadcast %or3A_478 : i32 to vector<16xi32>
        %or3A_480 = arith.ori %and3A_477, %or3A_479 : vector<16xi32>
        %bitcast3A_481 = vector.bitcast %or3A_480 : vector<16xi32> to vector<16xf32>
        %mul3A_482 = arith.constant -0.336881846 : f32
        %mul3A_483 = vector.broadcast %mul3A_482 : f32 to vector<16xf32>
        %mul3A_484 = arith.mulf %bitcast3A_481, %mul3A_483 : vector<16xf32>
        %add3A_485 = arith.constant 1.99490333 : f32
        %add3A_486 = vector.broadcast %add3A_485 : f32 to vector<16xf32>
        %add3A_487 = arith.addf %add3A_486, %mul3A_484 : vector<16xf32>
        %mul3A_488 = arith.mulf %bitcast3A_481, %add3A_487 : vector<16xf32>
        %add3A_489 = arith.constant -1.64899242 : f32
        %add3A_490 = vector.broadcast %add3A_489 : f32 to vector<16xf32>
        %add3A_491 = arith.addf %add3A_490, %mul3A_488 : vector<16xf32>
        %add3A_492 = arith.addi %add3A_444, %shift_right_arithmetic3A_474 : vector<16xi32>
        %add3A_493 = arith.addf %add3A_445, %add3A_491 : vector<16xf32>
        %add3A_494 = arith.addf %add3A_446, %gather3A_293 : vector<16xf32>
        %bitcast3A_495 = vector.bitcast %add3A_494 : vector<16xf32> to vector<16xi32>
        %shift_right_arithmetic3A_496 = arith.constant 23 : i32
        %shift_right_arithmetic3A_497 = vector.broadcast %shift_right_arithmetic3A_496 : i32 to vector<16xi32>
        %shift_right_arithmetic3A_498 = arith.shrsi %bitcast3A_495, %shift_right_arithmetic3A_497 : vector<16xi32>
        %and3A_499 = arith.constant 8388607 : i32
        %and3A_500 = vector.broadcast %and3A_499 : i32 to vector<16xi32>
        %and3A_501 = arith.andi %bitcast3A_495, %and3A_500 : vector<16xi32>
        %or3A_502 = arith.constant 1065353216 : i32
        %or3A_503 = vector.broadcast %or3A_502 : i32 to vector<16xi32>
        %or3A_504 = arith.ori %and3A_501, %or3A_503 : vector<16xi32>
        %bitcast3A_505 = vector.bitcast %or3A_504 : vector<16xi32> to vector<16xf32>
        %mul3A_506 = arith.constant -0.336881846 : f32
        %mul3A_507 = vector.broadcast %mul3A_506 : f32 to vector<16xf32>
        %mul3A_508 = arith.mulf %bitcast3A_505, %mul3A_507 : vector<16xf32>
        %add3A_509 = arith.constant 1.99490333 : f32
        %add3A_510 = vector.broadcast %add3A_509 : f32 to vector<16xf32>
        %add3A_511 = arith.addf %add3A_510, %mul3A_508 : vector<16xf32>
        %mul3A_512 = arith.mulf %bitcast3A_505, %add3A_511 : vector<16xf32>
        %add3A_513 = arith.constant -1.64899242 : f32
        %add3A_514 = vector.broadcast %add3A_513 : f32 to vector<16xf32>
        %add3A_515 = arith.addf %add3A_514, %mul3A_512 : vector<16xf32>
        %add3A_516 = arith.addi %add3A_468, %shift_right_arithmetic3A_498 : vector<16xi32>
        %add3A_517 = arith.addf %add3A_469, %add3A_515 : vector<16xf32>
        %add3A_518 = arith.addf %add3A_470, %gather3A_301 : vector<16xf32>
        %bitcast3A_519 = vector.bitcast %add3A_518 : vector<16xf32> to vector<16xi32>
        %shift_right_arithmetic3A_520 = arith.constant 23 : i32
        %shift_right_arithmetic3A_521 = vector.broadcast %shift_right_arithmetic3A_520 : i32 to vector<16xi32>
        %shift_right_arithmetic3A_522 = arith.shrsi %bitcast3A_519, %shift_right_arithmetic3A_521 : vector<16xi32>
        %and3A_523 = arith.constant 8388607 : i32
        %and3A_524 = vector.broadcast %and3A_523 : i32 to vector<16xi32>
        %and3A_525 = arith.andi %bitcast3A_519, %and3A_524 : vector<16xi32>
        %or3A_526 = arith.constant 1065353216 : i32
        %or3A_527 = vector.broadcast %or3A_526 : i32 to vector<16xi32>
        %or3A_528 = arith.ori %and3A_525, %or3A_527 : vector<16xi32>
        %bitcast3A_529 = vector.bitcast %or3A_528 : vector<16xi32> to vector<16xf32>
        %mul3A_530 = arith.constant -0.336881846 : f32
        %mul3A_531 = vector.broadcast %mul3A_530 : f32 to vector<16xf32>
        %mul3A_532 = arith.mulf %bitcast3A_529, %mul3A_531 : vector<16xf32>
        %add3A_533 = arith.constant 1.99490333 : f32
        %add3A_534 = vector.broadcast %add3A_533 : f32 to vector<16xf32>
        %add3A_535 = arith.addf %add3A_534, %mul3A_532 : vector<16xf32>
        %mul3A_536 = arith.mulf %bitcast3A_529, %add3A_535 : vector<16xf32>
        %add3A_537 = arith.constant -1.64899242 : f32
        %add3A_538 = vector.broadcast %add3A_537 : f32 to vector<16xf32>
        %add3A_539 = arith.addf %add3A_538, %mul3A_536 : vector<16xf32>
        %add3A_540 = arith.addi %add3A_492, %shift_right_arithmetic3A_522 : vector<16xi32>
        %add3A_541 = arith.addf %add3A_493, %add3A_539 : vector<16xf32>
        %add3A_542 = arith.addf %add3A_494, %gather3A_292 : vector<16xf32>
        %bitcast3A_543 = vector.bitcast %add3A_542 : vector<16xf32> to vector<16xi32>
        %shift_right_arithmetic3A_544 = arith.constant 23 : i32
        %shift_right_arithmetic3A_545 = vector.broadcast %shift_right_arithmetic3A_544 : i32 to vector<16xi32>
        %shift_right_arithmetic3A_546 = arith.shrsi %bitcast3A_543, %shift_right_arithmetic3A_545 : vector<16xi32>
        %and3A_547 = arith.constant 8388607 : i32
        %and3A_548 = vector.broadcast %and3A_547 : i32 to vector<16xi32>
        %and3A_549 = arith.andi %bitcast3A_543, %and3A_548 : vector<16xi32>
        %or3A_550 = arith.constant 1065353216 : i32
        %or3A_551 = vector.broadcast %or3A_550 : i32 to vector<16xi32>
        %or3A_552 = arith.ori %and3A_549, %or3A_551 : vector<16xi32>
        %bitcast3A_553 = vector.bitcast %or3A_552 : vector<16xi32> to vector<16xf32>
        %mul3A_554 = arith.constant -0.336881846 : f32
        %mul3A_555 = vector.broadcast %mul3A_554 : f32 to vector<16xf32>
        %mul3A_556 = arith.mulf %bitcast3A_553, %mul3A_555 : vector<16xf32>
        %add3A_557 = arith.constant 1.99490333 : f32
        %add3A_558 = vector.broadcast %add3A_557 : f32 to vector<16xf32>
        %add3A_559 = arith.addf %add3A_558, %mul3A_556 : vector<16xf32>
        %mul3A_560 = arith.mulf %bitcast3A_553, %add3A_559 : vector<16xf32>
        %add3A_561 = arith.constant -1.64899242 : f32
        %add3A_562 = vector.broadcast %add3A_561 : f32 to vector<16xf32>
        %add3A_563 = arith.addf %add3A_562, %mul3A_560 : vector<16xf32>
        %add3A_564 = arith.addi %add3A_516, %shift_right_arithmetic3A_546 : vector<16xi32>
        %add3A_565 = arith.addf %add3A_517, %add3A_563 : vector<16xf32>
        %add3A_566 = arith.addf %add3A_518, %gather3A_300 : vector<16xf32>
        %bitcast3A_567 = vector.bitcast %add3A_566 : vector<16xf32> to vector<16xi32>
        %shift_right_arithmetic3A_568 = arith.constant 23 : i32
        %shift_right_arithmetic3A_569 = vector.broadcast %shift_right_arithmetic3A_568 : i32 to vector<16xi32>
        %shift_right_arithmetic3A_570 = arith.shrsi %bitcast3A_567, %shift_right_arithmetic3A_569 : vector<16xi32>
        %and3A_571 = arith.constant 8388607 : i32
        %and3A_572 = vector.broadcast %and3A_571 : i32 to vector<16xi32>
        %and3A_573 = arith.andi %bitcast3A_567, %and3A_572 : vector<16xi32>
        %or3A_574 = arith.constant 1065353216 : i32
        %or3A_575 = vector.broadcast %or3A_574 : i32 to vector<16xi32>
        %or3A_576 = arith.ori %and3A_573, %or3A_575 : vector<16xi32>
        %bitcast3A_577 = vector.bitcast %or3A_576 : vector<16xi32> to vector<16xf32>
        %mul3A_578 = arith.constant -0.336881846 : f32
        %mul3A_579 = vector.broadcast %mul3A_578 : f32 to vector<16xf32>
        %mul3A_580 = arith.mulf %bitcast3A_577, %mul3A_579 : vector<16xf32>
        %add3A_581 = arith.constant 1.99490333 : f32
        %add3A_582 = vector.broadcast %add3A_581 : f32 to vector<16xf32>
        %add3A_583 = arith.addf %add3A_582, %mul3A_580 : vector<16xf32>
        %mul3A_584 = arith.mulf %bitcast3A_577, %add3A_583 : vector<16xf32>
        %add3A_585 = arith.constant -1.64899242 : f32
        %add3A_586 = vector.broadcast %add3A_585 : f32 to vector<16xf32>
        %add3A_587 = arith.addf %add3A_586, %mul3A_584 : vector<16xf32>
        %add3A_588 = arith.addi %add3A_540, %shift_right_arithmetic3A_570 : vector<16xi32>
        %add3A_589 = arith.addf %add3A_541, %add3A_587 : vector<16xf32>
        %add3A_590 = arith.addf %add3A_542, %gather3A_291 : vector<16xf32>
        %bitcast3A_591 = vector.bitcast %add3A_590 : vector<16xf32> to vector<16xi32>
        %shift_right_arithmetic3A_592 = arith.constant 23 : i32
        %shift_right_arithmetic3A_593 = vector.broadcast %shift_right_arithmetic3A_592 : i32 to vector<16xi32>
        %shift_right_arithmetic3A_594 = arith.shrsi %bitcast3A_591, %shift_right_arithmetic3A_593 : vector<16xi32>
        %and3A_595 = arith.constant 8388607 : i32
        %and3A_596 = vector.broadcast %and3A_595 : i32 to vector<16xi32>
        %and3A_597 = arith.andi %bitcast3A_591, %and3A_596 : vector<16xi32>
        %or3A_598 = arith.constant 1065353216 : i32
        %or3A_599 = vector.broadcast %or3A_598 : i32 to vector<16xi32>
        %or3A_600 = arith.ori %and3A_597, %or3A_599 : vector<16xi32>
        %bitcast3A_601 = vector.bitcast %or3A_600 : vector<16xi32> to vector<16xf32>
        %mul3A_602 = arith.constant -0.336881846 : f32
        %mul3A_603 = vector.broadcast %mul3A_602 : f32 to vector<16xf32>
        %mul3A_604 = arith.mulf %bitcast3A_601, %mul3A_603 : vector<16xf32>
        %add3A_605 = arith.constant 1.99490333 : f32
        %add3A_606 = vector.broadcast %add3A_605 : f32 to vector<16xf32>
        %add3A_607 = arith.addf %add3A_606, %mul3A_604 : vector<16xf32>
        %mul3A_608 = arith.mulf %bitcast3A_601, %add3A_607 : vector<16xf32>
        %add3A_609 = arith.constant -1.64899242 : f32
        %add3A_610 = vector.broadcast %add3A_609 : f32 to vector<16xf32>
        %add3A_611 = arith.addf %add3A_610, %mul3A_608 : vector<16xf32>
        %add3A_612 = arith.addi %add3A_564, %shift_right_arithmetic3A_594 : vector<16xi32>
        %add3A_613 = arith.addf %add3A_565, %add3A_611 : vector<16xf32>
        %add3A_614 = arith.addf %add3A_566, %gather3A_299 : vector<16xf32>
        %bitcast3A_615 = vector.bitcast %add3A_614 : vector<16xf32> to vector<16xi32>
        %shift_right_arithmetic3A_616 = arith.constant 23 : i32
        %shift_right_arithmetic3A_617 = vector.broadcast %shift_right_arithmetic3A_616 : i32 to vector<16xi32>
        %shift_right_arithmetic3A_618 = arith.shrsi %bitcast3A_615, %shift_right_arithmetic3A_617 : vector<16xi32>
        %and3A_619 = arith.constant 8388607 : i32
        %and3A_620 = vector.broadcast %and3A_619 : i32 to vector<16xi32>
        %and3A_621 = arith.andi %bitcast3A_615, %and3A_620 : vector<16xi32>
        %or3A_622 = arith.constant 1065353216 : i32
        %or3A_623 = vector.broadcast %or3A_622 : i32 to vector<16xi32>
        %or3A_624 = arith.ori %and3A_621, %or3A_623 : vector<16xi32>
        %bitcast3A_625 = vector.bitcast %or3A_624 : vector<16xi32> to vector<16xf32>
        %mul3A_626 = arith.constant -0.336881846 : f32
        %mul3A_627 = vector.broadcast %mul3A_626 : f32 to vector<16xf32>
        %mul3A_628 = arith.mulf %bitcast3A_625, %mul3A_627 : vector<16xf32>
        %add3A_629 = arith.constant 1.99490333 : f32
        %add3A_630 = vector.broadcast %add3A_629 : f32 to vector<16xf32>
        %add3A_631 = arith.addf %add3A_630, %mul3A_628 : vector<16xf32>
        %mul3A_632 = arith.mulf %bitcast3A_625, %add3A_631 : vector<16xf32>
        %add3A_633 = arith.constant -1.64899242 : f32
        %add3A_634 = vector.broadcast %add3A_633 : f32 to vector<16xf32>
        %add3A_635 = arith.addf %add3A_634, %mul3A_632 : vector<16xf32>
        %add3A_636 = arith.addi %add3A_588, %shift_right_arithmetic3A_618 : vector<16xi32>
        %add3A_637 = arith.addf %add3A_589, %add3A_635 : vector<16xf32>
        %add3A_638 = arith.addf %add3A_590, %gather3A : vector<16xf32>
        %bitcast3A_639 = vector.bitcast %add3A_638 : vector<16xf32> to vector<16xi32>
        %shift_right_arithmetic3A_640 = arith.constant 23 : i32
        %shift_right_arithmetic3A_641 = vector.broadcast %shift_right_arithmetic3A_640 : i32 to vector<16xi32>
        %shift_right_arithmetic3A_642 = arith.shrsi %bitcast3A_639, %shift_right_arithmetic3A_641 : vector<16xi32>
        %and3A_643 = arith.constant 8388607 : i32
        %and3A_644 = vector.broadcast %and3A_643 : i32 to vector<16xi32>
        %and3A_645 = arith.andi %bitcast3A_639, %and3A_644 : vector<16xi32>
        %or3A_646 = arith.constant 1065353216 : i32
        %or3A_647 = vector.broadcast %or3A_646 : i32 to vector<16xi32>
        %or3A_648 = arith.ori %and3A_645, %or3A_647 : vector<16xi32>
        %bitcast3A_649 = vector.bitcast %or3A_648 : vector<16xi32> to vector<16xf32>
        %mul3A_650 = arith.constant -0.336881846 : f32
        %mul3A_651 = vector.broadcast %mul3A_650 : f32 to vector<16xf32>
        %mul3A_652 = arith.mulf %bitcast3A_649, %mul3A_651 : vector<16xf32>
        %add3A_653 = arith.constant 1.99490333 : f32
        %add3A_654 = vector.broadcast %add3A_653 : f32 to vector<16xf32>
        %add3A_655 = arith.addf %add3A_654, %mul3A_652 : vector<16xf32>
        %mul3A_656 = arith.mulf %bitcast3A_649, %add3A_655 : vector<16xf32>
        %add3A_657 = arith.constant -1.64899242 : f32
        %add3A_658 = vector.broadcast %add3A_657 : f32 to vector<16xf32>
        %add3A_659 = arith.addf %add3A_658, %mul3A_656 : vector<16xf32>
        %add3A_660 = arith.addi %add3A_612, %shift_right_arithmetic3A_642 : vector<16xi32>
        %add3A_661 = arith.addf %add3A_613, %add3A_659 : vector<16xf32>
        %add3A_662 = arith.addf %add3A_614, %gather3A_298 : vector<16xf32>
        %bitcast3A_663 = vector.bitcast %add3A_662 : vector<16xf32> to vector<16xi32>
        %shift_right_arithmetic3A_664 = arith.constant 23 : i32
        %shift_right_arithmetic3A_665 = vector.broadcast %shift_right_arithmetic3A_664 : i32 to vector<16xi32>
        %shift_right_arithmetic3A_666 = arith.shrsi %bitcast3A_663, %shift_right_arithmetic3A_665 : vector<16xi32>
        %and3A_667 = arith.constant 8388607 : i32
        %and3A_668 = vector.broadcast %and3A_667 : i32 to vector<16xi32>
        %and3A_669 = arith.andi %bitcast3A_663, %and3A_668 : vector<16xi32>
        %or3A_670 = arith.constant 1065353216 : i32
        %or3A_671 = vector.broadcast %or3A_670 : i32 to vector<16xi32>
        %or3A_672 = arith.ori %and3A_669, %or3A_671 : vector<16xi32>
        %bitcast3A_673 = vector.bitcast %or3A_672 : vector<16xi32> to vector<16xf32>
        %mul3A_674 = arith.constant -0.336881846 : f32
        %mul3A_675 = vector.broadcast %mul3A_674 : f32 to vector<16xf32>
        %mul3A_676 = arith.mulf %bitcast3A_673, %mul3A_675 : vector<16xf32>
        %add3A_677 = arith.constant 1.99490333 : f32
        %add3A_678 = vector.broadcast %add3A_677 : f32 to vector<16xf32>
        %add3A_679 = arith.addf %add3A_678, %mul3A_676 : vector<16xf32>
        %mul3A_680 = arith.mulf %bitcast3A_673, %add3A_679 : vector<16xf32>
        %add3A_681 = arith.constant -1.64899242 : f32
        %add3A_682 = vector.broadcast %add3A_681 : f32 to vector<16xf32>
        %add3A_683 = arith.addf %add3A_682, %mul3A_680 : vector<16xf32>
        %add3A_684 = arith.addi %add3A_636, %shift_right_arithmetic3A_666 : vector<16xi32>
        %add3A_685 = arith.addf %add3A_637, %add3A_683 : vector<16xf32>
        scf.yield %add3A_638, %add3A_662, %add3A_660, %add3A_684, %add3A_661, %add3A_685 : vector<16xf32>, vector<16xf32>, vector<16xi32>, vector<16xi32>, vector<16xf32>, vector<16xf32>
      }
      %scan3A_133 = arith.constant 13 : i32
      %eq3A_134 = arith.constant 0 : i32
      %eq3A_135 = arith.cmpi eq, %scan3A_89, %eq3A_134 : i32
      %convert_element_type3A_136 = arith.extui %eq3A_135 : i1 to i32
      %cond3A_137 = arith.constant 0 : i32
      %cond3A_138 = arith.cmpi ne, %convert_element_type3A_136, %cond3A_137 : i32
      scf.if %cond3A_138 {
        %dma_wait3A = arith.constant 3 : i32
        %dma_wait3A_185 = arith.constant 0 : i32
        %dma_wait3A_186 = arith.constant 0 : i32
        %dma_wait3A_187 = tpu.memref_slice %arg7[%dma_wait3A_185, %dma_wait3A_186] : memref<200x128xi32, #tpu.memory_space<vmem>> -> memref<96x128xi32, #tpu.memory_space<vmem>>
        %dma_wait3A_188 = arith.constant 0 : i32
        %dma_wait3A_189 = tpu.memref_slice %arg3[%dma_wait3A_188, %multiple_of3A] : memref<200x4096xi32, #tpu.memory_space<hbm>> -> memref<96x128xi32, #tpu.memory_space<hbm>>
        %dma_wait3A_190 = tpu.memref_slice %arg12[%dma_wait3A] : memref<4x!tpu.dma_semaphore, #tpu.memory_space<semaphore_mem>> -> memref<1x!tpu.dma_semaphore, #tpu.memory_space<semaphore_mem>>
        %dma_wait3A_191 = tpu.memref_squeeze %dma_wait3A_190 : memref<1x!tpu.dma_semaphore, #tpu.memory_space<semaphore_mem>> -> memref<!tpu.dma_semaphore, #tpu.memory_space<semaphore_mem>>
        %dma_wait3A_192 = arith.constant 0 : i32
        %dma_wait3A_193 = arith.constant 0 : i32
        %dma_wait3A_194 = tpu.memref_slice %arg7[%dma_wait3A_192, %dma_wait3A_193] : memref<200x128xi32, #tpu.memory_space<vmem>> -> memref<96x128xi32, #tpu.memory_space<vmem>>
        %dma_wait3A_195 = arith.constant 0 : i32
        %dma_wait3A_196 = tpu.memref_slice %arg3[%dma_wait3A_195, %multiple_of3A] : memref<200x4096xi32, #tpu.memory_space<hbm>> -> memref<96x128xi32, #tpu.memory_space<hbm>>
        tpu.wait_dma2 semaphore(%dma_wait3A_191 : memref<!tpu.dma_semaphore, #tpu.memory_space<semaphore_mem>>) src(%dma_wait3A_196 : memref<96x128xi32, #tpu.memory_space<hbm>>) dst(%dma_wait3A_194 : memref<96x128xi32, #tpu.memory_space<vmem>>)
      } else {
      }
      %scan3A_139 = arith.constant 13 : i32
      %scan3A_140 = arith.constant 12 : i32
      %scan3A_141 = arith.addi %scan3A_139, %scan3A_140 : i32
      %scan3A_142 = arith.constant 1 : i32
      %scan3A_143:6 = scf.for %scan3A_185 = %scan3A_139 to %scan3A_141 step %scan3A_142 iter_args(%scan3A_186 = %scan3A_132#0, %scan3A_187 = %scan3A_132#1, %scan3A_188 = %scan3A_132#2, %scan3A_189 = %scan3A_132#3, %scan3A_190 = %scan3A_132#4, %scan3A_191 = %scan3A_132#5) -> (vector<16xf32>, vector<16xf32>, vector<16xi32>, vector<16xi32>, vector<16xf32>, vector<16xf32>)  : i32 {
        %sub3A_192 = arith.constant 24 : i32
        %sub3A_193 = arith.subi %sub3A_192, %scan3A_185 : i32
        %mul3A_194 = arith.constant 8 : i32
        %mul3A_195 = arith.muli %sub3A_193, %mul3A_194 : i32
        %add3A_196 = arith.constant 0 : i32
        %add3A_197 = arith.addi %mul3A_195, %add3A_196 : i32
        %get3A = arith.index_cast %add3A_197 : i32 to index
        %get3A_198 = arith.index_cast %mul3A_94 : i32 to index
        %get3A_199 = tpu.vector_load %arg7[%get3A, %get3A_198] {strides = array<i32>} : memref<200x128xi32, #tpu.memory_space<vmem>>, vector<16xi32>,
        %add3A_200 = arith.addi %mul3A_5, %get3A_199 : vector<16xi32>
        %add3A_201 = arith.constant 1 : i32
        %add3A_202 = arith.addi %mul3A_195, %add3A_201 : i32
        %get3A_203 = arith.index_cast %add3A_202 : i32 to index
        %get3A_204 = arith.index_cast %mul3A_94 : i32 to index
        %get3A_205 = tpu.vector_load %arg7[%get3A_203, %get3A_204] {strides = array<i32>} : memref<200x128xi32, #tpu.memory_space<vmem>>, vector<16xi32>,
        %add3A_206 = arith.addi %mul3A_5, %get3A_205 : vector<16xi32>
        %add3A_207 = arith.constant 2 : i32
        %add3A_208 = arith.addi %mul3A_195, %add3A_207 : i32
        %get3A_209 = arith.index_cast %add3A_208 : i32 to index
        %get3A_210 = arith.index_cast %mul3A_94 : i32 to index
        %get3A_211 = tpu.vector_load %arg7[%get3A_209, %get3A_210] {strides = array<i32>} : memref<200x128xi32, #tpu.memory_space<vmem>>, vector<16xi32>,
        %add3A_212 = arith.addi %mul3A_5, %get3A_211 : vector<16xi32>
        %add3A_213 = arith.constant 3 : i32
        %add3A_214 = arith.addi %mul3A_195, %add3A_213 : i32
        %get3A_215 = arith.index_cast %add3A_214 : i32 to index
        %get3A_216 = arith.index_cast %mul3A_94 : i32 to index
        %get3A_217 = tpu.vector_load %arg7[%get3A_215, %get3A_216] {strides = array<i32>} : memref<200x128xi32, #tpu.memory_space<vmem>>, vector<16xi32>,
        %add3A_218 = arith.addi %mul3A_5, %get3A_217 : vector<16xi32>
        %add3A_219 = arith.constant 4 : i32
        %add3A_220 = arith.addi %mul3A_195, %add3A_219 : i32
        %get3A_221 = arith.index_cast %add3A_220 : i32 to index
        %get3A_222 = arith.index_cast %mul3A_94 : i32 to index
        %get3A_223 = tpu.vector_load %arg7[%get3A_221, %get3A_222] {strides = array<i32>} : memref<200x128xi32, #tpu.memory_space<vmem>>, vector<16xi32>,
        %add3A_224 = arith.addi %mul3A_5, %get3A_223 : vector<16xi32>
        %add3A_225 = arith.constant 5 : i32
        %add3A_226 = arith.addi %mul3A_195, %add3A_225 : i32
        %get3A_227 = arith.index_cast %add3A_226 : i32 to index
        %get3A_228 = arith.index_cast %mul3A_94 : i32 to index
        %get3A_229 = tpu.vector_load %arg7[%get3A_227, %get3A_228] {strides = array<i32>} : memref<200x128xi32, #tpu.memory_space<vmem>>, vector<16xi32>,
        %add3A_230 = arith.addi %mul3A_5, %get3A_229 : vector<16xi32>
        %add3A_231 = arith.constant 6 : i32
        %add3A_232 = arith.addi %mul3A_195, %add3A_231 : i32
        %get3A_233 = arith.index_cast %add3A_232 : i32 to index
        %get3A_234 = arith.index_cast %mul3A_94 : i32 to index
        %get3A_235 = tpu.vector_load %arg7[%get3A_233, %get3A_234] {strides = array<i32>} : memref<200x128xi32, #tpu.memory_space<vmem>>, vector<16xi32>,
        %add3A_236 = arith.addi %mul3A_5, %get3A_235 : vector<16xi32>
        %add3A_237 = arith.constant 7 : i32
        %add3A_238 = arith.addi %mul3A_195, %add3A_237 : i32
        %get3A_239 = arith.index_cast %add3A_238 : i32 to index
        %get3A_240 = arith.index_cast %mul3A_94 : i32 to index
        %get3A_241 = tpu.vector_load %arg7[%get3A_239, %get3A_240] {strides = array<i32>} : memref<200x128xi32, #tpu.memory_space<vmem>>, vector<16xi32>,
        %add3A_242 = arith.addi %mul3A_5, %get3A_241 : vector<16xi32>
        %add3A_243 = arith.constant 0 : i32
        %add3A_244 = arith.addi %mul3A_195, %add3A_243 : i32
        %get3A_245 = arith.index_cast %add3A_244 : i32 to index
        %get3A_246 = arith.index_cast %add3A_100 : i32 to index
        %get3A_247 = tpu.vector_load %arg7[%get3A_245, %get3A_246] {strides = array<i32>} : memref<200x128xi32, #tpu.memory_space<vmem>>, vector<16xi32>,
        %add3A_248 = arith.addi %mul3A_5, %get3A_247 : vector<16xi32>
        %add3A_249 = arith.constant 1 : i32
        %add3A_250 = arith.addi %mul3A_195, %add3A_249 : i32
        %get3A_251 = arith.index_cast %add3A_250 : i32 to index
        %get3A_252 = arith.index_cast %add3A_100 : i32 to index
        %get3A_253 = tpu.vector_load %arg7[%get3A_251, %get3A_252] {strides = array<i32>} : memref<200x128xi32, #tpu.memory_space<vmem>>, vector<16xi32>,
        %add3A_254 = arith.addi %mul3A_5, %get3A_253 : vector<16xi32>
        %add3A_255 = arith.constant 2 : i32
        %add3A_256 = arith.addi %mul3A_195, %add3A_255 : i32
        %get3A_257 = arith.index_cast %add3A_256 : i32 to index
        %get3A_258 = arith.index_cast %add3A_100 : i32 to index
        %get3A_259 = tpu.vector_load %arg7[%get3A_257, %get3A_258] {strides = array<i32>} : memref<200x128xi32, #tpu.memory_space<vmem>>, vector<16xi32>,
        %add3A_260 = arith.addi %mul3A_5, %get3A_259 : vector<16xi32>
        %add3A_261 = arith.constant 3 : i32
        %add3A_262 = arith.addi %mul3A_195, %add3A_261 : i32
        %get3A_263 = arith.index_cast %add3A_262 : i32 to index
        %get3A_264 = arith.index_cast %add3A_100 : i32 to index
        %get3A_265 = tpu.vector_load %arg7[%get3A_263, %get3A_264] {strides = array<i32>} : memref<200x128xi32, #tpu.memory_space<vmem>>, vector<16xi32>,
        %add3A_266 = arith.addi %mul3A_5, %get3A_265 : vector<16xi32>
        %add3A_267 = arith.constant 4 : i32
        %add3A_268 = arith.addi %mul3A_195, %add3A_267 : i32
        %get3A_269 = arith.index_cast %add3A_268 : i32 to index
        %get3A_270 = arith.index_cast %add3A_100 : i32 to index
        %get3A_271 = tpu.vector_load %arg7[%get3A_269, %get3A_270] {strides = array<i32>} : memref<200x128xi32, #tpu.memory_space<vmem>>, vector<16xi32>,
        %add3A_272 = arith.addi %mul3A_5, %get3A_271 : vector<16xi32>
        %add3A_273 = arith.constant 5 : i32
        %add3A_274 = arith.addi %mul3A_195, %add3A_273 : i32
        %get3A_275 = arith.index_cast %add3A_274 : i32 to index
        %get3A_276 = arith.index_cast %add3A_100 : i32 to index
        %get3A_277 = tpu.vector_load %arg7[%get3A_275, %get3A_276] {strides = array<i32>} : memref<200x128xi32, #tpu.memory_space<vmem>>, vector<16xi32>,
        %add3A_278 = arith.addi %mul3A_5, %get3A_277 : vector<16xi32>
        %add3A_279 = arith.constant 6 : i32
        %add3A_280 = arith.addi %mul3A_195, %add3A_279 : i32
        %get3A_281 = arith.index_cast %add3A_280 : i32 to index
        %get3A_282 = arith.index_cast %add3A_100 : i32 to index
        %get3A_283 = tpu.vector_load %arg7[%get3A_281, %get3A_282] {strides = array<i32>} : memref<200x128xi32, #tpu.memory_space<vmem>>, vector<16xi32>,
        %add3A_284 = arith.addi %mul3A_5, %get3A_283 : vector<16xi32>
        %add3A_285 = arith.constant 7 : i32
        %add3A_286 = arith.addi %mul3A_195, %add3A_285 : i32
        %get3A_287 = arith.index_cast %add3A_286 : i32 to index
        %get3A_288 = arith.index_cast %add3A_100 : i32 to index
        %get3A_289 = tpu.vector_load %arg7[%get3A_287, %get3A_288] {strides = array<i32>} : memref<200x128xi32, #tpu.memory_space<vmem>>, vector<16xi32>,
        %add3A_290 = arith.addi %mul3A_5, %get3A_289 : vector<16xi32>
        %gather3A = tpu.vector_load_idx %arg9[%add3A_200] : memref<3200xf32, #tpu.memory_space<vmem>>[vector<16xi32>], vector<16xf32>,
        %gather3A_291 = tpu.vector_load_idx %arg9[%add3A_206] : memref<3200xf32, #tpu.memory_space<vmem>>[vector<16xi32>], vector<16xf32>,
        %gather3A_292 = tpu.vector_load_idx %arg9[%add3A_212] : memref<3200xf32, #tpu.memory_space<vmem>>[vector<16xi32>], vector<16xf32>,
        %gather3A_293 = tpu.vector_load_idx %arg9[%add3A_218] : memref<3200xf32, #tpu.memory_space<vmem>>[vector<16xi32>], vector<16xf32>,
        %gather3A_294 = tpu.vector_load_idx %arg9[%add3A_224] : memref<3200xf32, #tpu.memory_space<vmem>>[vector<16xi32>], vector<16xf32>,
        %gather3A_295 = tpu.vector_load_idx %arg9[%add3A_230] : memref<3200xf32, #tpu.memory_space<vmem>>[vector<16xi32>], vector<16xf32>,
        %gather3A_296 = tpu.vector_load_idx %arg9[%add3A_236] : memref<3200xf32, #tpu.memory_space<vmem>>[vector<16xi32>], vector<16xf32>,
        %gather3A_297 = tpu.vector_load_idx %arg9[%add3A_242] : memref<3200xf32, #tpu.memory_space<vmem>>[vector<16xi32>], vector<16xf32>,
        %gather3A_298 = tpu.vector_load_idx %arg10[%add3A_248] : memref<3200xf32, #tpu.memory_space<vmem>>[vector<16xi32>], vector<16xf32>,
        %gather3A_299 = tpu.vector_load_idx %arg10[%add3A_254] : memref<3200xf32, #tpu.memory_space<vmem>>[vector<16xi32>], vector<16xf32>,
        %gather3A_300 = tpu.vector_load_idx %arg10[%add3A_260] : memref<3200xf32, #tpu.memory_space<vmem>>[vector<16xi32>], vector<16xf32>,
        %gather3A_301 = tpu.vector_load_idx %arg10[%add3A_266] : memref<3200xf32, #tpu.memory_space<vmem>>[vector<16xi32>], vector<16xf32>,
        %gather3A_302 = tpu.vector_load_idx %arg10[%add3A_272] : memref<3200xf32, #tpu.memory_space<vmem>>[vector<16xi32>], vector<16xf32>,
        %gather3A_303 = tpu.vector_load_idx %arg10[%add3A_278] : memref<3200xf32, #tpu.memory_space<vmem>>[vector<16xi32>], vector<16xf32>,
        %gather3A_304 = tpu.vector_load_idx %arg10[%add3A_284] : memref<3200xf32, #tpu.memory_space<vmem>>[vector<16xi32>], vector<16xf32>,
        %gather3A_305 = tpu.vector_load_idx %arg10[%add3A_290] : memref<3200xf32, #tpu.memory_space<vmem>>[vector<16xi32>], vector<16xf32>,
        %add3A_306 = arith.addf %scan3A_186, %gather3A_297 : vector<16xf32>
        %bitcast3A = vector.bitcast %add3A_306 : vector<16xf32> to vector<16xi32>
        %shift_right_arithmetic3A = arith.constant 23 : i32
        %shift_right_arithmetic3A_307 = vector.broadcast %shift_right_arithmetic3A : i32 to vector<16xi32>
        %shift_right_arithmetic3A_308 = arith.shrsi %bitcast3A, %shift_right_arithmetic3A_307 : vector<16xi32>
        %and3A = arith.constant 8388607 : i32
        %and3A_309 = vector.broadcast %and3A : i32 to vector<16xi32>
        %and3A_310 = arith.andi %bitcast3A, %and3A_309 : vector<16xi32>
        %or3A = arith.constant 1065353216 : i32
        %or3A_311 = vector.broadcast %or3A : i32 to vector<16xi32>
        %or3A_312 = arith.ori %and3A_310, %or3A_311 : vector<16xi32>
        %bitcast3A_313 = vector.bitcast %or3A_312 : vector<16xi32> to vector<16xf32>
        %mul3A_314 = arith.constant -0.336881846 : f32
        %mul3A_315 = vector.broadcast %mul3A_314 : f32 to vector<16xf32>
        %mul3A_316 = arith.mulf %bitcast3A_313, %mul3A_315 : vector<16xf32>
        %add3A_317 = arith.constant 1.99490333 : f32
        %add3A_318 = vector.broadcast %add3A_317 : f32 to vector<16xf32>
        %add3A_319 = arith.addf %add3A_318, %mul3A_316 : vector<16xf32>
        %mul3A_320 = arith.mulf %bitcast3A_313, %add3A_319 : vector<16xf32>
        %add3A_321 = arith.constant -1.64899242 : f32
        %add3A_322 = vector.broadcast %add3A_321 : f32 to vector<16xf32>
        %add3A_323 = arith.addf %add3A_322, %mul3A_320 : vector<16xf32>
        %add3A_324 = arith.addi %scan3A_188, %shift_right_arithmetic3A_308 : vector<16xi32>
        %add3A_325 = arith.addf %scan3A_190, %add3A_323 : vector<16xf32>
        %add3A_326 = arith.addf %scan3A_187, %gather3A_305 : vector<16xf32>
        %bitcast3A_327 = vector.bitcast %add3A_326 : vector<16xf32> to vector<16xi32>
        %shift_right_arithmetic3A_328 = arith.constant 23 : i32
        %shift_right_arithmetic3A_329 = vector.broadcast %shift_right_arithmetic3A_328 : i32 to vector<16xi32>
        %shift_right_arithmetic3A_330 = arith.shrsi %bitcast3A_327, %shift_right_arithmetic3A_329 : vector<16xi32>
        %and3A_331 = arith.constant 8388607 : i32
        %and3A_332 = vector.broadcast %and3A_331 : i32 to vector<16xi32>
        %and3A_333 = arith.andi %bitcast3A_327, %and3A_332 : vector<16xi32>
        %or3A_334 = arith.constant 1065353216 : i32
        %or3A_335 = vector.broadcast %or3A_334 : i32 to vector<16xi32>
        %or3A_336 = arith.ori %and3A_333, %or3A_335 : vector<16xi32>
        %bitcast3A_337 = vector.bitcast %or3A_336 : vector<16xi32> to vector<16xf32>
        %mul3A_338 = arith.constant -0.336881846 : f32
        %mul3A_339 = vector.broadcast %mul3A_338 : f32 to vector<16xf32>
        %mul3A_340 = arith.mulf %bitcast3A_337, %mul3A_339 : vector<16xf32>
        %add3A_341 = arith.constant 1.99490333 : f32
        %add3A_342 = vector.broadcast %add3A_341 : f32 to vector<16xf32>
        %add3A_343 = arith.addf %add3A_342, %mul3A_340 : vector<16xf32>
        %mul3A_344 = arith.mulf %bitcast3A_337, %add3A_343 : vector<16xf32>
        %add3A_345 = arith.constant -1.64899242 : f32
        %add3A_346 = vector.broadcast %add3A_345 : f32 to vector<16xf32>
        %add3A_347 = arith.addf %add3A_346, %mul3A_344 : vector<16xf32>
        %add3A_348 = arith.addi %scan3A_189, %shift_right_arithmetic3A_330 : vector<16xi32>
        %add3A_349 = arith.addf %scan3A_191, %add3A_347 : vector<16xf32>
        %add3A_350 = arith.addf %add3A_306, %gather3A_296 : vector<16xf32>
        %bitcast3A_351 = vector.bitcast %add3A_350 : vector<16xf32> to vector<16xi32>
        %shift_right_arithmetic3A_352 = arith.constant 23 : i32
        %shift_right_arithmetic3A_353 = vector.broadcast %shift_right_arithmetic3A_352 : i32 to vector<16xi32>
        %shift_right_arithmetic3A_354 = arith.shrsi %bitcast3A_351, %shift_right_arithmetic3A_353 : vector<16xi32>
        %and3A_355 = arith.constant 8388607 : i32
        %and3A_356 = vector.broadcast %and3A_355 : i32 to vector<16xi32>
        %and3A_357 = arith.andi %bitcast3A_351, %and3A_356 : vector<16xi32>
        %or3A_358 = arith.constant 1065353216 : i32
        %or3A_359 = vector.broadcast %or3A_358 : i32 to vector<16xi32>
        %or3A_360 = arith.ori %and3A_357, %or3A_359 : vector<16xi32>
        %bitcast3A_361 = vector.bitcast %or3A_360 : vector<16xi32> to vector<16xf32>
        %mul3A_362 = arith.constant -0.336881846 : f32
        %mul3A_363 = vector.broadcast %mul3A_362 : f32 to vector<16xf32>
        %mul3A_364 = arith.mulf %bitcast3A_361, %mul3A_363 : vector<16xf32>
        %add3A_365 = arith.constant 1.99490333 : f32
        %add3A_366 = vector.broadcast %add3A_365 : f32 to vector<16xf32>
        %add3A_367 = arith.addf %add3A_366, %mul3A_364 : vector<16xf32>
        %mul3A_368 = arith.mulf %bitcast3A_361, %add3A_367 : vector<16xf32>
        %add3A_369 = arith.constant -1.64899242 : f32
        %add3A_370 = vector.broadcast %add3A_369 : f32 to vector<16xf32>
        %add3A_371 = arith.addf %add3A_370, %mul3A_368 : vector<16xf32>
        %add3A_372 = arith.addi %add3A_324, %shift_right_arithmetic3A_354 : vector<16xi32>
        %add3A_373 = arith.addf %add3A_325, %add3A_371 : vector<16xf32>
        %add3A_374 = arith.addf %add3A_326, %gather3A_304 : vector<16xf32>
        %bitcast3A_375 = vector.bitcast %add3A_374 : vector<16xf32> to vector<16xi32>
        %shift_right_arithmetic3A_376 = arith.constant 23 : i32
        %shift_right_arithmetic3A_377 = vector.broadcast %shift_right_arithmetic3A_376 : i32 to vector<16xi32>
        %shift_right_arithmetic3A_378 = arith.shrsi %bitcast3A_375, %shift_right_arithmetic3A_377 : vector<16xi32>
        %and3A_379 = arith.constant 8388607 : i32
        %and3A_380 = vector.broadcast %and3A_379 : i32 to vector<16xi32>
        %and3A_381 = arith.andi %bitcast3A_375, %and3A_380 : vector<16xi32>
        %or3A_382 = arith.constant 1065353216 : i32
        %or3A_383 = vector.broadcast %or3A_382 : i32 to vector<16xi32>
        %or3A_384 = arith.ori %and3A_381, %or3A_383 : vector<16xi32>
        %bitcast3A_385 = vector.bitcast %or3A_384 : vector<16xi32> to vector<16xf32>
        %mul3A_386 = arith.constant -0.336881846 : f32
        %mul3A_387 = vector.broadcast %mul3A_386 : f32 to vector<16xf32>
        %mul3A_388 = arith.mulf %bitcast3A_385, %mul3A_387 : vector<16xf32>
        %add3A_389 = arith.constant 1.99490333 : f32
        %add3A_390 = vector.broadcast %add3A_389 : f32 to vector<16xf32>
        %add3A_391 = arith.addf %add3A_390, %mul3A_388 : vector<16xf32>
        %mul3A_392 = arith.mulf %bitcast3A_385, %add3A_391 : vector<16xf32>
        %add3A_393 = arith.constant -1.64899242 : f32
        %add3A_394 = vector.broadcast %add3A_393 : f32 to vector<16xf32>
        %add3A_395 = arith.addf %add3A_394, %mul3A_392 : vector<16xf32>
        %add3A_396 = arith.addi %add3A_348, %shift_right_arithmetic3A_378 : vector<16xi32>
        %add3A_397 = arith.addf %add3A_349, %add3A_395 : vector<16xf32>
        %add3A_398 = arith.addf %add3A_350, %gather3A_295 : vector<16xf32>
        %bitcast3A_399 = vector.bitcast %add3A_398 : vector<16xf32> to vector<16xi32>
        %shift_right_arithmetic3A_400 = arith.constant 23 : i32
        %shift_right_arithmetic3A_401 = vector.broadcast %shift_right_arithmetic3A_400 : i32 to vector<16xi32>
        %shift_right_arithmetic3A_402 = arith.shrsi %bitcast3A_399, %shift_right_arithmetic3A_401 : vector<16xi32>
        %and3A_403 = arith.constant 8388607 : i32
        %and3A_404 = vector.broadcast %and3A_403 : i32 to vector<16xi32>
        %and3A_405 = arith.andi %bitcast3A_399, %and3A_404 : vector<16xi32>
        %or3A_406 = arith.constant 1065353216 : i32
        %or3A_407 = vector.broadcast %or3A_406 : i32 to vector<16xi32>
        %or3A_408 = arith.ori %and3A_405, %or3A_407 : vector<16xi32>
        %bitcast3A_409 = vector.bitcast %or3A_408 : vector<16xi32> to vector<16xf32>
        %mul3A_410 = arith.constant -0.336881846 : f32
        %mul3A_411 = vector.broadcast %mul3A_410 : f32 to vector<16xf32>
        %mul3A_412 = arith.mulf %bitcast3A_409, %mul3A_411 : vector<16xf32>
        %add3A_413 = arith.constant 1.99490333 : f32
        %add3A_414 = vector.broadcast %add3A_413 : f32 to vector<16xf32>
        %add3A_415 = arith.addf %add3A_414, %mul3A_412 : vector<16xf32>
        %mul3A_416 = arith.mulf %bitcast3A_409, %add3A_415 : vector<16xf32>
        %add3A_417 = arith.constant -1.64899242 : f32
        %add3A_418 = vector.broadcast %add3A_417 : f32 to vector<16xf32>
        %add3A_419 = arith.addf %add3A_418, %mul3A_416 : vector<16xf32>
        %add3A_420 = arith.addi %add3A_372, %shift_right_arithmetic3A_402 : vector<16xi32>
        %add3A_421 = arith.addf %add3A_373, %add3A_419 : vector<16xf32>
        %add3A_422 = arith.addf %add3A_374, %gather3A_303 : vector<16xf32>
        %bitcast3A_423 = vector.bitcast %add3A_422 : vector<16xf32> to vector<16xi32>
        %shift_right_arithmetic3A_424 = arith.constant 23 : i32
        %shift_right_arithmetic3A_425 = vector.broadcast %shift_right_arithmetic3A_424 : i32 to vector<16xi32>
        %shift_right_arithmetic3A_426 = arith.shrsi %bitcast3A_423, %shift_right_arithmetic3A_425 : vector<16xi32>
        %and3A_427 = arith.constant 8388607 : i32
        %and3A_428 = vector.broadcast %and3A_427 : i32 to vector<16xi32>
        %and3A_429 = arith.andi %bitcast3A_423, %and3A_428 : vector<16xi32>
        %or3A_430 = arith.constant 1065353216 : i32
        %or3A_431 = vector.broadcast %or3A_430 : i32 to vector<16xi32>
        %or3A_432 = arith.ori %and3A_429, %or3A_431 : vector<16xi32>
        %bitcast3A_433 = vector.bitcast %or3A_432 : vector<16xi32> to vector<16xf32>
        %mul3A_434 = arith.constant -0.336881846 : f32
        %mul3A_435 = vector.broadcast %mul3A_434 : f32 to vector<16xf32>
        %mul3A_436 = arith.mulf %bitcast3A_433, %mul3A_435 : vector<16xf32>
        %add3A_437 = arith.constant 1.99490333 : f32
        %add3A_438 = vector.broadcast %add3A_437 : f32 to vector<16xf32>
        %add3A_439 = arith.addf %add3A_438, %mul3A_436 : vector<16xf32>
        %mul3A_440 = arith.mulf %bitcast3A_433, %add3A_439 : vector<16xf32>
        %add3A_441 = arith.constant -1.64899242 : f32
        %add3A_442 = vector.broadcast %add3A_441 : f32 to vector<16xf32>
        %add3A_443 = arith.addf %add3A_442, %mul3A_440 : vector<16xf32>
        %add3A_444 = arith.addi %add3A_396, %shift_right_arithmetic3A_426 : vector<16xi32>
        %add3A_445 = arith.addf %add3A_397, %add3A_443 : vector<16xf32>
        %add3A_446 = arith.addf %add3A_398, %gather3A_294 : vector<16xf32>
        %bitcast3A_447 = vector.bitcast %add3A_446 : vector<16xf32> to vector<16xi32>
        %shift_right_arithmetic3A_448 = arith.constant 23 : i32
        %shift_right_arithmetic3A_449 = vector.broadcast %shift_right_arithmetic3A_448 : i32 to vector<16xi32>
        %shift_right_arithmetic3A_450 = arith.shrsi %bitcast3A_447, %shift_right_arithmetic3A_449 : vector<16xi32>
        %and3A_451 = arith.constant 8388607 : i32
        %and3A_452 = vector.broadcast %and3A_451 : i32 to vector<16xi32>
        %and3A_453 = arith.andi %bitcast3A_447, %and3A_452 : vector<16xi32>
        %or3A_454 = arith.constant 1065353216 : i32
        %or3A_455 = vector.broadcast %or3A_454 : i32 to vector<16xi32>
        %or3A_456 = arith.ori %and3A_453, %or3A_455 : vector<16xi32>
        %bitcast3A_457 = vector.bitcast %or3A_456 : vector<16xi32> to vector<16xf32>
        %mul3A_458 = arith.constant -0.336881846 : f32
        %mul3A_459 = vector.broadcast %mul3A_458 : f32 to vector<16xf32>
        %mul3A_460 = arith.mulf %bitcast3A_457, %mul3A_459 : vector<16xf32>
        %add3A_461 = arith.constant 1.99490333 : f32
        %add3A_462 = vector.broadcast %add3A_461 : f32 to vector<16xf32>
        %add3A_463 = arith.addf %add3A_462, %mul3A_460 : vector<16xf32>
        %mul3A_464 = arith.mulf %bitcast3A_457, %add3A_463 : vector<16xf32>
        %add3A_465 = arith.constant -1.64899242 : f32
        %add3A_466 = vector.broadcast %add3A_465 : f32 to vector<16xf32>
        %add3A_467 = arith.addf %add3A_466, %mul3A_464 : vector<16xf32>
        %add3A_468 = arith.addi %add3A_420, %shift_right_arithmetic3A_450 : vector<16xi32>
        %add3A_469 = arith.addf %add3A_421, %add3A_467 : vector<16xf32>
        %add3A_470 = arith.addf %add3A_422, %gather3A_302 : vector<16xf32>
        %bitcast3A_471 = vector.bitcast %add3A_470 : vector<16xf32> to vector<16xi32>
        %shift_right_arithmetic3A_472 = arith.constant 23 : i32
        %shift_right_arithmetic3A_473 = vector.broadcast %shift_right_arithmetic3A_472 : i32 to vector<16xi32>
        %shift_right_arithmetic3A_474 = arith.shrsi %bitcast3A_471, %shift_right_arithmetic3A_473 : vector<16xi32>
        %and3A_475 = arith.constant 8388607 : i32
        %and3A_476 = vector.broadcast %and3A_475 : i32 to vector<16xi32>
        %and3A_477 = arith.andi %bitcast3A_471, %and3A_476 : vector<16xi32>
        %or3A_478 = arith.constant 1065353216 : i32
        %or3A_479 = vector.broadcast %or3A_478 : i32 to vector<16xi32>
        %or3A_480 = arith.ori %and3A_477, %or3A_479 : vector<16xi32>
        %bitcast3A_481 = vector.bitcast %or3A_480 : vector<16xi32> to vector<16xf32>
        %mul3A_482 = arith.constant -0.336881846 : f32
        %mul3A_483 = vector.broadcast %mul3A_482 : f32 to vector<16xf32>
        %mul3A_484 = arith.mulf %bitcast3A_481, %mul3A_483 : vector<16xf32>
        %add3A_485 = arith.constant 1.99490333 : f32
        %add3A_486 = vector.broadcast %add3A_485 : f32 to vector<16xf32>
        %add3A_487 = arith.addf %add3A_486, %mul3A_484 : vector<16xf32>
        %mul3A_488 = arith.mulf %bitcast3A_481, %add3A_487 : vector<16xf32>
        %add3A_489 = arith.constant -1.64899242 : f32
        %add3A_490 = vector.broadcast %add3A_489 : f32 to vector<16xf32>
        %add3A_491 = arith.addf %add3A_490, %mul3A_488 : vector<16xf32>
        %add3A_492 = arith.addi %add3A_444, %shift_right_arithmetic3A_474 : vector<16xi32>
        %add3A_493 = arith.addf %add3A_445, %add3A_491 : vector<16xf32>
        %add3A_494 = arith.addf %add3A_446, %gather3A_293 : vector<16xf32>
        %bitcast3A_495 = vector.bitcast %add3A_494 : vector<16xf32> to vector<16xi32>
        %shift_right_arithmetic3A_496 = arith.constant 23 : i32
        %shift_right_arithmetic3A_497 = vector.broadcast %shift_right_arithmetic3A_496 : i32 to vector<16xi32>
        %shift_right_arithmetic3A_498 = arith.shrsi %bitcast3A_495, %shift_right_arithmetic3A_497 : vector<16xi32>
        %and3A_499 = arith.constant 8388607 : i32
        %and3A_500 = vector.broadcast %and3A_499 : i32 to vector<16xi32>
        %and3A_501 = arith.andi %bitcast3A_495, %and3A_500 : vector<16xi32>
        %or3A_502 = arith.constant 1065353216 : i32
        %or3A_503 = vector.broadcast %or3A_502 : i32 to vector<16xi32>
        %or3A_504 = arith.ori %and3A_501, %or3A_503 : vector<16xi32>
        %bitcast3A_505 = vector.bitcast %or3A_504 : vector<16xi32> to vector<16xf32>
        %mul3A_506 = arith.constant -0.336881846 : f32
        %mul3A_507 = vector.broadcast %mul3A_506 : f32 to vector<16xf32>
        %mul3A_508 = arith.mulf %bitcast3A_505, %mul3A_507 : vector<16xf32>
        %add3A_509 = arith.constant 1.99490333 : f32
        %add3A_510 = vector.broadcast %add3A_509 : f32 to vector<16xf32>
        %add3A_511 = arith.addf %add3A_510, %mul3A_508 : vector<16xf32>
        %mul3A_512 = arith.mulf %bitcast3A_505, %add3A_511 : vector<16xf32>
        %add3A_513 = arith.constant -1.64899242 : f32
        %add3A_514 = vector.broadcast %add3A_513 : f32 to vector<16xf32>
        %add3A_515 = arith.addf %add3A_514, %mul3A_512 : vector<16xf32>
        %add3A_516 = arith.addi %add3A_468, %shift_right_arithmetic3A_498 : vector<16xi32>
        %add3A_517 = arith.addf %add3A_469, %add3A_515 : vector<16xf32>
        %add3A_518 = arith.addf %add3A_470, %gather3A_301 : vector<16xf32>
        %bitcast3A_519 = vector.bitcast %add3A_518 : vector<16xf32> to vector<16xi32>
        %shift_right_arithmetic3A_520 = arith.constant 23 : i32
        %shift_right_arithmetic3A_521 = vector.broadcast %shift_right_arithmetic3A_520 : i32 to vector<16xi32>
        %shift_right_arithmetic3A_522 = arith.shrsi %bitcast3A_519, %shift_right_arithmetic3A_521 : vector<16xi32>
        %and3A_523 = arith.constant 8388607 : i32
        %and3A_524 = vector.broadcast %and3A_523 : i32 to vector<16xi32>
        %and3A_525 = arith.andi %bitcast3A_519, %and3A_524 : vector<16xi32>
        %or3A_526 = arith.constant 1065353216 : i32
        %or3A_527 = vector.broadcast %or3A_526 : i32 to vector<16xi32>
        %or3A_528 = arith.ori %and3A_525, %or3A_527 : vector<16xi32>
        %bitcast3A_529 = vector.bitcast %or3A_528 : vector<16xi32> to vector<16xf32>
        %mul3A_530 = arith.constant -0.336881846 : f32
        %mul3A_531 = vector.broadcast %mul3A_530 : f32 to vector<16xf32>
        %mul3A_532 = arith.mulf %bitcast3A_529, %mul3A_531 : vector<16xf32>
        %add3A_533 = arith.constant 1.99490333 : f32
        %add3A_534 = vector.broadcast %add3A_533 : f32 to vector<16xf32>
        %add3A_535 = arith.addf %add3A_534, %mul3A_532 : vector<16xf32>
        %mul3A_536 = arith.mulf %bitcast3A_529, %add3A_535 : vector<16xf32>
        %add3A_537 = arith.constant -1.64899242 : f32
        %add3A_538 = vector.broadcast %add3A_537 : f32 to vector<16xf32>
        %add3A_539 = arith.addf %add3A_538, %mul3A_536 : vector<16xf32>
        %add3A_540 = arith.addi %add3A_492, %shift_right_arithmetic3A_522 : vector<16xi32>
        %add3A_541 = arith.addf %add3A_493, %add3A_539 : vector<16xf32>
        %add3A_542 = arith.addf %add3A_494, %gather3A_292 : vector<16xf32>
        %bitcast3A_543 = vector.bitcast %add3A_542 : vector<16xf32> to vector<16xi32>
        %shift_right_arithmetic3A_544 = arith.constant 23 : i32
        %shift_right_arithmetic3A_545 = vector.broadcast %shift_right_arithmetic3A_544 : i32 to vector<16xi32>
        %shift_right_arithmetic3A_546 = arith.shrsi %bitcast3A_543, %shift_right_arithmetic3A_545 : vector<16xi32>
        %and3A_547 = arith.constant 8388607 : i32
        %and3A_548 = vector.broadcast %and3A_547 : i32 to vector<16xi32>
        %and3A_549 = arith.andi %bitcast3A_543, %and3A_548 : vector<16xi32>
        %or3A_550 = arith.constant 1065353216 : i32
        %or3A_551 = vector.broadcast %or3A_550 : i32 to vector<16xi32>
        %or3A_552 = arith.ori %and3A_549, %or3A_551 : vector<16xi32>
        %bitcast3A_553 = vector.bitcast %or3A_552 : vector<16xi32> to vector<16xf32>
        %mul3A_554 = arith.constant -0.336881846 : f32
        %mul3A_555 = vector.broadcast %mul3A_554 : f32 to vector<16xf32>
        %mul3A_556 = arith.mulf %bitcast3A_553, %mul3A_555 : vector<16xf32>
        %add3A_557 = arith.constant 1.99490333 : f32
        %add3A_558 = vector.broadcast %add3A_557 : f32 to vector<16xf32>
        %add3A_559 = arith.addf %add3A_558, %mul3A_556 : vector<16xf32>
        %mul3A_560 = arith.mulf %bitcast3A_553, %add3A_559 : vector<16xf32>
        %add3A_561 = arith.constant -1.64899242 : f32
        %add3A_562 = vector.broadcast %add3A_561 : f32 to vector<16xf32>
        %add3A_563 = arith.addf %add3A_562, %mul3A_560 : vector<16xf32>
        %add3A_564 = arith.addi %add3A_516, %shift_right_arithmetic3A_546 : vector<16xi32>
        %add3A_565 = arith.addf %add3A_517, %add3A_563 : vector<16xf32>
        %add3A_566 = arith.addf %add3A_518, %gather3A_300 : vector<16xf32>
        %bitcast3A_567 = vector.bitcast %add3A_566 : vector<16xf32> to vector<16xi32>
        %shift_right_arithmetic3A_568 = arith.constant 23 : i32
        %shift_right_arithmetic3A_569 = vector.broadcast %shift_right_arithmetic3A_568 : i32 to vector<16xi32>
        %shift_right_arithmetic3A_570 = arith.shrsi %bitcast3A_567, %shift_right_arithmetic3A_569 : vector<16xi32>
        %and3A_571 = arith.constant 8388607 : i32
        %and3A_572 = vector.broadcast %and3A_571 : i32 to vector<16xi32>
        %and3A_573 = arith.andi %bitcast3A_567, %and3A_572 : vector<16xi32>
        %or3A_574 = arith.constant 1065353216 : i32
        %or3A_575 = vector.broadcast %or3A_574 : i32 to vector<16xi32>
        %or3A_576 = arith.ori %and3A_573, %or3A_575 : vector<16xi32>
        %bitcast3A_577 = vector.bitcast %or3A_576 : vector<16xi32> to vector<16xf32>
        %mul3A_578 = arith.constant -0.336881846 : f32
        %mul3A_579 = vector.broadcast %mul3A_578 : f32 to vector<16xf32>
        %mul3A_580 = arith.mulf %bitcast3A_577, %mul3A_579 : vector<16xf32>
        %add3A_581 = arith.constant 1.99490333 : f32
        %add3A_582 = vector.broadcast %add3A_581 : f32 to vector<16xf32>
        %add3A_583 = arith.addf %add3A_582, %mul3A_580 : vector<16xf32>
        %mul3A_584 = arith.mulf %bitcast3A_577, %add3A_583 : vector<16xf32>
        %add3A_585 = arith.constant -1.64899242 : f32
        %add3A_586 = vector.broadcast %add3A_585 : f32 to vector<16xf32>
        %add3A_587 = arith.addf %add3A_586, %mul3A_584 : vector<16xf32>
        %add3A_588 = arith.addi %add3A_540, %shift_right_arithmetic3A_570 : vector<16xi32>
        %add3A_589 = arith.addf %add3A_541, %add3A_587 : vector<16xf32>
        %add3A_590 = arith.addf %add3A_542, %gather3A_291 : vector<16xf32>
        %bitcast3A_591 = vector.bitcast %add3A_590 : vector<16xf32> to vector<16xi32>
        %shift_right_arithmetic3A_592 = arith.constant 23 : i32
        %shift_right_arithmetic3A_593 = vector.broadcast %shift_right_arithmetic3A_592 : i32 to vector<16xi32>
        %shift_right_arithmetic3A_594 = arith.shrsi %bitcast3A_591, %shift_right_arithmetic3A_593 : vector<16xi32>
        %and3A_595 = arith.constant 8388607 : i32
        %and3A_596 = vector.broadcast %and3A_595 : i32 to vector<16xi32>
        %and3A_597 = arith.andi %bitcast3A_591, %and3A_596 : vector<16xi32>
        %or3A_598 = arith.constant 1065353216 : i32
        %or3A_599 = vector.broadcast %or3A_598 : i32 to vector<16xi32>
        %or3A_600 = arith.ori %and3A_597, %or3A_599 : vector<16xi32>
        %bitcast3A_601 = vector.bitcast %or3A_600 : vector<16xi32> to vector<16xf32>
        %mul3A_602 = arith.constant -0.336881846 : f32
        %mul3A_603 = vector.broadcast %mul3A_602 : f32 to vector<16xf32>
        %mul3A_604 = arith.mulf %bitcast3A_601, %mul3A_603 : vector<16xf32>
        %add3A_605 = arith.constant 1.99490333 : f32
        %add3A_606 = vector.broadcast %add3A_605 : f32 to vector<16xf32>
        %add3A_607 = arith.addf %add3A_606, %mul3A_604 : vector<16xf32>
        %mul3A_608 = arith.mulf %bitcast3A_601, %add3A_607 : vector<16xf32>
        %add3A_609 = arith.constant -1.64899242 : f32
        %add3A_610 = vector.broadcast %add3A_609 : f32 to vector<16xf32>
        %add3A_611 = arith.addf %add3A_610, %mul3A_608 : vector<16xf32>
        %add3A_612 = arith.addi %add3A_564, %shift_right_arithmetic3A_594 : vector<16xi32>
        %add3A_613 = arith.addf %add3A_565, %add3A_611 : vector<16xf32>
        %add3A_614 = arith.addf %add3A_566, %gather3A_299 : vector<16xf32>
        %bitcast3A_615 = vector.bitcast %add3A_614 : vector<16xf32> to vector<16xi32>
        %shift_right_arithmetic3A_616 = arith.constant 23 : i32
        %shift_right_arithmetic3A_617 = vector.broadcast %shift_right_arithmetic3A_616 : i32 to vector<16xi32>
        %shift_right_arithmetic3A_618 = arith.shrsi %bitcast3A_615, %shift_right_arithmetic3A_617 : vector<16xi32>
        %and3A_619 = arith.constant 8388607 : i32
        %and3A_620 = vector.broadcast %and3A_619 : i32 to vector<16xi32>
        %and3A_621 = arith.andi %bitcast3A_615, %and3A_620 : vector<16xi32>
        %or3A_622 = arith.constant 1065353216 : i32
        %or3A_623 = vector.broadcast %or3A_622 : i32 to vector<16xi32>
        %or3A_624 = arith.ori %and3A_621, %or3A_623 : vector<16xi32>
        %bitcast3A_625 = vector.bitcast %or3A_624 : vector<16xi32> to vector<16xf32>
        %mul3A_626 = arith.constant -0.336881846 : f32
        %mul3A_627 = vector.broadcast %mul3A_626 : f32 to vector<16xf32>
        %mul3A_628 = arith.mulf %bitcast3A_625, %mul3A_627 : vector<16xf32>
        %add3A_629 = arith.constant 1.99490333 : f32
        %add3A_630 = vector.broadcast %add3A_629 : f32 to vector<16xf32>
        %add3A_631 = arith.addf %add3A_630, %mul3A_628 : vector<16xf32>
        %mul3A_632 = arith.mulf %bitcast3A_625, %add3A_631 : vector<16xf32>
        %add3A_633 = arith.constant -1.64899242 : f32
        %add3A_634 = vector.broadcast %add3A_633 : f32 to vector<16xf32>
        %add3A_635 = arith.addf %add3A_634, %mul3A_632 : vector<16xf32>
        %add3A_636 = arith.addi %add3A_588, %shift_right_arithmetic3A_618 : vector<16xi32>
        %add3A_637 = arith.addf %add3A_589, %add3A_635 : vector<16xf32>
        %add3A_638 = arith.addf %add3A_590, %gather3A : vector<16xf32>
        %bitcast3A_639 = vector.bitcast %add3A_638 : vector<16xf32> to vector<16xi32>
        %shift_right_arithmetic3A_640 = arith.constant 23 : i32
        %shift_right_arithmetic3A_641 = vector.broadcast %shift_right_arithmetic3A_640 : i32 to vector<16xi32>
        %shift_right_arithmetic3A_642 = arith.shrsi %bitcast3A_639, %shift_right_arithmetic3A_641 : vector<16xi32>
        %and3A_643 = arith.constant 8388607 : i32
        %and3A_644 = vector.broadcast %and3A_643 : i32 to vector<16xi32>
        %and3A_645 = arith.andi %bitcast3A_639, %and3A_644 : vector<16xi32>
        %or3A_646 = arith.constant 1065353216 : i32
        %or3A_647 = vector.broadcast %or3A_646 : i32 to vector<16xi32>
        %or3A_648 = arith.ori %and3A_645, %or3A_647 : vector<16xi32>
        %bitcast3A_649 = vector.bitcast %or3A_648 : vector<16xi32> to vector<16xf32>
        %mul3A_650 = arith.constant -0.336881846 : f32
        %mul3A_651 = vector.broadcast %mul3A_650 : f32 to vector<16xf32>
        %mul3A_652 = arith.mulf %bitcast3A_649, %mul3A_651 : vector<16xf32>
        %add3A_653 = arith.constant 1.99490333 : f32
        %add3A_654 = vector.broadcast %add3A_653 : f32 to vector<16xf32>
        %add3A_655 = arith.addf %add3A_654, %mul3A_652 : vector<16xf32>
        %mul3A_656 = arith.mulf %bitcast3A_649, %add3A_655 : vector<16xf32>
        %add3A_657 = arith.constant -1.64899242 : f32
        %add3A_658 = vector.broadcast %add3A_657 : f32 to vector<16xf32>
        %add3A_659 = arith.addf %add3A_658, %mul3A_656 : vector<16xf32>
        %add3A_660 = arith.addi %add3A_612, %shift_right_arithmetic3A_642 : vector<16xi32>
        %add3A_661 = arith.addf %add3A_613, %add3A_659 : vector<16xf32>
        %add3A_662 = arith.addf %add3A_614, %gather3A_298 : vector<16xf32>
        %bitcast3A_663 = vector.bitcast %add3A_662 : vector<16xf32> to vector<16xi32>
        %shift_right_arithmetic3A_664 = arith.constant 23 : i32
        %shift_right_arithmetic3A_665 = vector.broadcast %shift_right_arithmetic3A_664 : i32 to vector<16xi32>
        %shift_right_arithmetic3A_666 = arith.shrsi %bitcast3A_663, %shift_right_arithmetic3A_665 : vector<16xi32>
        %and3A_667 = arith.constant 8388607 : i32
        %and3A_668 = vector.broadcast %and3A_667 : i32 to vector<16xi32>
        %and3A_669 = arith.andi %bitcast3A_663, %and3A_668 : vector<16xi32>
        %or3A_670 = arith.constant 1065353216 : i32
        %or3A_671 = vector.broadcast %or3A_670 : i32 to vector<16xi32>
        %or3A_672 = arith.ori %and3A_669, %or3A_671 : vector<16xi32>
        %bitcast3A_673 = vector.bitcast %or3A_672 : vector<16xi32> to vector<16xf32>
        %mul3A_674 = arith.constant -0.336881846 : f32
        %mul3A_675 = vector.broadcast %mul3A_674 : f32 to vector<16xf32>
        %mul3A_676 = arith.mulf %bitcast3A_673, %mul3A_675 : vector<16xf32>
        %add3A_677 = arith.constant 1.99490333 : f32
        %add3A_678 = vector.broadcast %add3A_677 : f32 to vector<16xf32>
        %add3A_679 = arith.addf %add3A_678, %mul3A_676 : vector<16xf32>
        %mul3A_680 = arith.mulf %bitcast3A_673, %add3A_679 : vector<16xf32>
        %add3A_681 = arith.constant -1.64899242 : f32
        %add3A_682 = vector.broadcast %add3A_681 : f32 to vector<16xf32>
        %add3A_683 = arith.addf %add3A_682, %mul3A_680 : vector<16xf32>
        %add3A_684 = arith.addi %add3A_636, %shift_right_arithmetic3A_666 : vector<16xi32>
        %add3A_685 = arith.addf %add3A_637, %add3A_683 : vector<16xf32>
        scf.yield %add3A_638, %add3A_662, %add3A_660, %add3A_684, %add3A_661, %add3A_685 : vector<16xf32>, vector<16xf32>, vector<16xi32>, vector<16xi32>, vector<16xf32>, vector<16xf32>
      }
      %scan3A_144 = arith.constant 12 : i32
      %convert_element_type3A_145 = arith.sitofp %scan3A_143#2 : vector<16xi32> to vector<16xf32>
      %sub3A = arith.constant 2.540000e+04 : f32
      %sub3A_146 = vector.broadcast %sub3A : f32 to vector<16xf32>
      %sub3A_147 = arith.subf %convert_element_type3A_145, %sub3A_146 : vector<16xf32>
      %add3A_148 = arith.addf %sub3A_147, %scan3A_143#4 : vector<16xf32>
      %mul3A_149 = arith.constant 0.693147182 : f32
      %mul3A_150 = vector.broadcast %mul3A_149 : f32 to vector<16xf32>
      %mul3A_151 = arith.mulf %mul3A_150, %add3A_148 : vector<16xf32>
      %sub3A_152 = arith.subf %scan3A_119#0, %mul3A_151 : vector<16xf32>
      %swap3A = arith.constant 0 : i32
      %swap3A_153 = arith.index_cast %swap3A : i32 to index
      %swap3A_154 = arith.constant 0 : index
      %swap3A_155 = tpu.vector_load %arg11[%swap3A_153, %swap3A_154] {strides = array<i32>} : memref<2x16xf32, #tpu.memory_space<vmem>>, vector<16xf32>,
      tpu.vector_store %arg11[%swap3A_153, %swap3A_154], %sub3A_152 {strides = array<i32>} : memref<2x16xf32, #tpu.memory_space<vmem>>, vector<16xf32>,
      %convert_element_type3A_156 = arith.sitofp %scan3A_143#3 : vector<16xi32> to vector<16xf32>
      %sub3A_157 = arith.constant 2.540000e+04 : f32
      %sub3A_158 = vector.broadcast %sub3A_157 : f32 to vector<16xf32>
      %sub3A_159 = arith.subf %convert_element_type3A_156, %sub3A_158 : vector<16xf32>
      %add3A_160 = arith.addf %sub3A_159, %scan3A_143#5 : vector<16xf32>
      %mul3A_161 = arith.constant 0.693147182 : f32
      %mul3A_162 = vector.broadcast %mul3A_161 : f32 to vector<16xf32>
      %mul3A_163 = arith.mulf %mul3A_162, %add3A_160 : vector<16xf32>
      %sub3A_164 = arith.subf %scan3A_119#1, %mul3A_163 : vector<16xf32>
      %swap3A_165 = arith.constant 1 : i32
      %swap3A_166 = arith.index_cast %swap3A_165 : i32 to index
      %swap3A_167 = arith.constant 0 : index
      %swap3A_168 = tpu.vector_load %arg11[%swap3A_166, %swap3A_167] {strides = array<i32>} : memref<2x16xf32, #tpu.memory_space<vmem>>, vector<16xf32>,
      tpu.vector_store %arg11[%swap3A_166, %swap3A_167], %sub3A_164 {strides = array<i32>} : memref<2x16xf32, #tpu.memory_space<vmem>>, vector<16xf32>,
      %mul3A_169 = arith.constant 2 : i32
      %mul3A_170 = arith.muli %scan3A_89, %mul3A_169 : i32
      %mul3A_171 = arith.constant 16 : i32
      %mul3A_172 = arith.muli %mul3A_170, %mul3A_171 : i32
      %add3A_173 = arith.addi %multiple_of3A, %mul3A_172 : i32
      %add3A_174 = arith.constant 0 : i32
      %add3A_175 = arith.addi %add3A_173, %add3A_174 : i32
      %run_scoped3A = arith.constant 0 : i32
      "tpu.region"() ({
        %run_scoped3A_185 = tpu.sem_alloc : memref<!tpu.dma_semaphore, #tpu.memory_space<semaphore_mem>>
        %dma_start3A_186 = arith.constant 0 : i32
        %dma_start3A_187 = tpu.memref_slice %arg11[%run_scoped3A, %dma_start3A_186] : memref<2x16xf32, #tpu.memory_space<vmem>> -> memref<1x16xf32, #tpu.memory_space<vmem>>
        %dma_start3A_188 = tpu.memref_squeeze %dma_start3A_187 : memref<1x16xf32, #tpu.memory_space<vmem>> -> memref<16xf32, #tpu.memory_space<vmem>>
        %dma_start3A_189 = tpu.memref_slice %arg5[%add3A_175] : memref<4096xf32, #tpu.memory_space<hbm>> -> memref<16xf32, #tpu.memory_space<hbm>>
        %dma_start3A_190 = tpu.memref_slice %arg5[%add3A_175] : memref<4096xf32, #tpu.memory_space<hbm>> -> memref<16xf32, #tpu.memory_space<hbm>>
        %dma_start3A_191 = arith.constant 0 : i32
        %dma_start3A_192 = tpu.memref_slice %arg11[%run_scoped3A, %dma_start3A_191] : memref<2x16xf32, #tpu.memory_space<vmem>> -> memref<1x16xf32, #tpu.memory_space<vmem>>
        %dma_start3A_193 = tpu.memref_squeeze %dma_start3A_192 : memref<1x16xf32, #tpu.memory_space<vmem>> -> memref<16xf32, #tpu.memory_space<vmem>>
        tpu.enqueue_dma source(%dma_start3A_193 : memref<16xf32, #tpu.memory_space<vmem>>) target(%dma_start3A_190 : memref<16xf32, #tpu.memory_space<hbm>>) target_semaphore(%run_scoped3A_185 : memref<!tpu.dma_semaphore, #tpu.memory_space<semaphore_mem>>)
        %dma_wait3A = arith.constant 0 : i32
        %dma_wait3A_194 = tpu.memref_slice %arg11[%run_scoped3A, %dma_wait3A] : memref<2x16xf32, #tpu.memory_space<vmem>> -> memref<1x16xf32, #tpu.memory_space<vmem>>
        %dma_wait3A_195 = tpu.memref_squeeze %dma_wait3A_194 : memref<1x16xf32, #tpu.memory_space<vmem>> -> memref<16xf32, #tpu.memory_space<vmem>>
        %dma_wait3A_196 = tpu.memref_slice %arg5[%add3A_175] : memref<4096xf32, #tpu.memory_space<hbm>> -> memref<16xf32, #tpu.memory_space<hbm>>
        %dma_wait3A_197 = tpu.memref_slice %arg5[%add3A_175] : memref<4096xf32, #tpu.memory_space<hbm>> -> memref<16xf32, #tpu.memory_space<hbm>>
        %dma_wait3A_198 = arith.constant 0 : i32
        %dma_wait3A_199 = tpu.memref_slice %arg11[%run_scoped3A, %dma_wait3A_198] : memref<2x16xf32, #tpu.memory_space<vmem>> -> memref<1x16xf32, #tpu.memory_space<vmem>>
        %dma_wait3A_200 = tpu.memref_squeeze %dma_wait3A_199 : memref<1x16xf32, #tpu.memory_space<vmem>> -> memref<16xf32, #tpu.memory_space<vmem>>
        tpu.wait_dma2 semaphore(%run_scoped3A_185 : memref<!tpu.dma_semaphore, #tpu.memory_space<semaphore_mem>>) src(%dma_wait3A_200 : memref<16xf32, #tpu.memory_space<vmem>>) dst(%dma_wait3A_197 : memref<16xf32, #tpu.memory_space<hbm>>)
        tpu.yield
      }) : () -> ()
      %mul3A_176 = arith.constant 2 : i32
      %mul3A_177 = arith.muli %scan3A_89, %mul3A_176 : i32
      %mul3A_178 = arith.constant 16 : i32
      %mul3A_179 = arith.muli %mul3A_177, %mul3A_178 : i32
      %add3A_180 = arith.addi %multiple_of3A, %mul3A_179 : i32
      %add3A_181 = arith.constant 16 : i32
      %add3A_182 = arith.addi %add3A_180, %add3A_181 : i32
      %run_scoped3A_183 = arith.constant 1 : i32
      "tpu.region"() ({
        %run_scoped3A_185 = tpu.sem_alloc : memref<!tpu.dma_semaphore, #tpu.memory_space<semaphore_mem>>
        %dma_start3A_186 = arith.constant 0 : i32
        %dma_start3A_187 = tpu.memref_slice %arg11[%run_scoped3A_183, %dma_start3A_186] : memref<2x16xf32, #tpu.memory_space<vmem>> -> memref<1x16xf32, #tpu.memory_space<vmem>>
        %dma_start3A_188 = tpu.memref_squeeze %dma_start3A_187 : memref<1x16xf32, #tpu.memory_space<vmem>> -> memref<16xf32, #tpu.memory_space<vmem>>
        %dma_start3A_189 = tpu.memref_slice %arg5[%add3A_182] : memref<4096xf32, #tpu.memory_space<hbm>> -> memref<16xf32, #tpu.memory_space<hbm>>
        %dma_start3A_190 = tpu.memref_slice %arg5[%add3A_182] : memref<4096xf32, #tpu.memory_space<hbm>> -> memref<16xf32, #tpu.memory_space<hbm>>
        %dma_start3A_191 = arith.constant 0 : i32
        %dma_start3A_192 = tpu.memref_slice %arg11[%run_scoped3A_183, %dma_start3A_191] : memref<2x16xf32, #tpu.memory_space<vmem>> -> memref<1x16xf32, #tpu.memory_space<vmem>>
        %dma_start3A_193 = tpu.memref_squeeze %dma_start3A_192 : memref<1x16xf32, #tpu.memory_space<vmem>> -> memref<16xf32, #tpu.memory_space<vmem>>
        tpu.enqueue_dma source(%dma_start3A_193 : memref<16xf32, #tpu.memory_space<vmem>>) target(%dma_start3A_190 : memref<16xf32, #tpu.memory_space<hbm>>) target_semaphore(%run_scoped3A_185 : memref<!tpu.dma_semaphore, #tpu.memory_space<semaphore_mem>>)
        %dma_wait3A = arith.constant 0 : i32
        %dma_wait3A_194 = tpu.memref_slice %arg11[%run_scoped3A_183, %dma_wait3A] : memref<2x16xf32, #tpu.memory_space<vmem>> -> memref<1x16xf32, #tpu.memory_space<vmem>>
        %dma_wait3A_195 = tpu.memref_squeeze %dma_wait3A_194 : memref<1x16xf32, #tpu.memory_space<vmem>> -> memref<16xf32, #tpu.memory_space<vmem>>
        %dma_wait3A_196 = tpu.memref_slice %arg5[%add3A_182] : memref<4096xf32, #tpu.memory_space<hbm>> -> memref<16xf32, #tpu.memory_space<hbm>>
        %dma_wait3A_197 = tpu.memref_slice %arg5[%add3A_182] : memref<4096xf32, #tpu.memory_space<hbm>> -> memref<16xf32, #tpu.memory_space<hbm>>
        %dma_wait3A_198 = arith.constant 0 : i32
        %dma_wait3A_199 = tpu.memref_slice %arg11[%run_scoped3A_183, %dma_wait3A_198] : memref<2x16xf32, #tpu.memory_space<vmem>> -> memref<1x16xf32, #tpu.memory_space<vmem>>
        %dma_wait3A_200 = tpu.memref_squeeze %dma_wait3A_199 : memref<1x16xf32, #tpu.memory_space<vmem>> -> memref<16xf32, #tpu.memory_space<vmem>>
        tpu.wait_dma2 semaphore(%run_scoped3A_185 : memref<!tpu.dma_semaphore, #tpu.memory_space<semaphore_mem>>) src(%dma_wait3A_200 : memref<16xf32, #tpu.memory_space<vmem>>) dst(%dma_wait3A_197 : memref<16xf32, #tpu.memory_space<hbm>>)
        tpu.yield
      }) : () -> ()
      %scan3A_184 = arith.constant 0 : i32
      scf.yield %scan3A_184 : i32
    }
    %scan3A_88 = arith.constant 4 : i32
    return
  }
}

</mosaic_0001>

<sc_bundles>
// kernel: kernel.3.cloned.1.call-start
scs
__scs_entry_jumppad:
0x0: {  	(pc) =	sbr.rel $0x88, $3  }
0x1: {  	(tag) =	ssettag $0x0;
	lr =	simm.s32 $0x1  }
0x2: {  	[smem:$0x3F9E] =	sst lr;
	_ =	strace $0xD0000000  }
0x3: {  	_ = 	snop  }
0x4: {  	_ = 	snop  }
0x5: {  	_ = 	snop  }
0x6: {  	_ = 	snop  }
0x7: {  	_ = 	snop  }
__scs_overlays_trampoline_lowered:
0x8: {  	[smem:$0x3FAD] =	sst s0  }
0x9: {  	[smem:$0x3FAE] =	sst s1  }
0xa: {  	[smem:$0x3FAF] =	sst s2  }
0xb: {  	[smem:$0x3FB0] =	sst s3  }
0xc: {  	[smem:$0x3FB1] =	sst s4  }
0xd: {  	[smem:$0x3FB2] =	sst s5  }
0xe: {  	[smem:$0x3FB3] =	sst s6  }
0xf: {  	[smem:$0x3FB4] =	sst s7  }
0x10: {  	[smem:$0x3FB5] =	sst s8  }
0x11: {  	[smem:$0x3FB6] =	sst s9;
	s0 =	simm.s32 @!p0 $0x0  }
0x12: {  	s1 =	sld [smem:$0x3F9C];
	s0 =	simm.s32 @p0 $0x1  }
0x13: {  	[smem:$0x3FB7] =	sst s0;
	s0 =	simm.s32 @!p1 $0x0  }
0x14: {  	s2 =	sld [smem:$0x3F9B];
	s0 =	simm.s32 @p1 $0x1  }
0x15: {  	[smem:$0x3FB8] =	sst s0;
	s0 =	simm.s32 @!p2 $0x0  }
0x16: {  	s3 =	sld [smem:$0x3FDB];
	s0 =	simm.s32 @p2 $0x1  }
0x17: {  	s4 =	simm.s32 $0x1BF5;
	[smem:$0x3FBA] =	sst s0  }
0x18: {  	s0 =	sld [smem:$0x3F9D];
	_ =	swait.ge [sflag:s4], $0x0  }
0x19: {  	s7 =	sld [smem:$0x3F9E]  }
0x1a: {  	s8 =	sadd.s32 $0xFFFFE003, lr  }
0x1b: {  	s9 =	sadd.s32 $0xFFFFFEF7, lr;
	s5 =	simm.s32 $0xFFFFFFFF;
	p2 =	slt.u32 s8, $0xFFFFF086  }
0x1c: {  	p1 =	slt.u32 s9, $0xF7A;
	s5 =	simm.s32 @!p2 $0x0  }
0x1d: {  	s5 =	simm.s32 @p1 $0x1;
	p0 =	seq.s32 s7, s2  }
0x1e: {  	s7 =	smul.u32 @!p0 $0xF7A, s2;
	p2 =	seq.s32 @!p0 s5, $0x0  }
0x1f: {  	s9 =	smul.u32 $0xF7A, s1;
	s8 =	simm.s32 @!p0 $0x1BF5;
	p2 =	por !p2, p0  }
0x20: {  	[sflag:s8] =	ssyncset.s32 @!p0 $0xFFFFF086;
	s6 =	sadd.s32 @!p0 s3, s7;
	s7 =	simm.s32 @!p0 $0x108  }
0x21: {  	s3 =	sadd.s32 s3, s9;
	s6 =	sadd.s32 @!p0 $0x88, s6;
	s7 =	simm.s32 @p2 $0x1082  }
0x22: {  	[simem:s7], [sflag:s8] =	dma.local @!p0 [hbm:s6], $0xF7A  }
0x23: {  	s9 =	sor.u32 $0xD0000000, s2;
	s6 =	simm.s32 $0x108;
	_ =	swait.ge @!p0 [sflag:s8], $0x0  }
0x24: {  	s3 =	sadd.s32 $0x88, s3;
	s6 =	simm.s32 @!p1 $0x1082;
	[sflag:s4] =	ssyncset.s32 $0xFFFFF086  }
0x25: {  	[simem:s6], [sflag:s4] =	dma.local [hbm:s3], $0xF7A  }
0x26: {  	[smem:$0x3F9E] =	sst s1;
	(tag) =	ssettag s2;
	_ =	strace s9  }
0x27: {  	s1 =	sld [smem:$0x3FAE]  }
0x28: {  	s2 =	sld [smem:$0x3FAF]  }
0x29: {  	s4 =	sld [smem:$0x3FB1]  }
0x2a: {  	p0 =	seq.s32 s5, $0x0;
	s5 =	sld [smem:$0x3FB2]  }
0x2b: {  	s6 =	sld [smem:$0x3FB3]  }
0x2c: {  	s7 =	sld [smem:$0x3FB4]  }
0x2d: {  	s3 =	simm.s32 $0x108;
	s8 =	sld [smem:$0x3FB5]  }
0x2e: {  	s3 =	simm.s32 @!p0 $0x1082;
	s9 =	sld [smem:$0x3FB6]  }
0x2f: {  	lr =	sadd.s32 s0, s3;
	s0 =	sld [smem:$0x3FAD]  }
0x30: {  	s3 =	sld [smem:$0x3FB0]  }
0x31: {  	[smem:$0x3FB9] =	sst s10  }
0x32: {  	s10 =	sld [smem:$0x3FB7];
	_ =	sdelay $0x3  }
0x33: {  	p0 =	seq.s32 s10, $0x1;
	s10 =	sld [smem:$0x3FB9];
	_ =	sdelay $0x3  }
0x34: {  	[smem:$0x3FB9] =	sst s10  }
0x35: {  	s10 =	sld [smem:$0x3FB8];
	_ =	sdelay $0x3  }
0x36: {  	p1 =	seq.s32 s10, $0x1;
	s10 =	sld [smem:$0x3FB9];
	_ =	sdelay $0x3  }
0x37: {  	[smem:$0x3FB9] =	sst s10  }
0x38: {  	s10 =	sld [smem:$0x3FBA]  }
0x39: {  	_ = 	snop;
	(pc) =	sbr.ind lr, $3  }
0x3a: {  	_ = 	snop  }
0x3b: {  	_ = 	snop  }
0x3c: {  	p2 =	seq.s32 s10, $0x1;
	s10 =	sld [smem:$0x3FB9]  }
0x3d: {  	_ =	shalt  }
0x3e: {  	_ =	shalt  }
0x3f: {  	_ =	shalt  }
0x40: {  	_ =	shalt  }
0x41: {  	_ =	shalt  }
0x42: {  	_ =	shalt  }
0x43: {  	_ =	shalt  }
0x44: {  	_ =	shalt  }
0x45: {  	_ =	shalt  }
0x46: {  	_ =	shalt  }
0x47: {  	_ =	shalt  }
0x48: {  	_ =	shalt  }
0x49: {  	_ =	shalt  }
0x4a: {  	_ =	shalt  }
0x4b: {  	_ =	shalt  }
0x4c: {  	_ =	shalt  }
0x4d: {  	_ =	shalt  }
0x4e: {  	_ =	shalt  }
0x4f: {  	_ =	shalt  }
0x50: {  	_ =	shalt  }
0x51: {  	_ =	shalt  }
0x52: {  	_ =	shalt  }
0x53: {  	_ =	shalt  }
0x54: {  	_ =	shalt  }
0x55: {  	_ =	shalt  }
0x56: {  	_ =	shalt  }
0x57: {  	_ =	shalt  }
0x58: {  	_ =	shalt  }
0x59: {  	_ =	shalt  }
0x5a: {  	_ =	shalt  }
0x5b: {  	_ =	shalt  }
0x5c: {  	_ =	shalt  }
0x5d: {  	_ =	shalt  }
0x5e: {  	_ =	shalt  }
0x5f: {  	_ =	shalt  }
0x60: {  	_ =	shalt  }
0x61: {  	_ =	shalt  }
0x62: {  	_ =	shalt  }
0x63: {  	_ =	shalt  }
0x64: {  	_ =	shalt  }
0x65: {  	_ =	shalt  }
0x66: {  	_ =	shalt  }
0x67: {  	_ =	shalt  }
0x68: {  	_ =	shalt  }
0x69: {  	_ =	shalt  }
0x6a: {  	_ =	shalt  }
0x6b: {  	_ =	shalt  }
0x6c: {  	_ =	shalt  }
0x6d: {  	_ =	shalt  }
0x6e: {  	_ =	shalt  }
0x6f: {  	_ =	shalt  }
0x70: {  	_ =	shalt  }
0x71: {  	_ =	shalt  }
0x72: {  	_ =	shalt  }
0x73: {  	_ =	shalt  }
0x74: {  	_ =	shalt  }
0x75: {  	_ =	shalt  }
0x76: {  	_ =	shalt  }
0x77: {  	_ =	shalt  }
0x78: {  	_ =	shalt  }
0x79: {  	_ =	shalt  }
0x7a: {  	_ =	shalt  }
0x7b: {  	_ =	shalt  }
0x7c: {  	_ =	shalt  }
0x7d: {  	_ =	shalt  }
0x7e: {  	_ =	shalt  }
0x7f: {  	_ =	shalt  }
0x80: {  	_ =	shalt  }
0x81: {  	_ =	shalt  }
0x82: {  	_ =	shalt  }
0x83: {  	_ =	shalt  }
0x84: {  	_ =	shalt  }
0x85: {  	_ =	shalt  }
0x86: {  	_ =	shalt  }
0x87: {  	_ =	shalt  }
.Lfunc_end0:
.L_simem_size_0:
called_computation_lowered:
.L_overlay_start_0:
0x88: {  	s2 =	sld [smem:$0x3FD9]  }
0x89: {  	s3 =	sld [smem:$0x3FFE];
	_ =	sdelay $0x1  }
0x8a: {  	s1 =	srdreg.scid  }
0x8b: {  	s0 =	sand.u32 $0x1, s1  }
0x8c: {  	s18 =	sshll.u32 s0, $0xA;
	s2 =	sadd.s32 s3, s2  }
0x8d: {  	s2 =	sadd.s32 s2, s18  }
0x8e: {  	[smem:$0x3FC5] =	sst s2  }
0x8f: {  	_ = 	snop  }
0x90: {  	s2 =	sld [smem:$0x3FC9]  }
0x91: {  	s19 =	sld [smem:$0x3FC8]  }
0x92: {  	s4 =	sld [smem:$0x3FC7]  }
0x93: {  	s5 =	sld [smem:$0x3FD0];
	(tm) =	ssettm $0x1  }
0x94: {  	s6 =	sld [smem:$0x3FFB];
	_ =	sdelay $0x3  }
0x95: {  	_ =	strace s6  }
0x96: {  	s6 =	sld [smem:$0x3FFC];
	_ =	sdelay $0x3  }
0x97: {  	_ =	strace s6  }
0x98: {  	s6 =	sld [smem:$0x3FFD];
	_ =	sdelay $0x3  }
0x99: {  	_ =	strace s6  }
0x9a: {  	_ =	strace $0x8FFFFFFF  }
0x9b: {  	s20 =	sld [smem:$0x3FDB];
	_ =	sdelay $0x1  }
0x9c: {  	s7 =	simm.s32 $_scs_section_size  }
0x9d: {  	s8 =	simm.s32 $_size__tile_overlayer_lowered;
	s9 =	simm.s32 $_tile_overlayer_lowered  }
0x9e: {  	s23 =	simm.s32 $0x1BFF;
	s22 =	sshll.u32 s9, $0x1;
	s6 =	sadd.s32 s7, s20  }
0x9f: {  	s10 =	simm.s32 $0x0;
	s21 =	sshll.u32 s8, $0x1;
	s8 =	sadd.s32 s22, s6  }
0xa0: {  	[timem:s10], [sflag:s23] =	dma.local [hbm:s8], s21  }
0xa1: {  	_ =	swait.ge [sflag:s23], s21  }
0xa2: {  	s7 =	ssub.s32 $0x0, s21;
	[sflag:s23] =	ssyncset.done $0x0  }
0xa3: {  	[sflag:s23] =	ssyncadd.s32 s7;
	_ =	sdelay $0x1  }
0xa4: {  	s24 =	simm.s32 $0x1B8B  }
0xa5: {  	_ =	swait.ge [sflag:s24], $0x1  }
0xa6: {  	[sflag:s24] =	ssyncset.done $0x0  }
0xa7: {  	s25 =	simm.s32 $0x1B8E;
	[sflag:s24] =	ssyncadd.s32 $0xFFFFFFFF  }
0xa8: {  	s26 =	simm.s32 $execute0_lowered;
	[smem:$0x3FD2] =	sst s25  }
0xa9: {  	s7 =	sshll.u32 s26, $0x1;
	_ =	strace $0x80000046;
	[dreg:$0x1] =	wrdreg $0xFFFFFFFF  }
0xaa: {  	s28 =	simm.s32 $_size_execute0_lowered;
	s6 =	sadd.s32 s6, s7;
	[dreg:$0x0] =	wrdreg $0x0  }
0xab: {  	s7 =	sshll.u32 s28, $0x1;
	[dreg:$0x2] =	wrdreg s6  }
0xac: {  	[dreg:$0x3] =	wrdreg s7  }
0xad: {  	[dreg:$0x4] =	wrdreg $0xC0  }
0xae: {  	_ =	task [dreg:s10], $0x5FFFF  }
0xaf: {  	[dreg:$0x1] =	wrdreg $0xFFFFFFFF  }
0xb0: {  	[dreg:$0x0] =	wrdreg $0x60  }
0xb1: {  	[dreg:$0x2] =	wrdreg s2  }
0xb2: {  	[dreg:$0x3] =	wrdreg s19  }
0xb3: {  	[dreg:$0x4] =	wrdreg s4  }
0xb4: {  	[dreg:$0x5] =	wrdreg s5  }
0xb5: {  	[dreg:$0x6] =	wrdreg $0x9  }
0xb6: {  	_ =	task.clear_ibuf [dreg:s10], $0x7FFFF;
	_ =	strace $0x90000046  }
0xb7: {  	s29 =	simm.s32 $0x9;
	_ =	strace $0x80000048  }
0xb8: {  	_ =	swait.ge [sflag:s29], $0x1  }
0xb9: {  	[sflag:s29] =	ssyncadd.s32 $0xFFFFFFFF  }
0xba: {  	_ =	strace $0x90000048  }
0xbb: {  	_ =	sfence  }
0xbc: {  	s30 =	sld [smem:$0x0];
	_ =	sdelay $0x2  }
0xbd: {  	s31 =	sshll.u32 s1, $0xD;
	s1 =	sshrl.u32 s1, $0x2  }
0xbe: {  	s3 =	sand.u32 $0x4000, s31;
	s1 =	sadd.s32 s1, s30  }
0xbf: {  	s0 =	sor.u32 s3, s0;
	s1 =	sshll.u32 s1, $0x11  }
0xc0: {  	s0 =	sor.u32 s1, s0  }
0xc1: {  	s0 =	sadd.s32 $0x8F2B, s0  }
0xc2: {  	[sflag:s0] =	ssyncadd.remote.s32 $0x1  }
0xc3: {  	_ =	sfence.sel $0xFFFF  }
0xc4: {  	[dreg:$0x0] =	wrdreg $0xFFFFFFFF;
	(pc) =	sbr.abs _section_cstart, $3  }
0xc5: {  	[dreg:$0x1] =	wrdreg $0xFFFFFFFF  }
0xc6: {  	_ =	task.clear_ibuf [dreg:s10], $0x2FFFF;
	_ =	strace $0x9FFFFFFF  }
0xc7: {  	(tm) =	ssettm $0x7FFFFFFF  }
tec
execute0_lowered:
.L_overlay_start_1:
0x0: {  	(tag) =	ssettag $0x1  }
0x1: {  	s0 =	rddreg [dreg:$0x0]  }
0x2: {  	s1 =	rddreg [dreg:$0x1]  }
0x3: {  	s9 =	rddreg [dreg:$0x2]  }
0x4: {  	s2 =	rddreg [dreg:$0x3];
	s4 =	srdreg.scid  }
0x5: {  	s3 =	simm.s32 $0x0;
	s6 =	stileid.u32;
	s13 =	simm.s32 $0x400  }
0x6: {  	s14 =	simm.s32 $0x8000;
	s15 =	simm.s32 $0xC800;
	s16 =	simm.s32 $0x9400  }
0x7: {  	s17 =	simm.s32 $0x12C00;
	s18 =	simm.s32 $0x13880;
	s19 =	simm.s32 $0x14500  }
0x8: {  	s20 =	simm.s32 $0x5;
	s21 =	simm.s32 $0x14580;
	s22 =	simm.s32 $0x0  }
0x9: {  	s4 =	sand.u32 $0x1, s4;
	s6 =	sshll.u32 s6, $0x8;
	[smem:$0x7FF] =	sst s3  }
0xa: {  	s11 =	sadd.s32 $0x2, s2;
	s5 =	ssub.s32 $0x2, s4;
	s4 =	sshll.u32 s4, $0x7  }
0xb: {  	_ =	strace $0x80000047;
	s7 =	sshrl.u32 s5, $0x1;
	s4 =	sor.u32 s4, s6  }
0xc: {  	v0 =	vlaneseq.u32;
	s12 =	ssub.s32 s5, s7;
	s5 =	sadd.s32 s0, s4;
	s10 =	sor.u32 $0xD000, s4  }
0xd: {  	v0 =	vmul.u32 $0xC8, v0;
	s6 =	sadd.s32 s9, s4;
	s7 =	sadd.s32 s1, s4;
	s8 =	sadd.s32 s0, s10  }
0xe: {  	s9 =	sadd.s32 s9, s10;
	s10 =	sadd.s32 $0xC000, s7;
	s12 =	smax.u32 s12, $0x1  }
.LBB2_1:
0xf: {  	[tilespmem:s3], [sflag:$0x1] =	stream.strided.gather [hbm4b:s5+s13], $0x3400, s14, s13, $0x38;
	[tilespmem:$0x14600] =	vst v63  }
0x10: {  	_ = 	snop  }
0x11: {  	[tilespmem:s15], [sflag:$0x1] =	stream.strided.gather [hbm4b:s6+s13], $0x3400, s14, s13, $0x38;
	[tilespmem:$0x14600] =	vst v63  }
0x12: {  	s23 =	simm.s32 $0x3400  }
0x13: {  	[tilespmem:s23], [sflag:$0x2] =	stream.strided.gather [hbm4b:s8+s13], $0x3000, s14, s13, $0x38;
	[tilespmem:$0x14600] =	vst v63  }
0x14: {  	s24 =	simm.s32 $0xFC00  }
0x15: {  	[tilespmem:s24], [sflag:$0x2] =	stream.strided.gather [hbm4b:s9+s13], $0x3000, s14, s13, $0x38;
	[tilespmem:$0x14600] =	vst v63  }
0x16: {  	s25 =	simm.s32 $0x6400  }
0x17: {  	[tilespmem:s16], [sflag:$0x3] =	stream.strided.gather [hbm4b:s10+s13], $0x3400, s14, s13, $0x38;
	[tilespmem:$0x14600] =	vst v63  }
0x18: {  	s26 =	simm.s32 $0xCA00;
	s28 =	simm.s32 $0x200;
	s29 =	simm.s32 $0x0  }
0x19: {  	[tilespmem:s25], [sflag:$0x4] =	stream.strided.gather [hbm4b:s7+s13], $0x3000, s14, s13, $0x38;
	[tilespmem:$0x14600] =	vst v63  }
.LBB2_2:
0x1a: {  	p0 =	sne.s32 s29, $0x0  }
0x1b: {  	s0 =	simm.s32 @!p0 $0x1  }
0x1c: {  	_ =	swait.ge @!p0 [sflag:s0], $0x3400  }
0x1d: {  	v2 =	vmov s26;
	[sflag:s0] =	ssyncset.done @!p0 $0x0  }
0x1e: {  	[sflag:s0] =	ssyncadd.s32 @!p0 $0xFFFFCC00  }
0x1f: {  	v3 =	vmov s28;
	_ =	swait.ge @!p0 [sflag:s0], $0x3400  }
0x20: {  	[sflag:s0] =	ssyncset.done @!p0 $0x0  }
0x21: {  	s1 =	simm.s32 $0x0;
	[sflag:s0] =	ssyncadd.s32 @!p0 $0xFFFFCC00  }
0x22: {  	v5 =	vld.idx.msk [tilespmem:v2+s1+$0xFFFFFE80 ss:$0x1], $0xffff  }
0x23: {  	v7 =	vld.idx.msk [tilespmem:v2+s1+$0xFFFFFF00 ss:$0x1], $0xffff  }
0x24: {  	v1 =	vld.idx.msk [tilespmem:v3+s1+$0x180 ss:$0x1], $0xffff  }
0x25: {  	v20 =	vld.idx.msk [tilespmem:v3+s1+$0x100 ss:$0x1], $0xffff  }
0x26: {  	v8 =	vld.idx.msk [tilespmem:v3+s1+$0x80 ss:$0x1], $0xffff  }
0x27: {  	v15 =	vld.idx.msk [tilespmem:v3+s1+$0x0 ss:$0x1], $0xffff  }
0x28: {  	v12 =	vld.idx.msk [tilespmem:v3+s1+$0xFFFFFF80 ss:$0x1], $0xffff  }
0x29: {  	v9 =	vld.idx.msk [tilespmem:v3+s1+$0xFFFFFF00 ss:$0x1], $0xffff  }
0x2a: {  	v10 =	vld.idx.msk [tilespmem:v3+s1+$0xFFFFFE80 ss:$0x1], $0xffff  }
0x2b: {  	v11 =	vld.idx.msk [tilespmem:v3+s1+$0xFFFFFE00 ss:$0x1], $0xffff  }
0x2c: {  	v6 =	vld.idx.msk [tilespmem:v2+s1+$0xFFFFFE00 ss:$0x1], $0xffff  }
0x2d: {  	v13 =	vld.idx.msk [tilespmem:v3+s1+$0xFFFFFE10 ss:$0x1], $0xffff;
	v14 =	vmul.f32 $1.442695020e+00, v8  }
0x2e: {  	v16 =	vld.idx.msk [tilespmem:v3+s1+$0xFFFFFE90 ss:$0x1], $0xffff;
	v17 =	vmul.f32 $1.442695020e+00, v15;
	v18 =	vmul.f32 $1.442695020e+00, v20  }
0x2f: {  	v19 =	vld.idx.msk [tilespmem:v3+s1+$0xFFFFFF10 ss:$0x1], $0xffff;
	v21 =	vmul.f32 $1.442695020e+00, v12;
	v22 =	vmul.f32 $1.442695020e+00, v1  }
0x30: {  	v24 =	vimm.f32 $0.0e+00;
	v4 =	vld.idx.msk [tilespmem:v2+s1+$0xFFFFFF80 ss:$0x1], $0xffff;
	v25 =	vmul.f32 $1.442695020e+00, v9;
	(erf) = vpow2.f32 v18  }
0x31: {  	v23 =	vld.idx.msk [tilespmem:v3+s1+$0xFFFFFF90 ss:$0x1], $0xffff;
	v26 =	vmul.f32 $1.442695020e+00, v10;
	v29 =	vadd.s32 v0, v6;
	(erf) = vpow2.f32 v14  }
0x32: {  	v27 =	vld.idx.msk [tilespmem:v3+s1+$0x10 ss:$0x1], $0xffff;
	v6 =	vadd.s32 v0, v5;
	v5 =	vadd.f32 v13, v24;
	(erf) = vpow2.f32 v17  }
0x33: {  	v18 =	vld.idx.msk [tilespmem:v2+s1+$0x0 ss:$0x1], $0xffff;
	v14 =	vmul.f32 $1.442695020e+00, v11;
	v11 =	vadd.f32 v11, v24;
	(erf) = vpow2.f32 v21  }
0x34: {  	v28 =	vld.idx.msk [tilespmem:v3+s1+$0x90 ss:$0x1], $0xffff;
	v31 =	vmul.f32 $1.442695020e+00, v16;
	v32 =	vmul.f32 $1.442695020e+00, v19;
	v24 =	vadd.f32 v16, v5  }
0x35: {  	v30 =	vld.idx.msk [tilespmem:v2+s1+$0x100 ss:$0x1], $0xffff;
	v21 =	vmul.f32 $1.442695020e+00, v13;
	v10 =	vadd.f32 v10, v11;
	(erf) = vpow2.f32 v26  }
0x36: {  	v33 =	vld.idx.msk [tilespmem:v2+s1+$0xFFFFFE10 ss:$0x1], $0xffff;
	v13 =	vmul.f32 $1.442695020e+00, v23;
	v16 =	vadd.f32 v19, v24;
	(erf) = vpow2.f32 v25  }
0x37: {  	v19 =	vmul.f32 $1.442695020e+00, v27;
	v26 =	vld.idx.msk [tilespmem:v3+s1+$0x110 ss:$0x1], $0xffff;
	v24 =	vadd.f32 v9, v10;
	(erf) = vpow2.f32 v14  }
0x38: {  	v5 =	vld.idx.msk [tilespmem:v3+s1+$0x190 ss:$0x1], $0xffff;
	v9 =	vadd.s32 v0, v18;
	v18 =	vadd.f32 v23, v16;
	(erf) = vpow2.f32 v13  }
0x39: {  	v17 =	vld.idx.msk [tilespmem:v2+s1+$0x80 ss:$0x1], $0xffff;
	v10 =	vpop (erf);
	(erf) = vpow2.f32 v22  }
0x3a: {  	v11 =	vld.idx.msk [tilespmem:v2+s1+$0x10 ss:$0x1], $0xffff;
	v23 =	vmul.f32 $1.442695020e+00, v28;
	v18 =	vadd.f32 v27, v18;
	v13 =	vpop (erf);
	(erf) = vpow2.f32 v19  }
0x3b: {  	v4 =	vadd.s32 v0, v4;
	v25 =	vld.idx.msk [tilespmem:v2+s1+$0x180 ss:$0x1], $0xffff;
	v19 =	vadd.f32 v12, v24;
	v16 =	vpop (erf);
	(erf) = vpow2.f32 v21  }
0x3c: {  	v14 =	vld.idx.msk [tilespmem:v2+s1+$0xFFFFFF90 ss:$0x1], $0xffff;
	v34 =	vmul.f32 $1.442695020e+00, v26;
	v21 =	vpop (erf);
	(erf) = vpow2.f32 v23;
	v23 =	vadd.f32 v28, v18  }
0x3d: {  	v7 =	vadd.s32 v0, v7;
	v22 =	vld.idx.msk [tilespmem:v2+s1+$0xFFFFFE90 ss:$0x1], $0xffff;
	v19 =	vadd.f32 v15, v19;
	(erf) = vpow2.f32 v31  }
0x3e: {  	v24 =	vld.idx.msk [tilespmem:v2+s1+$0xFFFFFF10 ss:$0x1], $0xffff;
	v15 =	vadd.s32 v0, v30;
	v30 =	vmul.f32 $1.442695020e+00, v5;
	v27 =	vpop (erf);
	(erf) = vpow2.f32 v34  }
0x3f: {  	v12 =	vadd.s32 v0, v17;
	v17 =	vld.idx.msk [tilespmem:v2+s1+$0x110 ss:$0x1], $0xffff;
	v31 =	vadd.f32 v8, v19;
	v28 =	vpop (erf);
	(erf) = vpow2.f32 v32  }
0x40: {  	v18 =	vld.idx.msk [tilespmem:v2+s1+$0x190 ss:$0x1], $0xffff;
	v19 =	vadd.s32 v0, v25;
	v8 =	vadd.f32 v26, v23;
	v23 =	vpop (erf);
	(erf) = vpow2.f32 v30  }
0x41: {  	s30 =	sshll.u32 s29, $0x5;
	s31 =	simm.s32 $0x1000;
	v25 =	vld.idx.msk [tilespmem:v2+s1+$0x90 ss:$0x1], $0xffff;
	v26 =	vadd.s32 v0, v33;
	v20 =	vadd.f32 v20, v31;
	[tilespmem:v29+s17+$0x0] =	vst.idx.msk $0xffff, v23;
	v23 =	vpop (erf)  }
.LBB2_3:
0x42: {  	p1 =	sne.s32 s31, $0xC000;
	v22 =	vadd.s32 v0, v22;
	[tilespmem:v6+s17+$0x0] =	vst.idx.msk $0xffff, v27;
	v6 =	vpop (erf);
	s0 =	smov.u32 s31;
	s31 =	sadd.s32 $0x1000, s31  }
0x43: {  	v24 =	vadd.s32 v0, v24;
	[tilespmem:v7+s17+$0x0] =	vst.idx.msk $0xffff, v28;
	v20 =	vadd.f32 v1, v20;
	v1 =	vpop (erf)  }
0x44: {  	v7 =	vadd.s32 v0, v14;
	[tilespmem:v4+s17+$0x0] =	vst.idx.msk $0xffff, v21;
	v4 =	vpop (erf)  }
0x45: {  	v11 =	vadd.s32 v0, v11;
	[tilespmem:v9+s17+$0x0] =	vst.idx.msk $0xffff, v16;
	v9 =	vpop (erf)  }
0x46: {  	[tilespmem:v12+s17+$0x0] =	vst.idx.msk $0xffff, v13;
	v12 =	vpop (erf)  }
0x47: {  	[tilespmem:v15+s17+$0x0] =	vst.idx.msk $0xffff, v10;
	v10 =	vpop (erf)  }
0x48: {  	v14 =	vadd.s32 v0, v17;
	v13 =	vadd.s32 v0, v25;
	[tilespmem:v19+s17+$0x0] =	vst.idx.msk $0xffff, v6;
	v6 =	vpop (erf)  }
0x49: {  	[tilespmem:v26+s18+$0x0] =	vst.idx.msk $0xffff, v4;
	v4 =	vpop (erf)  }
0x4a: {  	v15 =	vadd.s32 v0, v18;
	[tilespmem:v22+s18+$0x0] =	vst.idx.msk $0xffff, v12  }
0x4b: {  	[tilespmem:v24+s18+$0x0] =	vst.idx.msk $0xffff, v6  }
0x4c: {  	[tilespmem:v7+s18+$0x0] =	vst.idx.msk $0xffff, v23  }
0x4d: {  	[tilespmem:v11+s18+$0x0] =	vst.idx.msk $0xffff, v1  }
0x4e: {  	[tilespmem:v13+s18+$0x0] =	vst.idx.msk $0xffff, v9  }
0x4f: {  	v5 =	vadd.f32 v5, v8;
	[tilespmem:v14+s18+$0x0] =	vst.idx.msk $0xffff, v10  }
0x50: {  	s0 =	sshra.s32 s0, $0x2;
	[tilespmem:v15+s18+$0x0] =	vst.idx.msk $0xffff, v4  }
0x51: {  	v6 =	vld.idx.msk [tilespmem:v2+s0+$0xFFFFFE80 ss:$0x1], $0xffff  }
0x52: {  	v7 =	vld.idx.msk [tilespmem:v2+s0+$0xFFFFFF00 ss:$0x1], $0xffff  }
0x53: {  	v4 =	vld.idx.msk [tilespmem:v2+s0+$0xFFFFFF80 ss:$0x1], $0xffff  }
0x54: {  	v1 =	vld.idx.msk [tilespmem:v3+s0+$0x180 ss:$0x1], $0xffff  }
0x55: {  	v23 =	vld.idx.msk [tilespmem:v3+s0+$0x100 ss:$0x1], $0xffff  }
0x56: {  	v8 =	vld.idx.msk [tilespmem:v3+s0+$0x80 ss:$0x1], $0xffff  }
0x57: {  	v17 =	vld.idx.msk [tilespmem:v3+s0+$0x0 ss:$0x1], $0xffff  }
0x58: {  	v16 =	vld.idx.msk [tilespmem:v3+s0+$0xFFFFFF80 ss:$0x1], $0xffff  }
0x59: {  	v10 =	vld.idx.msk [tilespmem:v3+s0+$0xFFFFFF00 ss:$0x1], $0xffff  }
0x5a: {  	v11 =	vld.idx.msk [tilespmem:v3+s0+$0xFFFFFE80 ss:$0x1], $0xffff  }
0x5b: {  	v9 =	vld.idx.msk [tilespmem:v3+s0+$0xFFFFFE00 ss:$0x1], $0xffff  }
0x5c: {  	v13 =	vmul.f32 $1.442695020e+00, v8;
	v12 =	vld.idx.msk [tilespmem:v2+s0+$0xFFFFFE00 ss:$0x1], $0xffff  }
0x5d: {  	v18 =	vmul.f32 $1.442695020e+00, v23;
	v15 =	vmul.f32 $1.442695020e+00, v17;
	v14 =	vld.idx.msk [tilespmem:v3+s0+$0xFFFFFE10 ss:$0x1], $0xffff  }
0x5e: {  	v22 =	vmul.f32 $1.442695020e+00, v1;
	v21 =	vmul.f32 $1.442695020e+00, v16;
	v19 =	vld.idx.msk [tilespmem:v3+s0+$0xFFFFFE90 ss:$0x1], $0xffff  }
0x5f: {  	v25 =	vmul.f32 $1.442695020e+00, v10;
	v24 =	vld.idx.msk [tilespmem:v3+s0+$0xFFFFFF10 ss:$0x1], $0xffff  }
0x60: {  	v26 =	vld.idx.msk [tilespmem:v3+s0+$0xFFFFFF90 ss:$0x1], $0xffff;
	(erf) = vpow2.f32 v18  }
0x61: {  	v4 =	vadd.s32 v0, v4;
	v27 =	vmul.f32 $1.442695020e+00, v11;
	v18 =	vld.idx.msk [tilespmem:v2+s0+$0x0 ss:$0x1], $0xffff;
	(erf) = vpow2.f32 v13  }
0x62: {  	v29 =	vadd.s32 v0, v12;
	v12 =	vmul.f32 $1.442695020e+00, v9;
	v28 =	vld.idx.msk [tilespmem:v3+s0+$0x10 ss:$0x1], $0xffff;
	(erf) = vpow2.f32 v15  }
0x63: {  	v6 =	vadd.s32 v0, v6;
	v30 =	vmul.f32 $1.442695020e+00, v14;
	v13 =	vld.idx.msk [tilespmem:v2+s0+$0x80 ss:$0x1], $0xffff;
	(erf) = vpow2.f32 v21  }
0x64: {  	v7 =	vadd.s32 v0, v7;
	v5 =	vadd.f32 v14, v5;
	v32 =	vmul.f32 $1.442695020e+00, v19;
	v31 =	vld.idx.msk [tilespmem:v3+s0+$0x90 ss:$0x1], $0xffff  }
0x65: {  	v14 =	vadd.f32 v9, v20;
	v33 =	vmul.f32 $1.442695020e+00, v24;
	v15 =	vld.idx.msk [tilespmem:v2+s0+$0x100 ss:$0x1], $0xffff;
	(erf) = vpow2.f32 v27  }
0x66: {  	v19 =	vadd.f32 v19, v5;
	v21 =	vmul.f32 $1.442695020e+00, v26;
	v20 =	vld.idx.msk [tilespmem:v3+s0+$0x110 ss:$0x1], $0xffff;
	(erf) = vpow2.f32 v25  }
0x67: {  	v14 =	vadd.f32 v11, v14;
	v9 =	vadd.s32 v0, v18;
	v18 =	vld.idx.msk [tilespmem:v2+s0+$0x180 ss:$0x1], $0xffff;
	(erf) = vpow2.f32 v12  }
0x68: {  	v19 =	vadd.f32 v24, v19;
	v25 =	vmul.f32 $1.442695020e+00, v28;
	v5 =	vld.idx.msk [tilespmem:v3+s0+$0x190 ss:$0x1], $0xffff;
	(erf) = vpow2.f32 v21  }
0x69: {  	v34 =	vadd.f32 v10, v14;
	v12 =	vadd.s32 v0, v13;
	v11 =	vld.idx.msk [tilespmem:v2+s0+$0x10 ss:$0x1], $0xffff;
	v10 =	vpop (erf);
	(erf) = vpow2.f32 v22  }
0x6a: {  	v19 =	vadd.f32 v26, v19;
	v24 =	vmul.f32 $1.442695020e+00, v31;
	v14 =	vld.idx.msk [tilespmem:v2+s0+$0xFFFFFF90 ss:$0x1], $0xffff;
	v13 =	vpop (erf);
	(erf) = vpow2.f32 v25  }
0x6b: {  	v15 =	vadd.s32 v0, v15;
	v25 =	vadd.f32 v16, v34;
	v26 =	vld.idx.msk [tilespmem:v2+s0+$0xFFFFFE10 ss:$0x1], $0xffff;
	v16 =	vpop (erf);
	(erf) = vpow2.f32 v30  }
0x6c: {  	v34 =	vadd.f32 v28, v19;
	v30 =	vmul.f32 $1.442695020e+00, v20;
	v22 =	vld.idx.msk [tilespmem:v2+s0+$0xFFFFFE90 ss:$0x1], $0xffff;
	v21 =	vpop (erf);
	(erf) = vpow2.f32 v24  }
.Ltmp0:
0x6d: {  	v19 =	vadd.s32 v0, v18;
	v25 =	vadd.f32 v17, v25;
	v24 =	vld.idx.msk [tilespmem:v2+s0+$0xFFFFFF10 ss:$0x1], $0xffff;
	(erf) = vpow2.f32 v32;
	(pc) =	sbr.rel @p1 .LBB2_3-.Ltmp0, $4  }
0x6e: {  	v31 =	vadd.f32 v31, v34;
	v32 =	vmul.f32 $1.442695020e+00, v5;
	v17 =	vld.idx.msk [tilespmem:v2+s0+$0x110 ss:$0x1], $0xffff;
	v27 =	vpop (erf);
	(erf) = vpow2.f32 v30  }
0x6f: {  	v30 =	vadd.f32 v8, v25;
	v18 =	vld.idx.msk [tilespmem:v2+s0+$0x190 ss:$0x1], $0xffff;
	v28 =	vpop (erf);
	(erf) = vpow2.f32 v33  }
0x70: {  	v8 =	vadd.f32 v20, v31;
	v25 =	vld.idx.msk [tilespmem:v2+s0+$0x90 ss:$0x1], $0xffff;
	v20 =	vpop (erf);
	(erf) = vpow2.f32 v32  }
0x71: {  	v26 =	vadd.s32 v0, v26;
	[tilespmem:v29+s17+$0x0] =	vst.idx.msk $0xffff, v20;
	v20 =	vadd.f32 v23, v30;
	v23 =	vpop (erf)  }
0x72: {  	_ =	sdelay $0x3  }
0x73: {  	[tilespmem:v6+s17+$0x0] =	vst.idx.msk $0xffff, v27  }
0x74: {  	[tilespmem:v7+s17+$0x0] =	vst.idx.msk $0xffff, v28  }
0x75: {  	v2 =	vpop (erf);
	[tilespmem:v4+s17+$0x0] =	vst.idx.msk $0xffff, v21  }
0x76: {  	v3 =	vadd.s32 v0, v22;
	v4 =	vpop (erf);
	[tilespmem:v9+s17+$0x0] =	vst.idx.msk $0xffff, v16  }
0x77: {  	v6 =	vadd.s32 v0, v24;
	v7 =	vpop (erf);
	[tilespmem:v12+s17+$0x0] =	vst.idx.msk $0xffff, v13  }
0x78: {  	v9 =	vadd.s32 v0, v14;
	v12 =	vpop (erf);
	[tilespmem:v15+s17+$0x0] =	vst.idx.msk $0xffff, v10  }
0x79: {  	v10 =	vadd.s32 v0, v11;
	v11 =	vpop (erf);
	[tilespmem:v19+s17+$0x0] =	vst.idx.msk $0xffff, v2  }
0x7a: {  	v13 =	vadd.s32 v0, v25;
	v2 =	vpop (erf);
	[tilespmem:v26+s18+$0x0] =	vst.idx.msk $0xffff, v7  }
0x7b: {  	v7 =	vadd.s32 v0, v17;
	v14 =	vpop (erf);
	[tilespmem:v3+s18+$0x0] =	vst.idx.msk $0xffff, v11  }
0x7c: {  	v3 =	vadd.s32 v0, v18;
	[tilespmem:v6+s18+$0x0] =	vst.idx.msk $0xffff, v14  }
0x7d: {  	[tilespmem:v9+s18+$0x0] =	vst.idx.msk $0xffff, v23  }
0x7e: {  	[tilespmem:v10+s18+$0x0] =	vst.idx.msk $0xffff, v4  }
0x7f: {  	[tilespmem:v13+s18+$0x0] =	vst.idx.msk $0xffff, v12  }
0x80: {  	v4 =	vpop (erf);
	[tilespmem:v7+s18+$0x0] =	vst.idx.msk $0xffff, v2  }
0x81: {  	s0 =	simm.s32 @!p0 $0x2;
	[tilespmem:v3+s18+$0x0] =	vst.idx.msk $0xffff, v4  }
0x82: {  	_ =	swait.ge @!p0 [sflag:s0], $0x3000  }
0x83: {  	v3 =	vmov s24;
	[sflag:s0] =	ssyncset.done @!p0 $0x0  }
0x84: {  	[sflag:s0] =	ssyncadd.s32 @!p0 $0xFFFFD000  }
0x85: {  	_ =	swait.ge @!p0 [sflag:s0], $0x3000  }
0x86: {  	v4 =	vmov s23;
	[sflag:s0] =	ssyncset.done @!p0 $0x0  }
0x87: {  	s1 =	simm.s32 $0x0;
	[sflag:s0] =	ssyncadd.s32 @!p0 $0xFFFFD000  }
0x88: {  	v6 =	vld.idx.msk [tilespmem:v3+s1+$0x80 ss:$0x1], $0xffff  }
0x89: {  	v7 =	vld.idx.msk [tilespmem:v3+s1+$0x100 ss:$0x1], $0xffff  }
0x8a: {  	v9 =	vld.idx.msk [tilespmem:v3+s1+$0x180 ss:$0x1], $0xffff  }
0x8b: {  	v2 =	vld.idx.msk [tilespmem:v4+s1+$0x380 ss:$0x1], $0xffff  }
0x8c: {  	v22 =	vld.idx.msk [tilespmem:v4+s1+$0x300 ss:$0x1], $0xffff  }
0x8d: {  	v10 =	vld.idx.msk [tilespmem:v4+s1+$0x280 ss:$0x1], $0xffff  }
0x8e: {  	v15 =	vld.idx.msk [tilespmem:v4+s1+$0x200 ss:$0x1], $0xffff  }
0x8f: {  	v12 =	vld.idx.msk [tilespmem:v4+s1+$0x180 ss:$0x1], $0xffff  }
0x90: {  	v13 =	vld.idx.msk [tilespmem:v4+s1+$0x100 ss:$0x1], $0xffff  }
0x91: {  	v11 =	vld.idx.msk [tilespmem:v4+s1+$0x80 ss:$0x1], $0xffff  }
0x92: {  	v14 =	vld.idx.msk [tilespmem:v4+s1+$0x0 ss:$0x1], $0xffff  }
0x93: {  	v16 =	vld.idx.msk [tilespmem:v3+s1+$0x0 ss:$0x1], $0xffff  }
0x94: {  	v17 =	vld.idx.msk [tilespmem:v4+s1+$0x10 ss:$0x1], $0xffff;
	v18 =	vmul.f32 $1.442695020e+00, v10  }
0x95: {  	v5 =	vadd.f32 v5, v8;
	v19 =	vld.idx.msk [tilespmem:v4+s1+$0x90 ss:$0x1], $0xffff;
	v21 =	vmul.f32 $1.442695020e+00, v15;
	v23 =	vmul.f32 $1.442695020e+00, v22  }
0x96: {  	v20 =	vadd.f32 v1, v20;
	v24 =	vld.idx.msk [tilespmem:v4+s1+$0x110 ss:$0x1], $0xffff;
	v25 =	vmul.f32 $1.442695020e+00, v12;
	v26 =	vmul.f32 $1.442695020e+00, v2  }
0x97: {  	v27 =	vld.idx.msk [tilespmem:v4+s1+$0x190 ss:$0x1], $0xffff;
	v8 =	vmul.f32 $1.442695020e+00, v13;
	v1 =	vadd.s32 v0, v9;
	(erf) = vpow2.f32 v23  }
0x98: {  	v28 =	vld.idx.msk [tilespmem:v3+s1+$0x300 ss:$0x1], $0xffff;
	v9 =	vmul.f32 $1.442695020e+00, v11;
	v29 =	vadd.s32 v0, v16;
	(erf) = vpow2.f32 v18  }
0x99: {  	v16 =	vmul.f32 $1.442695020e+00, v14;
	v5 =	vadd.f32 v17, v5;
	v18 =	vld.idx.msk [tilespmem:v4+s1+$0x210 ss:$0x1], $0xffff;
	(erf) = vpow2.f32 v21  }
0x9a: {  	v31 =	vld.idx.msk [tilespmem:v3+s1+$0x380 ss:$0x1], $0xffff;
	v6 =	vadd.s32 v0, v6;
	v14 =	vadd.f32 v14, v20;
	(erf) = vpow2.f32 v25  }
0x9b: {  	v17 =	vmul.f32 $1.442695020e+00, v17;
	v30 =	vadd.f32 v19, v5;
	v25 =	vld.idx.msk [tilespmem:v4+s1+$0x290 ss:$0x1], $0xffff;
	(erf) = vpow2.f32 v9  }
0x9c: {  	v23 =	vld.idx.msk [tilespmem:v3+s1+$0x200 ss:$0x1], $0xffff;
	v9 =	vmul.f32 $1.442695020e+00, v27;
	(erf) = vpow2.f32 v8;
	v8 =	vadd.f32 v11, v14  }
0x9d: {  	v20 =	vld.idx.msk [tilespmem:v4+s1+$0x310 ss:$0x1], $0xffff;
	(erf) = vpow2.f32 v16;
	v16 =	vadd.f32 v24, v30;
	v30 =	vmul.f32 $1.442695020e+00, v24  }
0x9e: {  	v7 =	vadd.s32 v0, v7;
	v21 =	vld.idx.msk [tilespmem:v3+s1+$0x280 ss:$0x1], $0xffff;
	v24 =	vmul.f32 $1.442695020e+00, v18;
	(erf) = vpow2.f32 v9  }
0x9f: {  	v19 =	vmul.f32 $1.442695020e+00, v19;
	v5 =	vld.idx.msk [tilespmem:v4+s1+$0x390 ss:$0x1], $0xffff;
	v32 =	vadd.f32 v13, v8;
	(erf) = vpow2.f32 v26  }
0xa0: {  	v33 =	vld.idx.msk [tilespmem:v3+s1+$0x10 ss:$0x1], $0xffff;
	v26 =	vadd.f32 v27, v16;
	v27 =	vmul.f32 $1.442695020e+00, v25;
	v9 =	vpop (erf);
	(erf) = vpow2.f32 v24  }
0xa1: {  	v11 =	vld.idx.msk [tilespmem:v3+s1+$0x210 ss:$0x1], $0xffff;
	v8 =	vadd.s32 v0, v23;
	v32 =	vadd.f32 v12, v32;
	v13 =	vpop (erf);
	(erf) = vpow2.f32 v17  }
0xa2: {  	v14 =	vld.idx.msk [tilespmem:v3+s1+$0x190 ss:$0x1], $0xffff;
	v18 =	vadd.f32 v18, v26;
	v26 =	vmul.f32 $1.442695020e+00, v20;
	v16 =	vpop (erf);
	(erf) = vpow2.f32 v27  }
0xa3: {  	v23 =	vld.idx.msk [tilespmem:v3+s1+$0x90 ss:$0x1], $0xffff;
	v12 =	vadd.s32 v0, v21;
	v32 =	vadd.f32 v15, v32;
	v21 =	vpop (erf);
	(erf) = vpow2.f32 v19  }
0xa4: {  	v35 =	vmul.f32 $1.442695020e+00, v5;
	v24 =	vld.idx.msk [tilespmem:v3+s1+$0x110 ss:$0x1], $0xffff;
	v34 =	vadd.f32 v25, v18;
	v27 =	vpop (erf);
	(erf) = vpow2.f32 v26  }
0xa5: {  	v17 =	vld.idx.msk [tilespmem:v3+s1+$0x310 ss:$0x1], $0xffff;
	v15 =	vadd.s32 v0, v28;
	v32 =	vadd.f32 v10, v32;
	v28 =	vpop (erf);
	(erf) = vpow2.f32 v30  }
0xa6: {  	v18 =	vld.idx.msk [tilespmem:v3+s1+$0x390 ss:$0x1], $0xffff;
	v19 =	vadd.s32 v0, v31;
	v10 =	vadd.f32 v20, v34;
	v20 =	vpop (erf);
	(erf) = vpow2.f32 v35  }
0xa7: {  	s31 =	simm.s32 $0x1000;
	v25 =	vld.idx.msk [tilespmem:v3+s1+$0x290 ss:$0x1], $0xffff;
	v26 =	vadd.s32 v0, v33;
	[tilespmem:v29+s17+$0x0] =	vst.idx.msk $0xffff, v20;
	v20 =	vadd.f32 v22, v32;
	v22 =	vpop (erf)  }
.LBB2_5:
0xa8: {  	p1 =	sne.s32 s31, $0xB000;
	v23 =	vadd.s32 v0, v23;
	[tilespmem:v6+s17+$0x0] =	vst.idx.msk $0xffff, v27;
	v6 =	vpop (erf);
	s0 =	smov.u32 s31;
	s31 =	sadd.s32 $0x1000, s31  }
0xa9: {  	v24 =	vadd.s32 v0, v24;
	[tilespmem:v7+s17+$0x0] =	vst.idx.msk $0xffff, v28;
	v20 =	vadd.f32 v2, v20;
	v2 =	vpop (erf)  }
0xaa: {  	v7 =	vadd.s32 v0, v14;
	[tilespmem:v1+s17+$0x0] =	vst.idx.msk $0xffff, v21;
	v1 =	vpop (erf)  }
0xab: {  	v11 =	vadd.s32 v0, v11;
	[tilespmem:v8+s17+$0x0] =	vst.idx.msk $0xffff, v16;
	v8 =	vpop (erf)  }
0xac: {  	[tilespmem:v12+s17+$0x0] =	vst.idx.msk $0xffff, v13;
	v12 =	vpop (erf)  }
0xad: {  	[tilespmem:v15+s17+$0x0] =	vst.idx.msk $0xffff, v9;
	v9 =	vpop (erf)  }
0xae: {  	v14 =	vadd.s32 v0, v17;
	v13 =	vadd.s32 v0, v25;
	[tilespmem:v19+s17+$0x0] =	vst.idx.msk $0xffff, v6;
	v6 =	vpop (erf)  }
0xaf: {  	[tilespmem:v26+s18+$0x0] =	vst.idx.msk $0xffff, v1;
	v1 =	vpop (erf)  }
0xb0: {  	v15 =	vadd.s32 v0, v18;
	[tilespmem:v23+s18+$0x0] =	vst.idx.msk $0xffff, v12  }
0xb1: {  	[tilespmem:v24+s18+$0x0] =	vst.idx.msk $0xffff, v6  }
0xb2: {  	[tilespmem:v7+s18+$0x0] =	vst.idx.msk $0xffff, v22  }
0xb3: {  	[tilespmem:v11+s18+$0x0] =	vst.idx.msk $0xffff, v2  }
0xb4: {  	[tilespmem:v13+s18+$0x0] =	vst.idx.msk $0xffff, v8  }
0xb5: {  	v5 =	vadd.f32 v5, v10;
	[tilespmem:v14+s18+$0x0] =	vst.idx.msk $0xffff, v9  }
0xb6: {  	s0 =	sshra.s32 s0, $0x2;
	[tilespmem:v15+s18+$0x0] =	vst.idx.msk $0xffff, v1  }
0xb7: {  	v6 =	vld.idx.msk [tilespmem:v3+s0+$0x80 ss:$0x1], $0xffff  }
0xb8: {  	v7 =	vld.idx.msk [tilespmem:v3+s0+$0x100 ss:$0x1], $0xffff  }
0xb9: {  	v1 =	vld.idx.msk [tilespmem:v3+s0+$0x180 ss:$0x1], $0xffff  }
0xba: {  	v2 =	vld.idx.msk [tilespmem:v4+s0+$0x380 ss:$0x1], $0xffff  }
0xbb: {  	v22 =	vld.idx.msk [tilespmem:v4+s0+$0x300 ss:$0x1], $0xffff  }
0xbc: {  	v10 =	vld.idx.msk [tilespmem:v4+s0+$0x280 ss:$0x1], $0xffff  }
0xbd: {  	v17 =	vld.idx.msk [tilespmem:v4+s0+$0x200 ss:$0x1], $0xffff  }
0xbe: {  	v16 =	vld.idx.msk [tilespmem:v4+s0+$0x180 ss:$0x1], $0xffff  }
0xbf: {  	v9 =	vld.idx.msk [tilespmem:v4+s0+$0x100 ss:$0x1], $0xffff  }
0xc0: {  	v11 =	vld.idx.msk [tilespmem:v4+s0+$0x80 ss:$0x1], $0xffff  }
0xc1: {  	v8 =	vld.idx.msk [tilespmem:v4+s0+$0x0 ss:$0x1], $0xffff  }
0xc2: {  	v13 =	vmul.f32 $1.442695020e+00, v10;
	v12 =	vld.idx.msk [tilespmem:v3+s0+$0x0 ss:$0x1], $0xffff  }
0xc3: {  	v18 =	vmul.f32 $1.442695020e+00, v22;
	v15 =	vmul.f32 $1.442695020e+00, v17;
	v14 =	vld.idx.msk [tilespmem:v4+s0+$0x10 ss:$0x1], $0xffff  }
0xc4: {  	v23 =	vmul.f32 $1.442695020e+00, v2;
	v21 =	vmul.f32 $1.442695020e+00, v16;
	v19 =	vld.idx.msk [tilespmem:v4+s0+$0x90 ss:$0x1], $0xffff  }
0xc5: {  	v25 =	vmul.f32 $1.442695020e+00, v9;
	v24 =	vld.idx.msk [tilespmem:v4+s0+$0x110 ss:$0x1], $0xffff  }
0xc6: {  	v26 =	vld.idx.msk [tilespmem:v4+s0+$0x190 ss:$0x1], $0xffff;
	(erf) = vpow2.f32 v18  }
0xc7: {  	v1 =	vadd.s32 v0, v1;
	v27 =	vmul.f32 $1.442695020e+00, v11;
	v18 =	vld.idx.msk [tilespmem:v3+s0+$0x200 ss:$0x1], $0xffff;
	(erf) = vpow2.f32 v13  }
0xc8: {  	v29 =	vadd.s32 v0, v12;
	v12 =	vmul.f32 $1.442695020e+00, v8;
	v28 =	vld.idx.msk [tilespmem:v4+s0+$0x210 ss:$0x1], $0xffff;
	(erf) = vpow2.f32 v15  }
0xc9: {  	v6 =	vadd.s32 v0, v6;
	v30 =	vmul.f32 $1.442695020e+00, v14;
	v13 =	vld.idx.msk [tilespmem:v3+s0+$0x280 ss:$0x1], $0xffff;
	(erf) = vpow2.f32 v21  }
0xca: {  	v7 =	vadd.s32 v0, v7;
	v5 =	vadd.f32 v14, v5;
	v32 =	vmul.f32 $1.442695020e+00, v19;
	v31 =	vld.idx.msk [tilespmem:v4+s0+$0x290 ss:$0x1], $0xffff  }
0xcb: {  	v14 =	vadd.f32 v8, v20;
	v33 =	vmul.f32 $1.442695020e+00, v24;
	v15 =	vld.idx.msk [tilespmem:v3+s0+$0x300 ss:$0x1], $0xffff;
	(erf) = vpow2.f32 v27  }
0xcc: {  	v19 =	vadd.f32 v19, v5;
	v21 =	vmul.f32 $1.442695020e+00, v26;
	v20 =	vld.idx.msk [tilespmem:v4+s0+$0x310 ss:$0x1], $0xffff;
	(erf) = vpow2.f32 v25  }
0xcd: {  	v14 =	vadd.f32 v11, v14;
	v8 =	vadd.s32 v0, v18;
	v18 =	vld.idx.msk [tilespmem:v3+s0+$0x380 ss:$0x1], $0xffff;
	(erf) = vpow2.f32 v12  }
0xce: {  	v19 =	vadd.f32 v24, v19;
	v25 =	vmul.f32 $1.442695020e+00, v28;
	v5 =	vld.idx.msk [tilespmem:v4+s0+$0x390 ss:$0x1], $0xffff;
	(erf) = vpow2.f32 v21  }
0xcf: {  	v34 =	vadd.f32 v9, v14;
	v12 =	vadd.s32 v0, v13;
	v11 =	vld.idx.msk [tilespmem:v3+s0+$0x210 ss:$0x1], $0xffff;
	v9 =	vpop (erf);
	(erf) = vpow2.f32 v23  }
0xd0: {  	v19 =	vadd.f32 v26, v19;
	v24 =	vmul.f32 $1.442695020e+00, v31;
	v14 =	vld.idx.msk [tilespmem:v3+s0+$0x190 ss:$0x1], $0xffff;
	v13 =	vpop (erf);
	(erf) = vpow2.f32 v25  }
0xd1: {  	v15 =	vadd.s32 v0, v15;
	v25 =	vadd.f32 v16, v34;
	v26 =	vld.idx.msk [tilespmem:v3+s0+$0x10 ss:$0x1], $0xffff;
	v16 =	vpop (erf);
	(erf) = vpow2.f32 v30  }
0xd2: {  	v34 =	vadd.f32 v28, v19;
	v30 =	vmul.f32 $1.442695020e+00, v20;
	v23 =	vld.idx.msk [tilespmem:v3+s0+$0x90 ss:$0x1], $0xffff;
	v21 =	vpop (erf);
	(erf) = vpow2.f32 v24  }
.Ltmp1:
0xd3: {  	v19 =	vadd.s32 v0, v18;
	v25 =	vadd.f32 v17, v25;
	v24 =	vld.idx.msk [tilespmem:v3+s0+$0x110 ss:$0x1], $0xffff;
	(erf) = vpow2.f32 v32;
	(pc) =	sbr.rel @p1 .LBB2_5-.Ltmp1, $4  }
0xd4: {  	v31 =	vadd.f32 v31, v34;
	v32 =	vmul.f32 $1.442695020e+00, v5;
	v17 =	vld.idx.msk [tilespmem:v3+s0+$0x310 ss:$0x1], $0xffff;
	v27 =	vpop (erf);
	(erf) = vpow2.f32 v30  }
0xd5: {  	v30 =	vadd.f32 v10, v25;
	v18 =	vld.idx.msk [tilespmem:v3+s0+$0x390 ss:$0x1], $0xffff;
	v28 =	vpop (erf);
	(erf) = vpow2.f32 v33  }
0xd6: {  	v10 =	vadd.f32 v20, v31;
	v25 =	vld.idx.msk [tilespmem:v3+s0+$0x290 ss:$0x1], $0xffff;
	v20 =	vpop (erf);
	(erf) = vpow2.f32 v32  }
0xd7: {  	v26 =	vadd.s32 v0, v26;
	[tilespmem:v29+s17+$0x0] =	vst.idx.msk $0xffff, v20;
	v20 =	vadd.f32 v22, v30;
	v22 =	vpop (erf)  }
0xd8: {  	_ =	sdelay $0x3  }
0xd9: {  	[tilespmem:v6+s17+$0x0] =	vst.idx.msk $0xffff, v27  }
0xda: {  	[tilespmem:v7+s17+$0x0] =	vst.idx.msk $0xffff, v28  }
0xdb: {  	v3 =	vpop (erf);
	[tilespmem:v1+s17+$0x0] =	vst.idx.msk $0xffff, v21  }
0xdc: {  	v4 =	vpop (erf);
	v1 =	vadd.s32 v0, v23;
	[tilespmem:v8+s17+$0x0] =	vst.idx.msk $0xffff, v16  }
0xdd: {  	v6 =	vadd.s32 v0, v24;
	v7 =	vpop (erf);
	[tilespmem:v12+s17+$0x0] =	vst.idx.msk $0xffff, v13  }
0xde: {  	v8 =	vadd.s32 v0, v14;
	v12 =	vpop (erf);
	[tilespmem:v15+s17+$0x0] =	vst.idx.msk $0xffff, v9  }
0xdf: {  	v9 =	vadd.s32 v0, v11;
	v11 =	vpop (erf);
	[tilespmem:v19+s17+$0x0] =	vst.idx.msk $0xffff, v3  }
0xe0: {  	v13 =	vadd.s32 v0, v25;
	v3 =	vpop (erf);
	[tilespmem:v26+s18+$0x0] =	vst.idx.msk $0xffff, v7  }
0xe1: {  	v7 =	vadd.s32 v0, v17;
	v14 =	vpop (erf);
	[tilespmem:v1+s18+$0x0] =	vst.idx.msk $0xffff, v11  }
0xe2: {  	v1 =	vadd.s32 v0, v18;
	[tilespmem:v6+s18+$0x0] =	vst.idx.msk $0xffff, v14  }
0xe3: {  	[tilespmem:v8+s18+$0x0] =	vst.idx.msk $0xffff, v22  }
0xe4: {  	[tilespmem:v9+s18+$0x0] =	vst.idx.msk $0xffff, v4  }
0xe5: {  	[tilespmem:v13+s18+$0x0] =	vst.idx.msk $0xffff, v12  }
0xe6: {  	v4 =	vpop (erf);
	[tilespmem:v7+s18+$0x0] =	vst.idx.msk $0xffff, v3;
	v3 =	vmov s25  }
0xe7: {  	s0 =	simm.s32 @!p0 $0x3;
	[tilespmem:v1+s18+$0x0] =	vst.idx.msk $0xffff, v4  }
0xe8: {  	_ =	swait.ge @!p0 [sflag:s0], $0x3400  }
0xe9: {  	[sflag:s0] =	ssyncset.done @!p0 $0x0  }
0xea: {  	s1 =	simm.s32 $0x0;
	[sflag:s0] =	ssyncadd.s32 @!p0 $0xFFFFCC00  }
0xeb: {  	v6 =	vld.idx.msk [tilespmem:v3+s1+$0x6190 ss:$0x1], $0xffff  }
0xec: {  	v4 =	vld.idx.msk [tilespmem:v3+s1+$0x6000 ss:$0x1], $0xffff  }
0xed: {  	v7 =	vld.idx.msk [tilespmem:v3+s1+$0x6080 ss:$0x1], $0xffff  }
0xee: {  	v1 =	vld.idx.msk [tilespmem:v3+s1+$0x6290 ss:$0x1], $0xffff  }
0xef: {  	v8 =	vld.idx.msk [tilespmem:v3+s1+$0x6100 ss:$0x1], $0xffff  }
0xf0: {  	v9 =	vld.idx.msk [tilespmem:v3+s1+$0x6390 ss:$0x1], $0xffff  }
0xf1: {  	v12 =	vld.idx.msk [tilespmem:v3+s1+$0x6380 ss:$0x1], $0xffff  }
0xf2: {  	v11 =	vld.idx.msk [tilespmem:v3+s1+$0x6210 ss:$0x1], $0xffff  }
0xf3: {  	v13 =	vld.idx.msk [tilespmem:v3+s1+$0x6310 ss:$0x1], $0xffff  }
0xf4: {  	v14 =	vld.idx.msk [tilespmem:v3+s1+$0x6300 ss:$0x1], $0xffff  }
0xf5: {  	v15 =	vld.idx.msk [tilespmem:v3+s1+$0x6280 ss:$0x1], $0xffff;
	v9 =	vadd.s32 v0, v9  }
0xf6: {  	v16 =	vld.idx.msk [tilespmem:v3+s1+$0x6200 ss:$0x1], $0xffff;
	v12 =	vadd.s32 v0, v12  }
0xf7: {  	v17 =	vld.idx.msk [tilespmem:v3+s1+$0x6180 ss:$0x1], $0xffff  }
0xf8: {  	v18 =	vld.idx.msk [tilespmem:v3+s1+$0x6110 ss:$0x1], $0xffff;
	v13 =	vadd.s32 v0, v13  }
0xf9: {  	v19 =	vld.idx.msk [tilespmem:v3+s1+$0x6090 ss:$0x1], $0xffff;
	v14 =	vadd.s32 v0, v14  }
0xfa: {  	v21 =	vadd.s32 v0, v1;
	v9 =	vld.idx.msk [tilespmem:v9+s18+$0x0], $0xffff  }
0xfb: {  	v1 =	vadd.f32 v2, v20;
	v2 =	vadd.f32 v5, v10;
	v10 =	vld.idx.msk [tilespmem:v12+s17+$0x0], $0xffff  }
0xfc: {  	v22 =	vld.idx.msk [tilespmem:v3+s1+$0x6010 ss:$0x1], $0xffff;
	v5 =	vimm.s32 $0x0  }
0xfd: {  	v4 =	vadd.s32 v0, v4;
	v7 =	vadd.s32 v0, v7;
	v15 =	vadd.s32 v0, v15;
	v13 =	vld.idx.msk [tilespmem:v13+s18+$0x0], $0xffff  }
0xfe: {  	v8 =	vadd.s32 v0, v8;
	v17 =	vadd.s32 v0, v17;
	v12 =	vimm.f32 $0.0e+00;
	v14 =	vld.idx.msk [tilespmem:v14+s17+$0x0], $0xffff  }
0xff: {  	v6 =	vadd.s32 v0, v6;
	v11 =	vadd.s32 v0, v11;
	v20 =	vld.idx.msk [tilespmem:v21+s18+$0x0], $0xffff;
	v9 =	vadd.f32 v9, v12  }
0x100: {  	v18 =	vadd.s32 v0, v18;
	v16 =	vadd.s32 v0, v16;
	v10 =	vadd.f32 v10, v12  }
0x101: {  	v19 =	vadd.s32 v0, v19;
	v22 =	vadd.s32 v0, v22;
	v21 =	vand.u32 $0x7FFFFF, v9  }
0x102: {  	v23 =	vshra.s32 v9, $0x17;
	v9 =	vadd.f32 v9, v13;
	v13 =	vld.idx.msk [tilespmem:v15+s17+$0x0], $0xffff;
	v15 =	vshra.s32 v10, $0x17  }
0x103: {  	v24 =	vand.u32 $0x7FFFFF, v10;
	v10 =	vadd.f32 v10, v14;
	v21 =	vor.u32 $0x3F800000, v21  }
0x104: {  	v14 =	vor.u32 $0x3F800000, v24;
	v24 =	vand.u32 $0x7FFFFF, v9;
	v20 =	vadd.f32 v9, v20  }
0x105: {  	v11 =	vld.idx.msk [tilespmem:v11+s18+$0x0], $0xffff;
	v25 =	vmul.f32 $3.368818460e-01, v14;
	v26 =	vmul.f32 $3.368818460e-01, v21;
	v27 =	vand.u32 $0x7FFFFF, v10  }
0x106: {  	v16 =	vld.idx.msk [tilespmem:v16+s17+$0x0], $0xffff;
	v9 =	vshra.s32 v9, $0x17;
	v29 =	vshra.s32 v10, $0x17;
	v27 =	vor.u32 $0x3F800000, v27  }
0x107: {  	v24 =	vor.u32 $0x3F800000, v24;
	v25 =	vsub.f32 $1.994903330e+00, v25;
	v28 =	vmul.f32 $3.368818460e-01, v27  }
0x108: {  	v26 =	vsub.f32 $1.994903330e+00, v26;
	v30 =	vmul.f32 $3.368818460e-01, v24;
	v10 =	vadd.f32 v10, v13  }
0x109: {  	v13 =	vmul.f32 v14, v25;
	v14 =	vadd.s32 v5, v15;
	v15 =	vsub.f32 $1.994903330e+00, v28  }
0x10a: {  	v17 =	vld.idx.msk [tilespmem:v17+s17+$0x0], $0xffff;
	v28 =	vadd.f32 v20, v11;
	v5 =	vadd.s32 v5, v23;
	v21 =	vmul.f32 v21, v26  }
0x10b: {  	v26 =	vshra.s32 v20, $0x17;
	v25 =	vand.u32 $0x7FFFFF, v10;
	v16 =	vadd.f32 v10, v16  }
0x10c: {  	v14 =	vadd.s32 v29, v14;
	v5 =	vadd.s32 v9, v5;
	v9 =	vshra.s32 v10, $0x17  }
0x10d: {  	v11 =	vadd.f32 $-1.648992420e+00, v13;
	v13 =	vmul.f32 v27, v15;
	v15 =	vsub.f32 $1.994903330e+00, v30  }
0x10e: {  	v23 =	vshra.s32 v28, $0x17;
	v27 =	vadd.s32 v9, v14;
	v5 =	vadd.s32 v26, v5  }
0x10f: {  	v8 =	vld.idx.msk [tilespmem:v8+s17+$0x0], $0xffff;
	v31 =	vor.u32 $0x3F800000, v25;
	v10 =	vadd.f32 v16, v17;
	v17 =	vadd.f32 $-1.648992420e+00, v21  }
0x110: {  	v29 =	vand.u32 $0x7FFFFF, v16;
	v11 =	vadd.f32 v11, v12;
	v13 =	vadd.f32 $-1.648992420e+00, v13  }
0x111: {  	v23 =	vadd.s32 v23, v5;
	v15 =	vmul.f32 v24, v15;
	v24 =	vand.u32 $0x7FFFFF, v20  }
0x112: {  	v20 =	vadd.f32 v17, v12;
	v14 =	vadd.f32 v13, v11;
	v13 =	vshra.s32 v16, $0x17;
	v16 =	vld.idx.msk [tilespmem:v6+s18+$0x0], $0xffff  }
0x113: {  	v12 =	vor.u32 $0x3F800000, v29;
	v24 =	vor.u32 $0x3F800000, v24;
	v17 =	vand.u32 $0x7FFFFF, v28  }
0x114: {  	v11 =	vadd.f32 v10, v8;
	v8 =	vadd.s32 v13, v27;
	v13 =	vmul.f32 $3.368818460e-01, v12  }
0x115: {  	v26 =	vld.idx.msk [tilespmem:v18+s18+$0x0], $0xffff;
	v6 =	vand.u32 $0x7FFFFF, v10;
	v21 =	vadd.f32 $-1.648992420e+00, v15;
	v29 =	vmul.f32 $3.368818460e-01, v24  }
0x116: {  	v18 =	vor.u32 $0x3F800000, v17;
	v9 =	vor.u32 $0x3F800000, v6;
	v13 =	vsub.f32 $1.994903330e+00, v13  }
0x117: {  	v19 =	vld.idx.msk [tilespmem:v19+s18+$0x0], $0xffff;
	v6 =	vshra.s32 v11, $0x17;
	v15 =	vand.u32 $0x7FFFFF, v11;
	v27 =	vadd.f32 v28, v16  }
0x118: {  	v25 =	vmul.f32 $3.368818460e-01, v9;
	v5 =	vmul.f32 v12, v13;
	v16 =	vor.u32 $0x3F800000, v15  }
0x119: {  	v32 =	vld.idx.msk [tilespmem:v22+s18+$0x0], $0xffff;
	v15 =	vmul.f32 $3.368818460e-01, v18;
	v13 =	vmul.f32 $3.368818460e-01, v31;
	v12 =	vand.u32 $0x7FFFFF, v27  }
0x11a: {  	v26 =	vadd.f32 v27, v26;
	v27 =	vshra.s32 v27, $0x17;
	v12 =	vor.u32 $0x3F800000, v12  }
0x11b: {  	v17 =	vadd.f32 $-1.648992420e+00, v5;
	v33 =	vsub.f32 $1.994903330e+00, v13;
	v5 =	vmul.f32 $3.368818460e-01, v12  }
0x11c: {  	v28 =	vsub.f32 $1.994903330e+00, v15;
	v22 =	vand.u32 $0x7FFFFF, v26;
	v30 =	vadd.f32 v26, v19  }
0x11d: {  	v31 =	vmul.f32 v31, v33;
	v13 =	vor.u32 $0x3F800000, v22;
	v15 =	vsub.f32 $1.994903330e+00, v5  }
0x11e: {  	s31 =	simm.s32 $0xFFFFF000;
	v7 =	vld.idx.msk [tilespmem:v7+s17+$0x0], $0xffff;
	v22 =	vmul.f32 $3.368818460e-01, v13;
	v19 =	vand.u32 $0x7FFFFF, v30;
	v5 =	vadd.f32 v30, v32  }
.LBB2_7:
0x11f: {  	v29 =	vsub.f32 $1.994903330e+00, v29;
	s1 =	smov.u32 s31  }
0x120: {  	s0 =	sshra.s32 s31, $0x2;
	v4 =	vld.idx.msk [tilespmem:v4+s17+$0x0], $0xffff;
	v32 =	vmul.f32 $3.368818460e-01, v16;
	v30 =	vshra.s32 v30, $0x17;
	s1 =	sadd.s32 $0xFFFFF000, s31  }
0x121: {  	v31 =	vadd.f32 $-1.648992420e+00, v31;
	v34 =	vshra.s32 v5, $0x17;
	v35 =	vand.u32 $0x7FFFFF, v5;
	v33 =	vld.idx.msk [tilespmem:v3+s0+$0x6190 ss:$0x1], $0xffff  }
0x122: {  	p1 =	sne.s32 s31, $0xFFFF4000;
	v20 =	vadd.f32 v21, v20;
	v21 =	vmul.f32 v24, v29;
	v24 =	vor.u32 $0x3F800000, v35;
	v36 =	vld.idx.msk [tilespmem:v3+s0+$0x6000 ss:$0x1], $0xffff  }
0x123: {  	v26 =	vshra.s32 v26, $0x17;
	v14 =	vadd.f32 v31, v14;
	v31 =	vmul.f32 $3.368818460e-01, v24;
	v29 =	vld.idx.msk [tilespmem:v3+s0+$0x6080 ss:$0x1], $0xffff  }
0x124: {  	v25 =	vsub.f32 $1.994903330e+00, v25;
	v23 =	vadd.s32 v27, v23;
	v21 =	vadd.f32 $-1.648992420e+00, v21;
	v35 =	vld.idx.msk [tilespmem:v3+s0+$0x6290 ss:$0x1], $0xffff  }
0x125: {  	v10 =	vshra.s32 v10, $0x17;
	v32 =	vsub.f32 $1.994903330e+00, v32;
	v11 =	vadd.f32 v11, v7;
	v27 =	vld.idx.msk [tilespmem:v3+s0+$0x6100 ss:$0x1], $0xffff  }
0x126: {  	v18 =	vmul.f32 v18, v28;
	v7 =	vsub.f32 $1.994903330e+00, v31;
	v20 =	vadd.f32 v21, v20;
	v37 =	vld.idx.msk [tilespmem:v3+s0+$0x6210 ss:$0x1], $0xffff  }
0x127: {  	v16 =	vmul.f32 v16, v32;
	v28 =	vand.u32 $0x7FFFFF, v11;
	v31 =	vadd.f32 v11, v4;
	v21 =	vld.idx.msk [tilespmem:v3+s0+$0x6280 ss:$0x1], $0xffff  }
0x128: {  	v9 =	vmul.f32 v9, v25;
	v24 =	vmul.f32 v24, v7;
	v4 =	vadd.s32 v0, v36;
	v32 =	vld.idx.msk [tilespmem:v3+s0+$0x6200 ss:$0x1], $0xffff  }
0x129: {  	v14 =	vadd.f32 v17, v14;
	v17 =	vor.u32 $0x3F800000, v28;
	v7 =	vand.u32 $0x7FFFFF, v31;
	v25 =	vld.idx.msk [tilespmem:v3+s0+$0x6310 ss:$0x1], $0xffff  }
0x12a: {  	v22 =	vsub.f32 $1.994903330e+00, v22;
	v36 =	vmul.f32 $3.368818460e-01, v17;
	v38 =	vor.u32 $0x3F800000, v7;
	v28 =	vld.idx.msk [tilespmem:v3+s0+$0x6180 ss:$0x1], $0xffff  }
0x12b: {  	v8 =	vadd.s32 v10, v8;
	v18 =	vadd.f32 $-1.648992420e+00, v18;
	v7 =	vadd.s32 v0, v29;
	v29 =	vld.idx.msk [tilespmem:v3+s0+$0x6390 ss:$0x1], $0xffff  }
0x12c: {  	v19 =	vor.u32 $0x3F800000, v19;
	v35 =	vadd.s32 v0, v35;
	v36 =	vsub.f32 $1.994903330e+00, v36;
	v10 =	vld.idx.msk [tilespmem:v3+s0+$0x6300 ss:$0x1], $0xffff  }
0x12d: {  	v12 =	vmul.f32 v12, v15;
	v6 =	vadd.s32 v6, v8;
	v21 =	vadd.s32 v0, v21;
	v39 =	vld.idx.msk [tilespmem:v3+s0+$0x6380 ss:$0x1], $0xffff  }
0x12e: {  	v13 =	vmul.f32 v13, v22;
	v8 =	vadd.f32 $-1.648992420e+00, v16;
	v15 =	vmul.f32 $3.368818460e-01, v38  }
0x12f: {  	v12 =	vadd.f32 $-1.648992420e+00, v12;
	v9 =	vadd.f32 $-1.648992420e+00, v9;
	v16 =	vadd.s32 v0, v25  }
0x130: {  	v18 =	vadd.f32 v18, v20;
	v22 =	vadd.s32 v0, v27;
	v25 =	vadd.s32 v0, v28  }
0x131: {  	v13 =	vadd.f32 $-1.648992420e+00, v13;
	v28 =	vmul.f32 $3.368818460e-01, v19;
	v20 =	vadd.s32 v0, v29;
	v27 =	vld.idx.msk [tilespmem:v35+s18+$0x0], $0xffff  }
0x132: {  	v15 =	vsub.f32 $1.994903330e+00, v15;
	v29 =	vadd.s32 v0, v33;
	v10 =	vadd.s32 v0, v10  }
0x133: {  	v12 =	vadd.f32 v12, v18;
	v18 =	vsub.f32 $1.994903330e+00, v28;
	v33 =	vadd.s32 v0, v39;
	v35 =	vld.idx.msk [tilespmem:v3+s0+$0x6110 ss:$0x1], $0xffff  }
0x134: {  	v23 =	vadd.s32 v26, v23;
	v37 =	vadd.s32 v0, v37;
	v17 =	vmul.f32 v17, v36;
	v28 =	vld.idx.msk [tilespmem:v3+s0+$0x6090 ss:$0x1], $0xffff  }
0x135: {  	v9 =	vadd.f32 v9, v14;
	v14 =	vadd.s32 v30, v23;
	v23 =	vadd.f32 $-1.648992420e+00, v24;
	v26 =	vld.idx.msk [tilespmem:v3+s0+$0x6010 ss:$0x1], $0xffff  }
0x136: {  	v14 =	vadd.s32 v34, v14;
	v12 =	vadd.f32 v13, v12;
	v13 =	vmul.f32 v38, v15;
	v20 =	vld.idx.msk [tilespmem:v20+s18+$0x0], $0xffff  }
0x137: {  	v11 =	vshra.s32 v11, $0x17;
	v15 =	vld.idx.msk [tilespmem:v16+s18+$0x0], $0xffff;
	v16 =	vadd.f32 $-1.648992420e+00, v17;
	v17 =	vshra.s32 v31, $0x17  }
0x138: {  	v6 =	vadd.s32 v11, v6;
	v13 =	vadd.f32 $-1.648992420e+00, v13;
	v11 =	vmul.f32 v19, v18;
	v24 =	vld.idx.msk [tilespmem:v33+s17+$0x0], $0xffff  }
0x139: {  	v8 =	vadd.f32 v8, v9;
	v18 =	vadd.s32 v0, v35;
	v6 =	vadd.s32 v17, v6;
	v10 =	vld.idx.msk [tilespmem:v10+s17+$0x0], $0xffff  }
0x13a: {  	v9 =	vadd.s32 v0, v32;
	v11 =	vadd.f32 $-1.648992420e+00, v11;
	v17 =	vadd.s32 v0, v28;
	v19 =	vld.idx.msk [tilespmem:v21+s17+$0x0], $0xffff  }
0x13b: {  	v8 =	vadd.f32 v16, v8;
	v26 =	vadd.s32 v0, v26  }
0x13c: {  	v11 =	vadd.f32 v11, v12;
	v5 =	vadd.f32 v20, v5  }
0x13d: {  	v8 =	vadd.f32 v13, v8  }
0x13e: {  	v20 =	vadd.f32 v23, v11;
	v13 =	vadd.f32 v24, v31;
	v16 =	vand.u32 $0x7FFFFF, v5;
	v12 =	vld.idx.msk [tilespmem:v37+s18+$0x0], $0xffff  }
0x13f: {  	v11 =	vshra.s32 v5, $0x17;
	v5 =	vadd.f32 v5, v15;
	v16 =	vor.u32 $0x3F800000, v16;
	v9 =	vld.idx.msk [tilespmem:v9+s17+$0x0], $0xffff  }
0x140: {  	v21 =	vshra.s32 v13, $0x17;
	v23 =	vand.u32 $0x7FFFFF, v13;
	v10 =	vadd.f32 v13, v10;
	v15 =	vld.idx.msk [tilespmem:v25+s17+$0x0], $0xffff  }
0x141: {  	v24 =	vadd.f32 v5, v27;
	v13 =	vld.idx.msk [tilespmem:v22+s17+$0x0], $0xffff;
	v22 =	vor.u32 $0x3F800000, v23;
	v23 =	vand.u32 $0x7FFFFF, v5  }
0x142: {  	v27 =	vmul.f32 $3.368818460e-01, v16;
	v28 =	vand.u32 $0x7FFFFF, v10;
	v25 =	vmul.f32 $3.368818460e-01, v22  }
0x143: {  	v5 =	vshra.s32 v5, $0x17;
	v28 =	vor.u32 $0x3F800000, v28;
	v23 =	vor.u32 $0x3F800000, v23  }
0x144: {  	v27 =	vsub.f32 $1.994903330e+00, v27;
	v30 =	vmul.f32 $3.368818460e-01, v28;
	v25 =	vsub.f32 $1.994903330e+00, v25  }
0x145: {  	v31 =	vshra.s32 v10, $0x17;
	v10 =	vadd.f32 v10, v19;
	v32 =	vmul.f32 $3.368818460e-01, v23  }
0x146: {  	v6 =	vadd.s32 v6, v21;
	v21 =	vsub.f32 $1.994903330e+00, v30;
	v19 =	vmul.f32 v22, v25  }
0x147: {  	v12 =	vadd.f32 v24, v12;
	v9 =	vadd.f32 v10, v9;
	v22 =	vand.u32 $0x7FFFFF, v10  }
0x148: {  	v6 =	vadd.s32 v31, v6;
	v21 =	vmul.f32 v28, v21;
	v19 =	vadd.f32 $-1.648992420e+00, v19  }
0x149: {  	v11 =	vadd.s32 v14, v11;
	v25 =	vsub.f32 $1.994903330e+00, v32;
	v28 =	vshra.s32 v12, $0x17  }
0x14a: {  	v14 =	vmul.f32 v16, v27;
	v16 =	vshra.s32 v24, $0x17;
	v8 =	vadd.f32 v19, v8  }
0x14b: {  	v5 =	vadd.s32 v5, v11;
	v10 =	vshra.s32 v10, $0x17;
	v19 =	vadd.f32 $-1.648992420e+00, v21  }
0x14c: {  	v6 =	vadd.s32 v10, v6;
	v10 =	vadd.f32 v9, v15;
	v21 =	vand.u32 $0x7FFFFF, v9  }
0x14d: {  	v27 =	vadd.f32 $-1.648992420e+00, v14;
	v14 =	vadd.f32 v19, v8;
	v8 =	vshra.s32 v9, $0x17;
	v15 =	vld.idx.msk [tilespmem:v29+s18+$0x0], $0xffff  }
0x14e: {  	v5 =	vadd.s32 v16, v5;
	v11 =	vadd.f32 v10, v13;
	v9 =	vand.u32 $0x7FFFFF, v10  }
0x14f: {  	v16 =	vmul.f32 v23, v25;
	v9 =	vor.u32 $0x3F800000, v9;
	v13 =	vld.idx.msk [tilespmem:v18+s18+$0x0], $0xffff;
	v18 =	vand.u32 $0x7FFFFF, v24  }
0x150: {  	v20 =	vadd.f32 v27, v20;
	v19 =	vor.u32 $0x3F800000, v21;
	v8 =	vadd.s32 v8, v6  }
0x151: {  	v21 =	vadd.f32 $-1.648992420e+00, v16;
	v16 =	vmul.f32 $3.368818460e-01, v19;
	v6 =	vshra.s32 v11, $0x17  }
0x152: {  	v31 =	vor.u32 $0x3F800000, v22;
	v22 =	vand.u32 $0x7FFFFF, v11;
	v24 =	vor.u32 $0x3F800000, v18  }
0x153: {  	v16 =	vsub.f32 $1.994903330e+00, v16;
	v30 =	vld.idx.msk [tilespmem:v17+s18+$0x0], $0xffff;
	v17 =	vand.u32 $0x7FFFFF, v12;
	v12 =	vadd.f32 v12, v15  }
0x154: {  	v23 =	vadd.s32 v28, v5;
	v29 =	vmul.f32 $3.368818460e-01, v24;
	v18 =	vor.u32 $0x3F800000, v17  }
0x155: {  	v15 =	vmul.f32 v19, v16;
	v16 =	vor.u32 $0x3F800000, v22;
	v5 =	vld.idx.msk [tilespmem:v26+s18+$0x0], $0xffff;
	v26 =	vadd.f32 v12, v13  }
0x156: {  	v25 =	vmul.f32 $3.368818460e-01, v9;
	v19 =	vmul.f32 $3.368818460e-01, v18;
	v13 =	vand.u32 $0x7FFFFF, v12  }
.Ltmp2:
0x157: {  	v22 =	vmul.f32 $3.368818460e-01, v31;
	v27 =	vshra.s32 v12, $0x17;
	v12 =	vor.u32 $0x3F800000, v13;
	(pc) =	sbr.rel @p1 .LBB2_7-.Ltmp2, $4  }
0x158: {  	v17 =	vadd.f32 $-1.648992420e+00, v15;
	v15 =	vmul.f32 $3.368818460e-01, v12;
	v13 =	vand.u32 $0x7FFFFF, v26  }
0x159: {  	v32 =	vsub.f32 $1.994903330e+00, v22;
	v13 =	vor.u32 $0x3F800000, v13;
	v30 =	vadd.f32 v26, v30  }
0x15a: {  	v28 =	vsub.f32 $1.994903330e+00, v19;
	v15 =	vsub.f32 $1.994903330e+00, v15;
	v22 =	vmul.f32 $3.368818460e-01, v13  }
0x15b: {  	s31 =	smov.u32 s1;
	v31 =	vmul.f32 v31, v32;
	v19 =	vand.u32 $0x7FFFFF, v30;
	v5 =	vadd.f32 v30, v5;
	v7 =	vld.idx.msk [tilespmem:v7+s17+$0x0], $0xffff  }
0x15c: {  	v29 =	vsub.f32 $1.994903330e+00, v29  }
0x15d: {  	v32 =	vmul.f32 $3.368818460e-01, v16;
	v20 =	vadd.f32 v21, v20;
	v26 =	vshra.s32 v26, $0x17  }
0x15e: {  	v25 =	vsub.f32 $1.994903330e+00, v25;
	v23 =	vadd.s32 v27, v23;
	v18 =	vmul.f32 v18, v28  }
0x15f: {  	v12 =	vmul.f32 v12, v15;
	v31 =	vadd.f32 $-1.648992420e+00, v31;
	v33 =	vand.u32 $0x7FFFFF, v5  }
0x160: {  	v24 =	vmul.f32 v24, v29;
	v29 =	vor.u32 $0x3F800000, v33;
	v18 =	vadd.f32 $-1.648992420e+00, v18  }
0x161: {  	v4 =	vld.idx.msk [tilespmem:v4+s17+$0x0], $0xffff;
	s0 =	simm.s32 @!p0 $0x4;
	v9 =	vmul.f32 v9, v25;
	v12 =	vadd.f32 $-1.648992420e+00, v12;
	v14 =	vadd.f32 v31, v14  }
0x162: {  	_ =	swait.ge @!p0 [sflag:s0], $0x3000;
	v21 =	vmul.f32 $3.368818460e-01, v29;
	v24 =	vadd.f32 $-1.648992420e+00, v24;
	v7 =	vadd.f32 v11, v7  }
0x163: {  	v10 =	vshra.s32 v10, $0x17;
	[sflag:s0] =	ssyncset.done @!p0 $0x0;
	v11 =	vsub.f32 $1.994903330e+00, v32;
	v9 =	vadd.f32 $-1.648992420e+00, v9  }
0x164: {  	s1 =	simm.s32 $0x2C00;
	v19 =	vor.u32 $0x3F800000, v19;
	[sflag:s0] =	ssyncadd.s32 @!p0 $0xFFFFD000;
	v21 =	vsub.f32 $1.994903330e+00, v21;
	v14 =	vadd.f32 v17, v14  }
0x165: {  	v8 =	vadd.s32 v10, v8;
	v15 =	vld.idx.msk [tilespmem:v3+s1+$0x390 ss:$0x1], $0xffff;
	v17 =	vsub.f32 $1.994903330e+00, v22;
	v20 =	vadd.f32 v24, v20  }
0x166: {  	v31 =	vld.idx.msk [tilespmem:v3+s1+$0x210 ss:$0x1], $0xffff;
	v24 =	vand.u32 $0x7FFFFF, v7;
	v27 =	vadd.f32 v7, v4;
	v4 =	vmul.f32 v16, v11  }
0x167: {  	v61 =	vld.idx.msk [tilespmem:v3+s1+$0x380 ss:$0x1], $0xffff;
	v11 =	vor.u32 $0x3F800000, v24;
	v21 =	vmul.f32 v29, v21;
	v13 =	vmul.f32 v13, v17  }
0x168: {  	v16 =	vld.idx.msk [tilespmem:v3+s1+$0x0 ss:$0x1], $0xffff;
	v9 =	vadd.f32 v9, v14;
	v24 =	vand.u32 $0x7FFFFF, v27;
	v25 =	vmul.f32 $3.368818460e-01, v11  }
0x169: {  	v29 =	vld.idx.msk [tilespmem:v3+s1+$0x80 ss:$0x1], $0xffff;
	v18 =	vadd.f32 v18, v20;
	v20 =	vmul.f32 $3.368818460e-01, v19;
	v22 =	vor.u32 $0x3F800000, v24  }
0x16a: {  	v24 =	vld.idx.msk [tilespmem:v3+s1+$0x290 ss:$0x1], $0xffff;
	v14 =	vadd.s32 v0, v15;
	v10 =	vsub.f32 $1.994903330e+00, v25;
	v17 =	vmul.f32 $3.368818460e-01, v22  }
0x16b: {  	v12 =	vadd.f32 v12, v18;
	v18 =	vsub.f32 $1.994903330e+00, v20;
	v20 =	vadd.s32 v26, v23;
	v23 =	vld.idx.msk [tilespmem:v3+s1+$0x300 ss:$0x1], $0xffff  }
0x16c: {  	v6 =	vadd.s32 v6, v8;
	v8 =	vadd.f32 $-1.648992420e+00, v13;
	v13 =	vsub.f32 $1.994903330e+00, v17;
	v17 =	vld.idx.msk [tilespmem:v3+s1+$0x310 ss:$0x1], $0xffff  }
0x16d: {  	v30 =	vshra.s32 v30, $0x17;
	v7 =	vshra.s32 v7, $0x17;
	v10 =	vmul.f32 v11, v10;
	v11 =	vld.idx.msk [tilespmem:v3+s1+$0x280 ss:$0x1], $0xffff  }
0x16e: {  	v4 =	vadd.f32 $-1.648992420e+00, v4;
	v8 =	vadd.f32 v8, v12;
	v12 =	vld.idx.msk [tilespmem:v3+s1+$0x200 ss:$0x1], $0xffff;
	v18 =	vmul.f32 v19, v18  }
0x16f: {  	v15 =	vadd.s32 v30, v20;
	v20 =	vadd.f32 $-1.648992420e+00, v21;
	v21 =	vadd.s32 v0, v61;
	v19 =	vld.idx.msk [tilespmem:v3+s1+$0x180 ss:$0x1], $0xffff  }
0x170: {  	v34 =	vshra.s32 v5, $0x17;
	v6 =	vadd.s32 v7, v6;
	v18 =	vadd.f32 $-1.648992420e+00, v18;
	v14 =	vld.idx.msk [tilespmem:v14+s18+$0x0], $0xffff  }
0x171: {  	v4 =	vadd.f32 v4, v9;
	v13 =	vmul.f32 v22, v13;
	v22 =	vadd.s32 v0, v23;
	v23 =	vld.idx.msk [tilespmem:v3+s1+$0x90 ss:$0x1], $0xffff  }
0x172: {  	v10 =	vadd.f32 $-1.648992420e+00, v10;
	v7 =	vadd.f32 v18, v8;
	v8 =	vld.idx.msk [tilespmem:v3+s1+$0x10 ss:$0x1], $0xffff;
	v9 =	vadd.s32 v0, v17  }
0x173: {  	v15 =	vadd.s32 v34, v15;
	v17 =	vld.idx.msk [tilespmem:v3+s1+$0x110 ss:$0x1], $0xffff  }
0x174: {  	v4 =	vadd.f32 v10, v4;
	v10 =	vadd.s32 v0, v24;
	v24 =	vshra.s32 v27, $0x17;
	v18 =	vld.idx.msk [tilespmem:v21+s17+$0x0], $0xffff  }
0x175: {  	v25 =	vld.idx.msk [tilespmem:v3+s1+$0x100 ss:$0x1], $0xffff;
	v13 =	vadd.f32 $-1.648992420e+00, v13;
	v21 =	vadd.s32 v0, v29;
	v6 =	vadd.s32 v24, v6  }
0x176: {  	v28 =	vld.idx.msk [tilespmem:v3+s1+$0x190 ss:$0x1], $0xffff;
	v11 =	vadd.s32 v0, v11;
	v19 =	vadd.s32 v0, v19;
	v24 =	vadd.s32 v0, v31  }
0x177: {  	v12 =	vadd.s32 v0, v12;
	v13 =	vadd.f32 v13, v4;
	v5 =	vadd.f32 v14, v5;
	v9 =	vld.idx.msk [tilespmem:v9+s18+$0x0], $0xffff  }
0x178: {  	v7 =	vadd.f32 v20, v7;
	v20 =	vld.idx.msk [tilespmem:v22+s17+$0x0], $0xffff;
	v14 =	vadd.s32 v0, v17;
	v17 =	vadd.s32 v0, v23  }
0x179: {  	v23 =	vadd.s32 v0, v8;
	v8 =	vadd.f32 v18, v27;
	v18 =	vand.u32 $0x7FFFFF, v5  }
0x17a: {  	v4 =	vadd.s32 v0, v16;
	v16 =	vadd.s32 v0, v25;
	v10 =	vld.idx.msk [tilespmem:v10+s18+$0x0], $0xffff;
	v18 =	vor.u32 $0x3F800000, v18  }
0x17b: {  	v22 =	vadd.s32 v0, v28;
	v25 =	vshra.s32 v5, $0x17;
	v28 =	vmul.f32 $3.368818460e-01, v18  }
0x17c: {  	v15 =	vadd.s32 v15, v25;
	v26 =	vand.u32 $0x7FFFFF, v8;
	v5 =	vadd.f32 v5, v9  }
0x17d: {  	v28 =	vsub.f32 $1.994903330e+00, v28;
	v9 =	vld.idx.msk [tilespmem:v11+s17+$0x0], $0xffff;
	v11 =	vshra.s32 v8, $0x17;
	v8 =	vadd.f32 v8, v20  }
0x17e: {  	v20 =	vld.idx.msk [tilespmem:v24+s18+$0x0], $0xffff;
	v24 =	vor.u32 $0x3F800000, v26;
	v6 =	vadd.s32 v6, v11;
	v26 =	vand.u32 $0x7FFFFF, v5  }
0x17f: {  	v27 =	vadd.f32 v5, v10;
	v10 =	vld.idx.msk [tilespmem:v12+s17+$0x0], $0xffff;
	v12 =	vmul.f32 $3.368818460e-01, v24;
	v29 =	vand.u32 $0x7FFFFF, v8  }
0x180: {  	v5 =	vshra.s32 v5, $0x17;
	v31 =	vshra.s32 v8, $0x17;
	v29 =	vor.u32 $0x3F800000, v29  }
0x181: {  	v26 =	vor.u32 $0x3F800000, v26;
	v12 =	vsub.f32 $1.994903330e+00, v12;
	v30 =	vmul.f32 $3.368818460e-01, v29  }
0x182: {  	v6 =	vadd.s32 v31, v6;
	v5 =	vadd.s32 v5, v15;
	v62 =	vmul.f32 $3.368818460e-01, v26  }
0x183: {  	v22 =	vld.idx.msk [tilespmem:v22+s18+$0x0], $0xffff;
	v8 =	vadd.f32 v8, v9;
	v9 =	vmul.f32 v24, v12;
	v11 =	vsub.f32 $1.994903330e+00, v30  }
0x184: {  	v30 =	vadd.f32 v27, v20;
	v20 =	vsub.f32 $1.994903330e+00, v62;
	v24 =	vand.u32 $0x7FFFFF, v27  }
0x185: {  	v12 =	vld.idx.msk [tilespmem:v19+s17+$0x0], $0xffff;
	v19 =	vand.u32 $0x7FFFFF, v8;
	v10 =	vadd.f32 v8, v10;
	v8 =	vshra.s32 v8, $0x17  }
0x186: {  	v24 =	vor.u32 $0x3F800000, v24;
	v9 =	vadd.f32 $-1.648992420e+00, v9;
	v11 =	vmul.f32 v29, v11  }
0x187: {  	v14 =	vld.idx.msk [tilespmem:v14+s18+$0x0], $0xffff;
	v25 =	vshra.s32 v30, $0x17;
	v6 =	vadd.s32 v8, v6;
	v31 =	vor.u32 $0x3F800000, v19  }
0x188: {  	v16 =	vld.idx.msk [tilespmem:v16+s17+$0x0], $0xffff;
	v19 =	vadd.f32 v30, v22;
	v29 =	vmul.f32 $3.368818460e-01, v24;
	v15 =	vand.u32 $0x7FFFFF, v10  }
0x189: {  	v9 =	vadd.f32 v9, v13;
	v13 =	vmul.f32 v18, v28;
	v18 =	vshra.s32 v27, $0x17  }
0x18a: {  	v11 =	vadd.f32 $-1.648992420e+00, v11;
	v27 =	vshra.s32 v19, $0x17;
	v8 =	vadd.f32 v10, v12  }
0x18b: {  	v5 =	vadd.s32 v18, v5;
	v18 =	vmul.f32 v26, v20;
	v13 =	vadd.f32 $-1.648992420e+00, v13  }
0x18c: {  	v26 =	vadd.f32 v19, v14;
	v12 =	vadd.f32 v11, v9;
	v11 =	vshra.s32 v10, $0x17  }
0x18d: {  	v10 =	vadd.f32 v8, v16;
	v16 =	vadd.f32 v13, v7;
	v13 =	vor.u32 $0x3F800000, v15  }
0x18e: {  	v28 =	vld.idx.msk [tilespmem:v17+s18+$0x0], $0xffff;
	v14 =	vmul.f32 $3.368818460e-01, v31;
	v7 =	vadd.s32 v11, v6;
	v11 =	vmul.f32 $3.368818460e-01, v13  }
0x18f: {  	v22 =	vadd.s32 v25, v5;
	v9 =	vand.u32 $0x7FFFFF, v8;
	v20 =	vadd.f32 $-1.648992420e+00, v18  }
0x190: {  	v18 =	vand.u32 $0x7FFFFF, v30;
	v63 =	vsub.f32 $1.994903330e+00, v14;
	v11 =	vsub.f32 $1.994903330e+00, v11  }
0x191: {  	v9 =	vor.u32 $0x3F800000, v9;
	v17 =	vor.u32 $0x3F800000, v18;
	v6 =	vshra.s32 v10, $0x17  }
0x192: {  	v15 =	vand.u32 $0x7FFFFF, v10;
	v25 =	vmul.f32 $3.368818460e-01, v9;
	v5 =	vmul.f32 v13, v11;
	v11 =	vld.idx.msk [tilespmem:v23+s18+$0x0], $0xffff  }
0x193: {  	v30 =	vadd.f32 v26, v28;
	v18 =	vor.u32 $0x3F800000, v15;
	v13 =	vand.u32 $0x7FFFFF, v19  }
0x194: {  	v15 =	vmul.f32 $3.368818460e-01, v17;
	v23 =	vand.u32 $0x7FFFFF, v26;
	v13 =	vor.u32 $0x3F800000, v13  }
0x195: {  	v14 =	vor.u32 $0x3F800000, v23;
	v19 =	vadd.f32 $-1.648992420e+00, v5;
	v5 =	vmul.f32 $3.368818460e-01, v13  }
0x196: {  	v31 =	vmul.f32 v31, v63;
	v28 =	vsub.f32 $1.994903330e+00, v15;
	v23 =	vmul.f32 $3.368818460e-01, v14  }
0x197: {  	s31 =	simm.s32 $0xA000;
	v15 =	vsub.f32 $1.994903330e+00, v5;
	v5 =	vld.idx.msk [tilespmem:v21+s17+$0x0], $0xffff;
	v21 =	vand.u32 $0x7FFFFF, v30;
	v11 =	vadd.f32 v30, v11  }
.LBB2_9:
0x198: {  	s0 =	sshra.s32 s31, $0x2;
	p0 =	sne.s32 s31, $0x0;
	s31 =	sadd.s32 $0xFFFFF000, s31  }
0x199: {  	v4 =	vld.idx.msk [tilespmem:v4+s17+$0x0], $0xffff;
	v29 =	vsub.f32 $1.994903330e+00, v29;
	v32 =	vmul.f32 $3.368818460e-01, v18;
	v30 =	vshra.s32 v30, $0x17  }
0x19a: {  	v33 =	vld.idx.msk [tilespmem:v3+s0+$0x190 ss:$0x1], $0xffff;
	v31 =	vadd.f32 $-1.648992420e+00, v31;
	v34 =	vshra.s32 v11, $0x17;
	v35 =	vand.u32 $0x7FFFFF, v11  }
0x19b: {  	v16 =	vadd.f32 v20, v16;
	v36 =	vld.idx.msk [tilespmem:v3+s0+$0x0 ss:$0x1], $0xffff;
	v20 =	vmul.f32 v24, v29;
	v24 =	vor.u32 $0x3F800000, v35  }
0x19c: {  	v26 =	vshra.s32 v26, $0x17;
	v29 =	vld.idx.msk [tilespmem:v3+s0+$0x80 ss:$0x1], $0xffff;
	v12 =	vadd.f32 v31, v12;
	v31 =	vmul.f32 $3.368818460e-01, v24  }
0x19d: {  	v25 =	vsub.f32 $1.994903330e+00, v25;
	v22 =	vadd.s32 v27, v22;
	v35 =	vld.idx.msk [tilespmem:v3+s0+$0x290 ss:$0x1], $0xffff;
	v20 =	vadd.f32 $-1.648992420e+00, v20  }
0x19e: {  	v8 =	vshra.s32 v8, $0x17;
	v32 =	vsub.f32 $1.994903330e+00, v32;
	v10 =	vadd.f32 v10, v5;
	v27 =	vld.idx.msk [tilespmem:v3+s0+$0x100 ss:$0x1], $0xffff  }
0x19f: {  	v17 =	vmul.f32 v17, v28;
	v5 =	vsub.f32 $1.994903330e+00, v31;
	v37 =	vld.idx.msk [tilespmem:v3+s0+$0x210 ss:$0x1], $0xffff;
	v16 =	vadd.f32 v20, v16  }
0x1a0: {  	v18 =	vmul.f32 v18, v32;
	v28 =	vand.u32 $0x7FFFFF, v10;
	v31 =	vadd.f32 v10, v4;
	v20 =	vld.idx.msk [tilespmem:v3+s0+$0x280 ss:$0x1], $0xffff  }
0x1a1: {  	v9 =	vmul.f32 v9, v25;
	v4 =	vadd.s32 v0, v36;
	v24 =	vmul.f32 v24, v5;
	v32 =	vld.idx.msk [tilespmem:v3+s0+$0x200 ss:$0x1], $0xffff  }
0x1a2: {  	v12 =	vadd.f32 v19, v12;
	v19 =	vor.u32 $0x3F800000, v28;
	v5 =	vand.u32 $0x7FFFFF, v31;
	v25 =	vld.idx.msk [tilespmem:v3+s0+$0x310 ss:$0x1], $0xffff  }
0x1a3: {  	v23 =	vsub.f32 $1.994903330e+00, v23;
	v36 =	vmul.f32 $3.368818460e-01, v19;
	v38 =	vor.u32 $0x3F800000, v5;
	v28 =	vld.idx.msk [tilespmem:v3+s0+$0x180 ss:$0x1], $0xffff  }
0x1a4: {  	v7 =	vadd.s32 v8, v7;
	v17 =	vadd.f32 $-1.648992420e+00, v17;
	v5 =	vadd.s32 v0, v29;
	v29 =	vld.idx.msk [tilespmem:v3+s0+$0x390 ss:$0x1], $0xffff  }
0x1a5: {  	v21 =	vor.u32 $0x3F800000, v21;
	v35 =	vadd.s32 v0, v35;
	v36 =	vsub.f32 $1.994903330e+00, v36;
	v8 =	vld.idx.msk [tilespmem:v3+s0+$0x300 ss:$0x1], $0xffff  }
0x1a6: {  	v13 =	vmul.f32 v13, v15;
	v6 =	vadd.s32 v6, v7;
	v20 =	vadd.s32 v0, v20;
	v39 =	vld.idx.msk [tilespmem:v3+s0+$0x380 ss:$0x1], $0xffff  }
0x1a7: {  	v14 =	vmul.f32 v14, v23;
	v7 =	vadd.f32 $-1.648992420e+00, v18;
	v15 =	vmul.f32 $3.368818460e-01, v38  }
0x1a8: {  	v13 =	vadd.f32 $-1.648992420e+00, v13;
	v9 =	vadd.f32 $-1.648992420e+00, v9;
	v18 =	vadd.s32 v0, v25  }
0x1a9: {  	v16 =	vadd.f32 v17, v16;
	v23 =	vadd.s32 v0, v27;
	v25 =	vadd.s32 v0, v28  }
0x1aa: {  	v14 =	vadd.f32 $-1.648992420e+00, v14;
	v28 =	vmul.f32 $3.368818460e-01, v21;
	v17 =	vadd.s32 v0, v29;
	v27 =	vld.idx.msk [tilespmem:v35+s18+$0x0], $0xffff  }
0x1ab: {  	v15 =	vsub.f32 $1.994903330e+00, v15;
	v29 =	vadd.s32 v0, v33;
	v8 =	vadd.s32 v0, v8  }
0x1ac: {  	v13 =	vadd.f32 v13, v16;
	v16 =	vsub.f32 $1.994903330e+00, v28;
	v33 =	vadd.s32 v0, v39;
	v35 =	vld.idx.msk [tilespmem:v3+s0+$0x110 ss:$0x1], $0xffff  }
0x1ad: {  	v22 =	vadd.s32 v26, v22;
	v37 =	vadd.s32 v0, v37;
	v19 =	vmul.f32 v19, v36;
	v28 =	vld.idx.msk [tilespmem:v3+s0+$0x90 ss:$0x1], $0xffff  }
0x1ae: {  	v9 =	vadd.f32 v9, v12;
	v12 =	vadd.s32 v30, v22;
	v22 =	vadd.f32 $-1.648992420e+00, v24;
	v26 =	vld.idx.msk [tilespmem:v3+s0+$0x10 ss:$0x1], $0xffff  }
0x1af: {  	v12 =	vadd.s32 v34, v12;
	v13 =	vadd.f32 v14, v13;
	v14 =	vmul.f32 v38, v15;
	v17 =	vld.idx.msk [tilespmem:v17+s18+$0x0], $0xffff  }
0x1b0: {  	v10 =	vshra.s32 v10, $0x17;
	v15 =	vld.idx.msk [tilespmem:v18+s18+$0x0], $0xffff;
	v18 =	vadd.f32 $-1.648992420e+00, v19;
	v19 =	vshra.s32 v31, $0x17  }
0x1b1: {  	v6 =	vadd.s32 v10, v6;
	v14 =	vadd.f32 $-1.648992420e+00, v14;
	v10 =	vmul.f32 v21, v16;
	v24 =	vld.idx.msk [tilespmem:v33+s17+$0x0], $0xffff  }
0x1b2: {  	v7 =	vadd.f32 v7, v9;
	v16 =	vadd.s32 v0, v35;
	v6 =	vadd.s32 v19, v6;
	v8 =	vld.idx.msk [tilespmem:v8+s17+$0x0], $0xffff  }
0x1b3: {  	v9 =	vadd.s32 v0, v32;
	v10 =	vadd.f32 $-1.648992420e+00, v10;
	v19 =	vadd.s32 v0, v28;
	v20 =	vld.idx.msk [tilespmem:v20+s17+$0x0], $0xffff  }
0x1b4: {  	v7 =	vadd.f32 v18, v7;
	v21 =	vadd.s32 v0, v26  }
0x1b5: {  	v10 =	vadd.f32 v10, v13;
	v11 =	vadd.f32 v17, v11  }
0x1b6: {  	v7 =	vadd.f32 v14, v7  }
0x1b7: {  	v18 =	vadd.f32 v22, v10;
	v14 =	vadd.f32 v24, v31;
	v17 =	vand.u32 $0x7FFFFF, v11;
	v13 =	vld.idx.msk [tilespmem:v37+s18+$0x0], $0xffff  }
0x1b8: {  	v10 =	vshra.s32 v11, $0x17;
	v11 =	vadd.f32 v11, v15;
	v17 =	vor.u32 $0x3F800000, v17;
	v9 =	vld.idx.msk [tilespmem:v9+s17+$0x0], $0xffff  }
0x1b9: {  	v22 =	vshra.s32 v14, $0x17;
	v24 =	vand.u32 $0x7FFFFF, v14;
	v8 =	vadd.f32 v14, v8;
	v15 =	vld.idx.msk [tilespmem:v25+s17+$0x0], $0xffff  }
0x1ba: {  	v25 =	vadd.f32 v11, v27;
	v14 =	vld.idx.msk [tilespmem:v23+s17+$0x0], $0xffff;
	v23 =	vor.u32 $0x3F800000, v24;
	v24 =	vand.u32 $0x7FFFFF, v11  }
0x1bb: {  	v27 =	vmul.f32 $3.368818460e-01, v17;
	v28 =	vand.u32 $0x7FFFFF, v8;
	v26 =	vmul.f32 $3.368818460e-01, v23  }
0x1bc: {  	v11 =	vshra.s32 v11, $0x17;
	v28 =	vor.u32 $0x3F800000, v28;
	v24 =	vor.u32 $0x3F800000, v24  }
0x1bd: {  	v27 =	vsub.f32 $1.994903330e+00, v27;
	v30 =	vmul.f32 $3.368818460e-01, v28;
	v26 =	vsub.f32 $1.994903330e+00, v26  }
0x1be: {  	v31 =	vshra.s32 v8, $0x17;
	v8 =	vadd.f32 v8, v20;
	v32 =	vmul.f32 $3.368818460e-01, v24  }
0x1bf: {  	v6 =	vadd.s32 v6, v22;
	v22 =	vsub.f32 $1.994903330e+00, v30;
	v20 =	vmul.f32 v23, v26  }
0x1c0: {  	v13 =	vadd.f32 v25, v13;
	v9 =	vadd.f32 v8, v9;
	v23 =	vand.u32 $0x7FFFFF, v8  }
0x1c1: {  	v6 =	vadd.s32 v31, v6;
	v22 =	vmul.f32 v28, v22;
	v20 =	vadd.f32 $-1.648992420e+00, v20  }
0x1c2: {  	v10 =	vadd.s32 v12, v10;
	v26 =	vsub.f32 $1.994903330e+00, v32;
	v28 =	vshra.s32 v13, $0x17  }
0x1c3: {  	v12 =	vmul.f32 v17, v27;
	v17 =	vshra.s32 v25, $0x17;
	v7 =	vadd.f32 v20, v7  }
0x1c4: {  	v10 =	vadd.s32 v11, v10;
	v8 =	vshra.s32 v8, $0x17;
	v20 =	vadd.f32 $-1.648992420e+00, v22  }
0x1c5: {  	v11 =	vand.u32 $0x7FFFFF, v9;
	v6 =	vadd.s32 v8, v6;
	v8 =	vadd.f32 v9, v15  }
0x1c6: {  	v22 =	vadd.f32 $-1.648992420e+00, v12;
	v12 =	vadd.f32 v20, v7;
	v7 =	vshra.s32 v9, $0x17;
	v15 =	vld.idx.msk [tilespmem:v29+s18+$0x0], $0xffff  }
0x1c7: {  	v27 =	vadd.s32 v17, v10;
	v10 =	vadd.f32 v8, v14;
	v9 =	vand.u32 $0x7FFFFF, v8  }
0x1c8: {  	v17 =	vmul.f32 v24, v26;
	v24 =	vand.u32 $0x7FFFFF, v25;
	v9 =	vor.u32 $0x3F800000, v9;
	v14 =	vld.idx.msk [tilespmem:v16+s18+$0x0], $0xffff  }
0x1c9: {  	v11 =	vor.u32 $0x3F800000, v11;
	v7 =	vadd.s32 v7, v6;
	v16 =	vadd.f32 v22, v18  }
0x1ca: {  	v20 =	vadd.f32 $-1.648992420e+00, v17;
	v17 =	vmul.f32 $3.368818460e-01, v11;
	v6 =	vshra.s32 v10, $0x17  }
0x1cb: {  	v31 =	vor.u32 $0x3F800000, v23;
	v24 =	vor.u32 $0x3F800000, v24;
	v18 =	vand.u32 $0x7FFFFF, v10  }
0x1cc: {  	v23 =	vld.idx.msk [tilespmem:v19+s18+$0x0], $0xffff;
	v19 =	vsub.f32 $1.994903330e+00, v17;
	v17 =	vand.u32 $0x7FFFFF, v13;
	v13 =	vadd.f32 v13, v15  }
0x1cd: {  	v29 =	vmul.f32 $3.368818460e-01, v24;
	v22 =	vadd.s32 v28, v27;
	v17 =	vor.u32 $0x3F800000, v17  }
0x1ce: {  	v18 =	vor.u32 $0x3F800000, v18;
	v32 =	vld.idx.msk [tilespmem:v21+s18+$0x0], $0xffff;
	v11 =	vmul.f32 v11, v19;
	v26 =	vadd.f32 v13, v14  }
0x1cf: {  	v25 =	vmul.f32 $3.368818460e-01, v9;
	v15 =	vmul.f32 $3.368818460e-01, v17;
	v14 =	vand.u32 $0x7FFFFF, v13  }
.Ltmp3:
0x1d0: {  	v21 =	vmul.f32 $3.368818460e-01, v31;
	v27 =	vshra.s32 v13, $0x17;
	v13 =	vor.u32 $0x3F800000, v14;
	(pc) =	sbr.rel @p0 .LBB2_9-.Ltmp3, $4  }
0x1d1: {  	v19 =	vadd.f32 $-1.648992420e+00, v11;
	v11 =	vmul.f32 $3.368818460e-01, v13;
	v14 =	vand.u32 $0x7FFFFF, v26  }
0x1d2: {  	v21 =	vsub.f32 $1.994903330e+00, v21;
	v14 =	vor.u32 $0x3F800000, v14;
	v30 =	vadd.f32 v26, v23  }
0x1d3: {  	v28 =	vsub.f32 $1.994903330e+00, v15;
	v15 =	vsub.f32 $1.994903330e+00, v11;
	v23 =	vmul.f32 $3.368818460e-01, v14  }
0x1d4: {  	v31 =	vmul.f32 v31, v21;
	v21 =	vand.u32 $0x7FFFFF, v30;
	v11 =	vadd.f32 v30, v32;
	v5 =	vld.idx.msk [tilespmem:v5+s17+$0x0], $0xffff  }
0x1d5: {  	v3 =	vsub.f32 $1.994903330e+00, v29  }
0x1d6: {  	v63 =	vmul.f32 $3.368818460e-01, v18;
	v30 =	vshra.s32 v30, $0x17;
	v16 =	vadd.f32 v20, v16  }
0x1d7: {  	v37 =	vshra.s32 v26, $0x17;
	v38 =	vsub.f32 $1.994903330e+00, v25;
	v41 =	vadd.s32 v27, v22  }
0x1d8: {  	v8 =	vshra.s32 v8, $0x17;
	v17 =	vmul.f32 v17, v28;
	v48 =	vsub.f32 $1.994903330e+00, v23  }
0x1d9: {  	v21 =	vor.u32 $0x3F800000, v21;
	v13 =	vmul.f32 v13, v15;
	v31 =	vadd.f32 $-1.648992420e+00, v31  }
0x1da: {  	v32 =	vshra.s32 v11, $0x17;
	v36 =	vand.u32 $0x7FFFFF, v11;
	v51 =	vmul.f32 $3.368818460e-01, v21  }
0x1db: {  	v7 =	vadd.s32 v8, v7;
	v3 =	vmul.f32 v24, v3;
	v11 =	vor.u32 $0x3F800000, v36  }
0x1dc: {  	v40 =	vsub.f32 $1.994903330e+00, v63;
	v9 =	vmul.f32 v9, v38;
	v17 =	vadd.f32 $-1.648992420e+00, v17  }
0x1dd: {  	v4 =	vld.idx.msk [tilespmem:v4+s17+$0x0], $0xffff;
	v14 =	vmul.f32 v14, v48;
	v13 =	vadd.f32 $-1.648992420e+00, v13;
	v6 =	vadd.s32 v6, v7  }
0x1de: {  	v12 =	vadd.f32 v31, v12;
	v39 =	vmul.f32 $3.368818460e-01, v11;
	v54 =	vsub.f32 $1.994903330e+00, v51  }
0x1df: {  	v3 =	vadd.f32 $-1.648992420e+00, v3;
	v5 =	vadd.f32 v10, v5;
	v43 =	vmul.f32 v18, v40  }
0x1e0: {  	v9 =	vadd.f32 $-1.648992420e+00, v9;
	v52 =	vadd.f32 $-1.648992420e+00, v14;
	v10 =	vadd.s32 v37, v41  }
0x1e1: {  	v42 =	vsub.f32 $1.994903330e+00, v39;
	v12 =	vadd.f32 v19, v12;
	v10 =	vadd.s32 v30, v10  }
0x1e2: {  	v7 =	vmul.f32 v21, v54;
	v44 =	vand.u32 $0x7FFFFF, v5;
	v4 =	vadd.f32 v5, v4  }
0x1e3: {  	v3 =	vadd.f32 v3, v16;
	v49 =	vadd.f32 $-1.648992420e+00, v43;
	v45 =	vor.u32 $0x3F800000, v44  }
0x1e4: {  	v5 =	vshra.s32 v5, $0x17;
	v46 =	vmul.f32 $3.368818460e-01, v45;
	v47 =	vand.u32 $0x7FFFFF, v4  }
0x1e5: {  	v59 =	vadd.s32 v32, v10;
	v3 =	vadd.f32 v17, v3;
	v19 =	vor.u32 $0x3F800000, v47  }
0x1e6: {  	v11 =	vmul.f32 v11, v42;
	v16 =	vsub.f32 $1.994903330e+00, v46;
	v50 =	vmul.f32 $3.368818460e-01, v19  }
0x1e7: {  	v9 =	vadd.f32 v9, v12;
	v5 =	vadd.s32 v5, v6;
	v3 =	vadd.f32 v13, v3  }
0x1e8: {  	v60 =	vadd.f32 $-1.648992420e+00, v7;
	v53 =	vsub.f32 $1.994903330e+00, v50;
	v55 =	vmul.f32 v45, v16  }
0x1e9: {  	v63 =	vcvt.s32.f32 v59;
	v4 =	vshra.s32 v4, $0x17;
	v3 =	vadd.f32 v52, v3  }
0x1ea: {  	v58 =	vadd.f32 v49, v9;
	v56 =	vmul.f32 v19, v53;
	v57 =	vadd.f32 $-1.648992420e+00, v55  }
0x1eb: {  	v4 =	vadd.s32 v4, v5;
	v62 =	vadd.f32 $-1.648992420e+00, v11;
	v3 =	vadd.f32 v60, v3  }
0x1ec: {  	v4 =	vcvt.s32.f32 v4;
	v61 =	vadd.f32 $-1.648992420e+00, v56;
	v6 =	vadd.f32 v57, v58  }
0x1ed: {  	v5 =	vadd.f32 $-2.540000000e+04, v63;
	v3 =	vadd.f32 v62, v3  }
0x1ee: {  	v4 =	vadd.f32 $-2.540000000e+04, v4;
	v6 =	vadd.f32 v61, v6  }
0x1ef: {  	v3 =	vadd.f32 v3, v5  }
0x1f0: {  	v4 =	vadd.f32 v6, v4  }
0x1f1: {  	v3 =	vmul.f32 $6.931471820e-01, v3  }
0x1f2: {  	v4 =	vmul.f32 $6.931471820e-01, v4  }
0x1f3: {  	v2 =	vsub.f32 v2, v3  }
0x1f4: {  	s0 =	sor.u32 s4, s30;
	v1 =	vsub.f32 v1, v4  }
0x1f5: {  	s0 =	sshrl.u32 s0, $0x3;
	[tilespmem:$0x14580] =	vst v2  }
0x1f6: {  	s1 =	sadd.s32 s2, s0;
	[tilespmem:$0x14500] =	vst v1  }
0x1f7: {  	[hbm4b:s1+s3] =	stream.linear.scatter [tilespmem:s19], [sflag:$0x5], $0x10, $0x38;
	[tilespmem:$0x14600] =	vst v63  }
0x1f8: {  	s29 =	sadd.s32 $0x1, s29;
	_ =	swait.ge [sflag:s20], $0x10  }
0x1f9: {  	p0 =	sne.s32 s29, $0x4;
	[sflag:s20] =	ssyncset.done $0x0  }
.Ltmp4:
0x1fa: {  	s0 =	sadd.s32 s0, s11;
	[sflag:s20] =	ssyncadd.s32 $0xFFFFFFF0;
	(pc) =	sbr.rel @p0 .LBB2_2-.Ltmp4, $4  }
0x1fb: {  	[hbm4b:s0+s3] =	stream.linear.scatter [tilespmem:s21], [sflag:$0x5], $0x10, $0x38;
	[tilespmem:$0x14600] =	vst v63  }
0x1fc: {  	s26 =	sadd.s32 $0x20, s26;
	_ =	swait.ge [sflag:s20], $0x10  }
0x1fd: {  	s28 =	sadd.s32 $0x20, s28;
	s24 =	sadd.s32 $0x20, s24;
	[sflag:s20] =	ssyncset.done $0x0  }
0x1fe: {  	s23 =	sadd.s32 $0x20, s23;
	s25 =	sadd.s32 $0x20, s25;
	[sflag:s20] =	ssyncadd.s32 $0xFFFFFFF0  }
0x1ff: {  	s22 =	sadd.s32 $0x1, s22  }
0x200: {  	p0 =	sne.s32 s22, s12  }
.Ltmp5:
0x201: {  	_ = 	snop;
	(pc) =	sbr.rel @p0 .LBB2_1-.Ltmp5, $1  }
0x202: {  	_ =	sdelay $0x3  }
0x203: {  	_ =	sfence.sel $0x180000  }
0x204: {  	[bflag:$0x0] =	sbarrier.arrive $0xFFFF  }
0x205: {  	_ =	strace $0x90000047  }
0x206: {  	s0 =	stileid.u32;
	[bflag:$0x2] =	sbarrier.arrive $0xFFFF  }
0x207: {  	p0 =	sne.s32 s0, $0x0;
	s0 =	rddreg [dreg:$0x4]  }
0x208: {  	s0 =	sadd.s32 @!p0 $0x100000, s0  }
0x209: {  	[sflag:s0] =	ssyncadd.tile.s32 @!p0 $0x1;
	_ =	shalt  }
.Lfunc_end2:
_tile_overlayer_lowered:
.L_overlay_start_2:
0x20a: {  	(tag) =	ssettag $0x2  }
0x20b: {  	s0 =	rddreg [dreg:$0x0];
	s2 =	stileid.u32  }
0x20c: {  	s1 =	rddreg [dreg:$0x1];
	p0 =	sne.s32 s2, $0x0  }
0x20d: {  	s3 =	rddreg [dreg:$0x2];
	[bflag:$0x3] =	sbarrier.arrive $0xFFFF;
	s2 =	simm.s32 @!p0 $0x1C05  }
0x20e: {  	[timem:s3], [sflag:s2] =	dma.local @!p0 [hbm:s0], s1  }
0x20f: {  	s0 =	simm.s32 @!p0 $0x5  }
0x210: {  	_ =	swait.ge @!p0 [sflag:s0], s1  }
0x211: {  	s1 =	ssub.s32 @!p0 $0x0, s1;
	[sflag:s0] =	ssyncset.done @!p0 $0x0  }
0x212: {  	[sflag:s0] =	ssyncadd.s32 @!p0 s1  }
0x213: {  	[bflag:$0x3] =	sbarrier.arrive $0xFFFF  }
0x214: {  	_ =	shalt  }

</sc_bundles>
